<compile_context>
chip_gen: v7x
topology: tpu7x:2x2x1
jax: 0.10.2.dev20260603
libtpu: 0.0.44.dev20260713+nightly
codegen_flags: <defaults>
</compile_context>

<pallas_src>
import functools

import jax
import jax.numpy as jnp
from jax import lax
from jax.experimental import pallas as pl
from jax.experimental.pallas import tpu as pltpu
from jax.experimental.pallas import tpu_sc as plsc

_NC = 2
_NS = 16
_NW = _NC * _NS
_L = 16
_B_SUB = 128
_G = 2


def _encoder_body(D, H, b_per_w, n_chunks,
                  tags_p, cats, tag_table, cat_table,
                  out_tags, out_cats,
                  idx0, idx1, cidx_v, gbuf0, gbuf1, obuf0, obuf1, cbuf,
                  sem0, sem1, csem, isem0, isem1, osem0, osem1):
    nd = D // _L
    rows = _G * H
    npc = _B_SUB // _G
    wid = lax.axis_index("s") * _NC + lax.axis_index("c")
    base = wid * b_per_w

    idxs = (idx0, idx1)
    isems = (isem0, isem1)
    obufs = (obuf0, obuf1)
    osems = (osem0, osem1)
    bufs = (gbuf0, gbuf1)
    sems = (sem0, sem1)

    def fire(idx_ref, p, u):
        pltpu.async_copy(
            tag_table.at[idx_ref.at[pl.ds(p * rows, rows)]], bufs[u], sems[u])

    def wait_buf(u):
        pltpu.make_async_copy(
            tag_table.at[pl.ds(0, rows)], bufs[u], sems[u]).wait()

    def idx_start(ch, ph):
        cb = base + ch * _B_SUB
        pltpu.async_copy(
            tags_p.at[pl.ds(cb * H, _B_SUB * H)], idxs[ph], isems[ph])

    def idx_wait(ph):
        pltpu.make_async_copy(
            tags_p.at[pl.ds(0, _B_SUB * H)], idxs[ph], isems[ph]).wait()

    def obuf_drain_start(ch, ph):
        cb = base + ch * _B_SUB
        pltpu.async_copy(obufs[ph], out_tags.at[pl.ds(cb, _B_SUB)], osems[ph])

    def obuf_drain_wait(ph):
        pltpu.make_async_copy(
            obufs[ph], out_tags.at[pl.ds(0, _B_SUB)], osems[ph]).wait()

    def accum(ph, p, u):
        buf = bufs[u]
        zero = jnp.zeros((_L,), jnp.float32)
        for e in range(_G):
            off = e * H

            def add_row(h, carry):
                return tuple(
                    carry[d] + buf[off + h, pl.ds(d * _L, _L)]
                    for d in range(nd))

            acc = lax.fori_loop(0, H, add_row, (zero,) * nd, unroll=8)
            for j in range(nd):
                obufs[ph][_G * p + e, pl.ds(j * _L, _L)] = acc[j]

    pltpu.sync_copy(tags_p.at[pl.ds(base * H, _B_SUB * H)], idx0)
    idx_start(1, 1)
    fire(idx0, 0, 0)

    def chunk_pair(ci, carry):
        for ph in range(2):
            ch = 2 * ci + ph
            cb = base + ch * _B_SUB

            @pl.when(ch >= 2)
            def _():
                obuf_drain_wait(ph)

            pltpu.sync_copy(cats.at[pl.ds(cb, _B_SUB)], cidx_v)
            pltpu.async_copy(cat_table.at[cidx_v], cbuf, csem)

            def group_body(i, c2):
                for u in range(2):
                    g = 2 * i + u

                    @pl.when(g + 1 < npc)
                    def _():
                        fire(idxs[ph], g + 1, (u + 1) % 2)

                    @pl.when((g + 1 == npc) & (ch + 1 < n_chunks))
                    def _():
                        idx_wait(1 - ph)
                        fire(idxs[1 - ph], 0, (u + 1) % 2)

                    wait_buf(u)
                    accum(ph, g, u)
                return c2

            lax.fori_loop(0, npc // 2, group_body, 0)
            obuf_drain_start(ch, ph)
            pltpu.make_async_copy(
                cat_table.at[pl.ds(0, _B_SUB)], cbuf, csem).wait()
            pltpu.sync_copy(cbuf, out_cats.at[pl.ds(cb, _B_SUB)])

            @pl.when(ch + 2 < n_chunks)
            def _():
                idx_start(ch + 2, ph)

        return carry

    lax.fori_loop(0, n_chunks // 2, chunk_pair, 0)
    obuf_drain_wait(0)
    obuf_drain_wait(1)


def kernel(tags, categories, tag_table, cat_table):
    H, B = tags.shape
    V, D = tag_table.shape
    b_per_w = B // _NW
    n_chunks = b_per_w // _B_SUB
    assert n_chunks >= 2 and n_chunks % 2 == 0

    tags_p = tags.T.reshape(-1)

    mesh = plsc.VectorSubcoreMesh(
        core_axis_name="c", subcore_axis_name="s",
        num_cores=_NC, num_subcores=_NS)
    f = pl.kernel(
        functools.partial(_encoder_body, D, H, b_per_w, n_chunks),
        out_type=(jax.ShapeDtypeStruct((B, D), jnp.float32),
                  jax.ShapeDtypeStruct((B, D), jnp.float32)),
        mesh=mesh,
        compiler_params=pltpu.CompilerParams(
            use_tc_tiling_on_sc=False, needs_layout_passes=False),
        scratch_types=[
            pltpu.VMEM((_B_SUB * H,), jnp.int32),
            pltpu.VMEM((_B_SUB * H,), jnp.int32),
            pltpu.VMEM((_B_SUB,), jnp.int32),
            pltpu.VMEM((_G * H, D), jnp.float32),
            pltpu.VMEM((_G * H, D), jnp.float32),
            pltpu.VMEM((_B_SUB, D), jnp.float32),
            pltpu.VMEM((_B_SUB, D), jnp.float32),
            pltpu.VMEM((_B_SUB, D), jnp.float32),
            pltpu.SemaphoreType.DMA,
            pltpu.SemaphoreType.DMA,
            pltpu.SemaphoreType.DMA,
            pltpu.SemaphoreType.DMA,
            pltpu.SemaphoreType.DMA,
            pltpu.SemaphoreType.DMA,
            pltpu.SemaphoreType.DMA,
        ],
    )
    return f(tags_p, categories, tag_table, cat_table)

# --- scband reference (transcript-rebuilt; emitter-appended) ---
"""Pipeline reference for scband-categorical-encoder-23398981828670 (READ-ONLY COPY).

The authoritative reference and input builder live on the scoring server;
editing this copy changes nothing except your own understanding.
"""

import jax, jax.numpy as jnp
import numpy as np

NUM_TAGS = 100000
NUM_CATEGORIES = 1000
EMBED_DIM = 64
HIST_LEN = 200
BATCH = 16384


def setup_inputs(seed: int = 0) -> dict:
    key = jax.random.key(seed)
    k1, k2, k3, k4 = jax.random.split(key, 4)
    tags = jax.random.randint(k1, (HIST_LEN, BATCH), 0, NUM_TAGS, dtype=jnp.int64 if jax.config.jax_enable_x64 else jnp.int32).astype(jnp.int32)
    categories = jax.random.randint(k2, (BATCH,), 0, NUM_CATEGORIES, dtype=jnp.int64 if jax.config.jax_enable_x64 else jnp.int32).astype(jnp.int32)
    tag_table = jax.random.normal(k3, (NUM_TAGS, EMBED_DIM), dtype=jnp.float32)
    cat_table = jax.random.normal(k4, (NUM_CATEGORIES, EMBED_DIM), dtype=jnp.float32)
    return {"tags": tags, "categories": categories, "tag_table": tag_table, "cat_table": cat_table}


def reference(tags, categories, tag_table, cat_table):
    # tag_embedding(tags): gather -> [HIST_LEN, BATCH, EMBED_DIM], then sum over dim=0
    tags_encoded = jnp.sum(jnp.take(tag_table, tags, axis=0), axis=0)
    # category_embedding(categories): gather -> [BATCH, EMBED_DIM]
    categories_encoded = jnp.take(cat_table, categories, axis=0)
    return (tags_encoded, categories_encoded)

if __name__ == "__main__":
    import jax
    _d = setup_inputs()
    print(jax.jit(kernel)(*tuple(_d.values())))

</pallas_src>

<mosaic_0001>
#map = affine_map<(d0, d1) -> (0)>
#map1 = affine_map<(d0, d1) -> (0, 0)>
module attributes {stable_mosaic.version = 14 : i64} {
  func.func @_encoder_body(%arg0: i32, %arg1: i32, %arg2: memref<3276800xi32, #tpu.memory_space<hbm>>, %arg3: memref<16384xi32, #tpu.memory_space<hbm>>, %arg4: memref<100000x64xf32, #tpu.memory_space<hbm>>, %arg5: memref<1000x64xf32, #tpu.memory_space<hbm>>, %arg6: memref<16384x64xf32, #tpu.memory_space<hbm>>, %arg7: memref<16384x64xf32, #tpu.memory_space<hbm>>, %arg8: memref<25600xi32, #tpu.memory_space<vmem>>, %arg9: memref<25600xi32, #tpu.memory_space<vmem>>, %arg10: memref<128xi32, #tpu.memory_space<vmem>>, %arg11: memref<400x64xf32, #tpu.memory_space<vmem>>, %arg12: memref<400x64xf32, #tpu.memory_space<vmem>>, %arg13: memref<128x64xf32, #tpu.memory_space<vmem>>, %arg14: memref<128x64xf32, #tpu.memory_space<vmem>>, %arg15: memref<128x64xf32, #tpu.memory_space<vmem>>, %arg16: memref<!tpu.dma_semaphore, #tpu.memory_space<semaphore_mem>>, %arg17: memref<!tpu.dma_semaphore, #tpu.memory_space<semaphore_mem>>, %arg18: memref<!tpu.dma_semaphore, #tpu.memory_space<semaphore_mem>>, %arg19: memref<!tpu.dma_semaphore, #tpu.memory_space<semaphore_mem>>, %arg20: memref<!tpu.dma_semaphore, #tpu.memory_space<semaphore_mem>>, %arg21: memref<!tpu.dma_semaphore, #tpu.memory_space<semaphore_mem>>, %arg22: memref<!tpu.dma_semaphore, #tpu.memory_space<semaphore_mem>>) attributes {dimension_semantics = [#tpu.dimension_semantics<core_parallel>, #tpu.dimension_semantics<subcore_parallel>], iteration_bounds = array<i64: 2, 16>, scalar_prefetch = 0 : i64, scratch_operands = 15 : i64, tpu.core_type = #tpu.core_type<sc_vector_subcore>, window_params = [{transform_indices = #map}, {transform_indices = #map}, {transform_indices = #map1}, {transform_indices = #map1}, {transform_indices = #map1}, {transform_indices = #map1}]} {
    %mul3A = arith.constant 2 : i32
    %mul3A_0 = arith.muli %arg1, %mul3A : i32
    %add3A = arith.addi %mul3A_0, %arg0 : i32
    %mul3A_1 = arith.constant 512 : i32
    %mul3A_2 = arith.muli %add3A, %mul3A_1 : i32
    %mul3A_3 = arith.constant 200 : i32
    %mul3A_4 = arith.muli %mul3A_2, %mul3A_3 : i32
    "tpu.region"() ({
      %run_scoped3A = tpu.sem_alloc : memref<!tpu.dma_semaphore, #tpu.memory_space<semaphore_mem>>
      %dma_start3A_31 = tpu.memref_slice %arg2[%mul3A_4] : memref<3276800xi32, #tpu.memory_space<hbm>> -> memref<25600xi32, #tpu.memory_space<hbm>>
      %dma_start3A_32 = tpu.memref_slice %arg2[%mul3A_4] : memref<3276800xi32, #tpu.memory_space<hbm>> -> memref<25600xi32, #tpu.memory_space<hbm>>
      tpu.enqueue_dma source(%dma_start3A_32 : memref<25600xi32, #tpu.memory_space<hbm>>) target(%arg8 : memref<25600xi32, #tpu.memory_space<vmem>>) target_semaphore(%run_scoped3A : memref<!tpu.dma_semaphore, #tpu.memory_space<semaphore_mem>>)
      %dma_wait3A_33 = tpu.memref_slice %arg2[%mul3A_4] : memref<3276800xi32, #tpu.memory_space<hbm>> -> memref<25600xi32, #tpu.memory_space<hbm>>
      %dma_wait3A_34 = tpu.memref_slice %arg2[%mul3A_4] : memref<3276800xi32, #tpu.memory_space<hbm>> -> memref<25600xi32, #tpu.memory_space<hbm>>
      tpu.wait_dma2 semaphore(%run_scoped3A : memref<!tpu.dma_semaphore, #tpu.memory_space<semaphore_mem>>) src(%dma_wait3A_34 : memref<25600xi32, #tpu.memory_space<hbm>>) dst(%arg8 : memref<25600xi32, #tpu.memory_space<vmem>>)
      tpu.yield
    }) : () -> ()
    %add3A_5 = arith.constant 128 : i32
    %add3A_6 = arith.addi %mul3A_2, %add3A_5 : i32
    %mul3A_7 = arith.constant 200 : i32
    %mul3A_8 = arith.muli %add3A_6, %mul3A_7 : i32
    %dma_start3A = tpu.memref_slice %arg2[%mul3A_8] : memref<3276800xi32, #tpu.memory_space<hbm>> -> memref<25600xi32, #tpu.memory_space<hbm>>
    %dma_start3A_9 = tpu.memref_slice %arg2[%mul3A_8] : memref<3276800xi32, #tpu.memory_space<hbm>> -> memref<25600xi32, #tpu.memory_space<hbm>>
    tpu.enqueue_dma source(%dma_start3A_9 : memref<25600xi32, #tpu.memory_space<hbm>>) target(%arg9 : memref<25600xi32, #tpu.memory_space<vmem>>) target_semaphore(%arg20 : memref<!tpu.dma_semaphore, #tpu.memory_space<semaphore_mem>>)
    %dma_start3A_10 = arith.constant 0 : i32
    %dma_start3A_11 = tpu.memref_slice %arg8[%dma_start3A_10] : memref<25600xi32, #tpu.memory_space<vmem>> -> memref<400xi32, #tpu.memory_space<vmem>>
    %dma_start3A_12 = arith.constant 0 : i32
    %dma_start3A_13 = arith.constant 0 : i32
    %dma_start3A_14 = tpu.memref_slice %arg4[%dma_start3A_12, %dma_start3A_13] : memref<100000x64xf32, #tpu.memory_space<hbm>> -> memref<100000x64xf32, #tpu.memory_space<hbm>>
    tpu.enqueue_indirect_dma source(%dma_start3A_14 : memref<100000x64xf32, #tpu.memory_space<hbm>>) target(%arg11 : memref<400x64xf32, #tpu.memory_space<vmem>>) offsets(%dma_start3A_11 : memref<400xi32, #tpu.memory_space<vmem>>) semaphore(%arg16 : memref<!tpu.dma_semaphore, #tpu.memory_space<semaphore_mem>>)
    %scan3A = arith.constant 0 : i32
    %scan3A_15 = arith.constant 0 : i32
    %scan3A_16 = arith.constant 2 : i32
    %scan3A_17 = arith.addi %scan3A_15, %scan3A_16 : i32
    %scan3A_18 = arith.constant 1 : i32
    scf.for %scan3A_31 = %scan3A_15 to %scan3A_17 step %scan3A_18  : i32 {
      %mul3A_32 = arith.constant 2 : i32
      %mul3A_33 = arith.muli %mul3A_32, %scan3A_31 : i32
      %add3A_34 = arith.constant 0 : i32
      %add3A_35 = arith.addi %mul3A_33, %add3A_34 : i32
      %mul3A_36 = arith.constant 128 : i32
      %mul3A_37 = arith.muli %add3A_35, %mul3A_36 : i32
      %add3A_38 = arith.addi %mul3A_2, %mul3A_37 : i32
      %ge3A = arith.constant 2 : i32
      %ge3A_39 = arith.cmpi sge, %add3A_35, %ge3A : i32
      %convert_element_type3A = arith.extui %ge3A_39 : i1 to i32
      %cond3A = arith.constant 0 : i32
      %cond3A_40 = arith.cmpi ne, %convert_element_type3A, %cond3A : i32
      scf.if %cond3A_40 {
        %dma_wait3A_110 = arith.constant 0 : i32
        %dma_wait3A_111 = arith.constant 0 : i32
        %dma_wait3A_112 = tpu.memref_slice %arg6[%dma_wait3A_110, %dma_wait3A_111] : memref<16384x64xf32, #tpu.memory_space<hbm>> -> memref<128x64xf32, #tpu.memory_space<hbm>>
        %dma_wait3A_113 = arith.constant 0 : i32
        %dma_wait3A_114 = arith.constant 0 : i32
        %dma_wait3A_115 = tpu.memref_slice %arg6[%dma_wait3A_113, %dma_wait3A_114] : memref<16384x64xf32, #tpu.memory_space<hbm>> -> memref<128x64xf32, #tpu.memory_space<hbm>>
        tpu.wait_dma2 semaphore(%arg21 : memref<!tpu.dma_semaphore, #tpu.memory_space<semaphore_mem>>) src(%arg13 : memref<128x64xf32, #tpu.memory_space<vmem>>) dst(%dma_wait3A_115 : memref<128x64xf32, #tpu.memory_space<hbm>>)
      } else {
      }
      "tpu.region"() ({
        %run_scoped3A = tpu.sem_alloc : memref<!tpu.dma_semaphore, #tpu.memory_space<semaphore_mem>>
        %dma_start3A_110 = tpu.memref_slice %arg3[%add3A_38] : memref<16384xi32, #tpu.memory_space<hbm>> -> memref<128xi32, #tpu.memory_space<hbm>>
        %dma_start3A_111 = tpu.memref_slice %arg3[%add3A_38] : memref<16384xi32, #tpu.memory_space<hbm>> -> memref<128xi32, #tpu.memory_space<hbm>>
        tpu.enqueue_dma source(%dma_start3A_111 : memref<128xi32, #tpu.memory_space<hbm>>) target(%arg10 : memref<128xi32, #tpu.memory_space<vmem>>) target_semaphore(%run_scoped3A : memref<!tpu.dma_semaphore, #tpu.memory_space<semaphore_mem>>)
        %dma_wait3A_112 = tpu.memref_slice %arg3[%add3A_38] : memref<16384xi32, #tpu.memory_space<hbm>> -> memref<128xi32, #tpu.memory_space<hbm>>
        %dma_wait3A_113 = tpu.memref_slice %arg3[%add3A_38] : memref<16384xi32, #tpu.memory_space<hbm>> -> memref<128xi32, #tpu.memory_space<hbm>>
        tpu.wait_dma2 semaphore(%run_scoped3A : memref<!tpu.dma_semaphore, #tpu.memory_space<semaphore_mem>>) src(%dma_wait3A_113 : memref<128xi32, #tpu.memory_space<hbm>>) dst(%arg10 : memref<128xi32, #tpu.memory_space<vmem>>)
        tpu.yield
      }) : () -> ()
      %dma_start3A_41 = arith.constant 0 : i32
      %dma_start3A_42 = arith.constant 0 : i32
      %dma_start3A_43 = tpu.memref_slice %arg5[%dma_start3A_41, %dma_start3A_42] : memref<1000x64xf32, #tpu.memory_space<hbm>> -> memref<1000x64xf32, #tpu.memory_space<hbm>>
      tpu.enqueue_indirect_dma source(%dma_start3A_43 : memref<1000x64xf32, #tpu.memory_space<hbm>>) target(%arg15 : memref<128x64xf32, #tpu.memory_space<vmem>>) offsets(%arg10 : memref<128xi32, #tpu.memory_space<vmem>>) semaphore(%arg18 : memref<!tpu.dma_semaphore, #tpu.memory_space<semaphore_mem>>)
      %scan3A_44 = arith.constant 0 : i32
      %scan3A_45 = arith.constant 0 : i32
      %scan3A_46 = arith.constant 32 : i32
      %scan3A_47 = arith.addi %scan3A_45, %scan3A_46 : i32
      %scan3A_48 = arith.constant 1 : i32
      scf.for %scan3A_110 = %scan3A_45 to %scan3A_47 step %scan3A_48  : i32 {
        %mul3A_111 = arith.constant 2 : i32
        %mul3A_112 = arith.muli %mul3A_111, %scan3A_110 : i32
        %add3A_113 = arith.constant 0 : i32
        %add3A_114 = arith.addi %mul3A_112, %add3A_113 : i32
        %add3A_115 = arith.constant 1 : i32
        %add3A_116 = arith.addi %add3A_114, %add3A_115 : i32
        %lt3A_117 = arith.constant 64 : i32
        %lt3A_118 = arith.cmpi slt, %add3A_116, %lt3A_117 : i32
        %convert_element_type3A_119 = arith.extui %lt3A_118 : i1 to i32
        %cond3A_120 = arith.constant 0 : i32
        %cond3A_121 = arith.cmpi ne, %convert_element_type3A_119, %cond3A_120 : i32
        scf.if %cond3A_121 {
          %add3A_305 = arith.constant 1 : i32
          %add3A_306 = arith.addi %add3A_114, %add3A_305 : i32
          %mul3A_307 = arith.constant 400 : i32
          %mul3A_308 = arith.muli %add3A_306, %mul3A_307 : i32
          %dma_start3A_309 = tpu.memref_slice %arg8[%mul3A_308] : memref<25600xi32, #tpu.memory_space<vmem>> -> memref<400xi32, #tpu.memory_space<vmem>>
          %dma_start3A_310 = arith.constant 0 : i32
          %dma_start3A_311 = arith.constant 0 : i32
          %dma_start3A_312 = tpu.memref_slice %arg4[%dma_start3A_310, %dma_start3A_311] : memref<100000x64xf32, #tpu.memory_space<hbm>> -> memref<100000x64xf32, #tpu.memory_space<hbm>>
          tpu.enqueue_indirect_dma source(%dma_start3A_312 : memref<100000x64xf32, #tpu.memory_space<hbm>>) target(%arg12 : memref<400x64xf32, #tpu.memory_space<vmem>>) offsets(%dma_start3A_309 : memref<400xi32, #tpu.memory_space<vmem>>) semaphore(%arg17 : memref<!tpu.dma_semaphore, #tpu.memory_space<semaphore_mem>>)
        } else {
        }
        %add3A_122 = arith.constant 1 : i32
        %add3A_123 = arith.addi %add3A_114, %add3A_122 : i32
        %eq3A = arith.constant 64 : i32
        %eq3A_124 = arith.cmpi eq, %add3A_123, %eq3A : i32
        %add3A_125 = arith.constant 1 : i32
        %add3A_126 = arith.addi %add3A_35, %add3A_125 : i32
        %lt3A_127 = arith.constant 4 : i32
        %lt3A_128 = arith.cmpi slt, %add3A_126, %lt3A_127 : i32
        %and3A = arith.andi %eq3A_124, %lt3A_128 : i1
        %convert_element_type3A_129 = arith.extui %and3A : i1 to i32
        %cond3A_130 = arith.constant 0 : i32
        %cond3A_131 = arith.cmpi ne, %convert_element_type3A_129, %cond3A_130 : i32
        scf.if %cond3A_131 {
          %dma_wait3A_305 = arith.constant 0 : i32
          %dma_wait3A_306 = tpu.memref_slice %arg2[%dma_wait3A_305] : memref<3276800xi32, #tpu.memory_space<hbm>> -> memref<25600xi32, #tpu.memory_space<hbm>>
          %dma_wait3A_307 = arith.constant 0 : i32
          %dma_wait3A_308 = tpu.memref_slice %arg2[%dma_wait3A_307] : memref<3276800xi32, #tpu.memory_space<hbm>> -> memref<25600xi32, #tpu.memory_space<hbm>>
          tpu.wait_dma2 semaphore(%arg20 : memref<!tpu.dma_semaphore, #tpu.memory_space<semaphore_mem>>) src(%dma_wait3A_308 : memref<25600xi32, #tpu.memory_space<hbm>>) dst(%arg9 : memref<25600xi32, #tpu.memory_space<vmem>>)
          %dma_start3A_309 = arith.constant 0 : i32
          %dma_start3A_310 = tpu.memref_slice %arg9[%dma_start3A_309] : memref<25600xi32, #tpu.memory_space<vmem>> -> memref<400xi32, #tpu.memory_space<vmem>>
          %dma_start3A_311 = arith.constant 0 : i32
          %dma_start3A_312 = arith.constant 0 : i32
          %dma_start3A_313 = tpu.memref_slice %arg4[%dma_start3A_311, %dma_start3A_312] : memref<100000x64xf32, #tpu.memory_space<hbm>> -> memref<100000x64xf32, #tpu.memory_space<hbm>>
          tpu.enqueue_indirect_dma source(%dma_start3A_313 : memref<100000x64xf32, #tpu.memory_space<hbm>>) target(%arg12 : memref<400x64xf32, #tpu.memory_space<vmem>>) offsets(%dma_start3A_310 : memref<400xi32, #tpu.memory_space<vmem>>) semaphore(%arg17 : memref<!tpu.dma_semaphore, #tpu.memory_space<semaphore_mem>>)
        } else {
        }
        %dma_wait3A_132 = arith.constant 0 : i32
        %dma_wait3A_133 = arith.constant 0 : i32
        %dma_wait3A_134 = tpu.memref_slice %arg4[%dma_wait3A_132, %dma_wait3A_133] : memref<100000x64xf32, #tpu.memory_space<hbm>> -> memref<400x64xf32, #tpu.memory_space<hbm>>
        %dma_wait3A_135 = arith.constant 0 : i32
        %dma_wait3A_136 = arith.constant 0 : i32
        %dma_wait3A_137 = tpu.memref_slice %arg4[%dma_wait3A_135, %dma_wait3A_136] : memref<100000x64xf32, #tpu.memory_space<hbm>> -> memref<400x64xf32, #tpu.memory_space<hbm>>
        tpu.wait_dma2 semaphore(%arg16 : memref<!tpu.dma_semaphore, #tpu.memory_space<semaphore_mem>>) src(%dma_wait3A_137 : memref<400x64xf32, #tpu.memory_space<hbm>>) dst(%arg11 : memref<400x64xf32, #tpu.memory_space<vmem>>)
        %broadcast_in_dim3A = arith.constant 0.000000e+00 : f32
        %broadcast_in_dim3A_138 = vector.broadcast %broadcast_in_dim3A : f32 to vector<16xf32>
        %scan3A_139 = arith.constant 0 : i32
        %scan3A_140 = arith.constant 200 : i32
        %scan3A_141 = arith.addi %scan3A_139, %scan3A_140 : i32
        %scan3A_142 = arith.constant 8 : i32
        %scan3A_143:4 = scf.for %scan3A_305 = %scan3A_139 to %scan3A_141 step %scan3A_142 iter_args(%scan3A_306 = %broadcast_in_dim3A_138, %scan3A_307 = %broadcast_in_dim3A_138, %scan3A_308 = %broadcast_in_dim3A_138, %scan3A_309 = %broadcast_in_dim3A_138) -> (vector<16xf32>, vector<16xf32>, vector<16xf32>, vector<16xf32>)  : i32 {
          %add3A_310 = arith.constant 0 : i32
          %add3A_311 = arith.addi %add3A_310, %scan3A_305 : i32
          %get3A = arith.index_cast %add3A_311 : i32 to index
          %get3A_312 = arith.constant 0 : index
          %get3A_313 = tpu.vector_load %arg11[%get3A, %get3A_312] {strides = array<i32>} : memref<400x64xf32, #tpu.memory_space<vmem>>, vector<16xf32>,
          %add3A_314 = arith.addf %scan3A_306, %get3A_313 : vector<16xf32>
          %add3A_315 = arith.constant 0 : i32
          %add3A_316 = arith.addi %add3A_315, %scan3A_305 : i32
          %get3A_317 = arith.index_cast %add3A_316 : i32 to index
          %get3A_318 = arith.constant 16 : index
          %get3A_319 = tpu.vector_load %arg11[%get3A_317, %get3A_318] {strides = array<i32>} : memref<400x64xf32, #tpu.memory_space<vmem>>, vector<16xf32>,
          %add3A_320 = arith.addf %scan3A_307, %get3A_319 : vector<16xf32>
          %add3A_321 = arith.constant 0 : i32
          %add3A_322 = arith.addi %add3A_321, %scan3A_305 : i32
          %get3A_323 = arith.index_cast %add3A_322 : i32 to index
          %get3A_324 = arith.constant 32 : index
          %get3A_325 = tpu.vector_load %arg11[%get3A_323, %get3A_324] {strides = array<i32>} : memref<400x64xf32, #tpu.memory_space<vmem>>, vector<16xf32>,
          %add3A_326 = arith.addf %scan3A_308, %get3A_325 : vector<16xf32>
          %add3A_327 = arith.constant 0 : i32
          %add3A_328 = arith.addi %add3A_327, %scan3A_305 : i32
          %get3A_329 = arith.index_cast %add3A_328 : i32 to index
          %get3A_330 = arith.constant 48 : index
          %get3A_331 = tpu.vector_load %arg11[%get3A_329, %get3A_330] {strides = array<i32>} : memref<400x64xf32, #tpu.memory_space<vmem>>, vector<16xf32>,
          %add3A_332 = arith.addf %scan3A_309, %get3A_331 : vector<16xf32>
          %scan3A_333 = arith.constant 1 : i32
          %scan3A_334 = arith.addi %scan3A_305, %scan3A_333 : i32
          %add3A_335 = arith.constant 0 : i32
          %add3A_336 = arith.addi %add3A_335, %scan3A_334 : i32
          %get3A_337 = arith.index_cast %add3A_336 : i32 to index
          %get3A_338 = arith.constant 0 : index
          %get3A_339 = tpu.vector_load %arg11[%get3A_337, %get3A_338] {strides = array<i32>} : memref<400x64xf32, #tpu.memory_space<vmem>>, vector<16xf32>,
          %add3A_340 = arith.addf %add3A_314, %get3A_339 : vector<16xf32>
          %add3A_341 = arith.constant 0 : i32
          %add3A_342 = arith.addi %add3A_341, %scan3A_334 : i32
          %get3A_343 = arith.index_cast %add3A_342 : i32 to index
          %get3A_344 = arith.constant 16 : index
          %get3A_345 = tpu.vector_load %arg11[%get3A_343, %get3A_344] {strides = array<i32>} : memref<400x64xf32, #tpu.memory_space<vmem>>, vector<16xf32>,
          %add3A_346 = arith.addf %add3A_320, %get3A_345 : vector<16xf32>
          %add3A_347 = arith.constant 0 : i32
          %add3A_348 = arith.addi %add3A_347, %scan3A_334 : i32
          %get3A_349 = arith.index_cast %add3A_348 : i32 to index
          %get3A_350 = arith.constant 32 : index
          %get3A_351 = tpu.vector_load %arg11[%get3A_349, %get3A_350] {strides = array<i32>} : memref<400x64xf32, #tpu.memory_space<vmem>>, vector<16xf32>,
          %add3A_352 = arith.addf %add3A_326, %get3A_351 : vector<16xf32>
          %add3A_353 = arith.constant 0 : i32
          %add3A_354 = arith.addi %add3A_353, %scan3A_334 : i32
          %get3A_355 = arith.index_cast %add3A_354 : i32 to index
          %get3A_356 = arith.constant 48 : index
          %get3A_357 = tpu.vector_load %arg11[%get3A_355, %get3A_356] {strides = array<i32>} : memref<400x64xf32, #tpu.memory_space<vmem>>, vector<16xf32>,
          %add3A_358 = arith.addf %add3A_332, %get3A_357 : vector<16xf32>
          %scan3A_359 = arith.constant 2 : i32
          %scan3A_360 = arith.addi %scan3A_305, %scan3A_359 : i32
          %add3A_361 = arith.constant 0 : i32
          %add3A_362 = arith.addi %add3A_361, %scan3A_360 : i32
          %get3A_363 = arith.index_cast %add3A_362 : i32 to index
          %get3A_364 = arith.constant 0 : index
          %get3A_365 = tpu.vector_load %arg11[%get3A_363, %get3A_364] {strides = array<i32>} : memref<400x64xf32, #tpu.memory_space<vmem>>, vector<16xf32>,
          %add3A_366 = arith.addf %add3A_340, %get3A_365 : vector<16xf32>
          %add3A_367 = arith.constant 0 : i32
          %add3A_368 = arith.addi %add3A_367, %scan3A_360 : i32
          %get3A_369 = arith.index_cast %add3A_368 : i32 to index
          %get3A_370 = arith.constant 16 : index
          %get3A_371 = tpu.vector_load %arg11[%get3A_369, %get3A_370] {strides = array<i32>} : memref<400x64xf32, #tpu.memory_space<vmem>>, vector<16xf32>,
          %add3A_372 = arith.addf %add3A_346, %get3A_371 : vector<16xf32>
          %add3A_373 = arith.constant 0 : i32
          %add3A_374 = arith.addi %add3A_373, %scan3A_360 : i32
          %get3A_375 = arith.index_cast %add3A_374 : i32 to index
          %get3A_376 = arith.constant 32 : index
          %get3A_377 = tpu.vector_load %arg11[%get3A_375, %get3A_376] {strides = array<i32>} : memref<400x64xf32, #tpu.memory_space<vmem>>, vector<16xf32>,
          %add3A_378 = arith.addf %add3A_352, %get3A_377 : vector<16xf32>
          %add3A_379 = arith.constant 0 : i32
          %add3A_380 = arith.addi %add3A_379, %scan3A_360 : i32
          %get3A_381 = arith.index_cast %add3A_380 : i32 to index
          %get3A_382 = arith.constant 48 : index
          %get3A_383 = tpu.vector_load %arg11[%get3A_381, %get3A_382] {strides = array<i32>} : memref<400x64xf32, #tpu.memory_space<vmem>>, vector<16xf32>,
          %add3A_384 = arith.addf %add3A_358, %get3A_383 : vector<16xf32>
          %scan3A_385 = arith.constant 3 : i32
          %scan3A_386 = arith.addi %scan3A_305, %scan3A_385 : i32
          %add3A_387 = arith.constant 0 : i32
          %add3A_388 = arith.addi %add3A_387, %scan3A_386 : i32
          %get3A_389 = arith.index_cast %add3A_388 : i32 to index
          %get3A_390 = arith.constant 0 : index
          %get3A_391 = tpu.vector_load %arg11[%get3A_389, %get3A_390] {strides = array<i32>} : memref<400x64xf32, #tpu.memory_space<vmem>>, vector<16xf32>,
          %add3A_392 = arith.addf %add3A_366, %get3A_391 : vector<16xf32>
          %add3A_393 = arith.constant 0 : i32
          %add3A_394 = arith.addi %add3A_393, %scan3A_386 : i32
          %get3A_395 = arith.index_cast %add3A_394 : i32 to index
          %get3A_396 = arith.constant 16 : index
          %get3A_397 = tpu.vector_load %arg11[%get3A_395, %get3A_396] {strides = array<i32>} : memref<400x64xf32, #tpu.memory_space<vmem>>, vector<16xf32>,
          %add3A_398 = arith.addf %add3A_372, %get3A_397 : vector<16xf32>
          %add3A_399 = arith.constant 0 : i32
          %add3A_400 = arith.addi %add3A_399, %scan3A_386 : i32
          %get3A_401 = arith.index_cast %add3A_400 : i32 to index
          %get3A_402 = arith.constant 32 : index
          %get3A_403 = tpu.vector_load %arg11[%get3A_401, %get3A_402] {strides = array<i32>} : memref<400x64xf32, #tpu.memory_space<vmem>>, vector<16xf32>,
          %add3A_404 = arith.addf %add3A_378, %get3A_403 : vector<16xf32>
          %add3A_405 = arith.constant 0 : i32
          %add3A_406 = arith.addi %add3A_405, %scan3A_386 : i32
          %get3A_407 = arith.index_cast %add3A_406 : i32 to index
          %get3A_408 = arith.constant 48 : index
          %get3A_409 = tpu.vector_load %arg11[%get3A_407, %get3A_408] {strides = array<i32>} : memref<400x64xf32, #tpu.memory_space<vmem>>, vector<16xf32>,
          %add3A_410 = arith.addf %add3A_384, %get3A_409 : vector<16xf32>
          %scan3A_411 = arith.constant 4 : i32
          %scan3A_412 = arith.addi %scan3A_305, %scan3A_411 : i32
          %add3A_413 = arith.constant 0 : i32
          %add3A_414 = arith.addi %add3A_413, %scan3A_412 : i32
          %get3A_415 = arith.index_cast %add3A_414 : i32 to index
          %get3A_416 = arith.constant 0 : index
          %get3A_417 = tpu.vector_load %arg11[%get3A_415, %get3A_416] {strides = array<i32>} : memref<400x64xf32, #tpu.memory_space<vmem>>, vector<16xf32>,
          %add3A_418 = arith.addf %add3A_392, %get3A_417 : vector<16xf32>
          %add3A_419 = arith.constant 0 : i32
          %add3A_420 = arith.addi %add3A_419, %scan3A_412 : i32
          %get3A_421 = arith.index_cast %add3A_420 : i32 to index
          %get3A_422 = arith.constant 16 : index
          %get3A_423 = tpu.vector_load %arg11[%get3A_421, %get3A_422] {strides = array<i32>} : memref<400x64xf32, #tpu.memory_space<vmem>>, vector<16xf32>,
          %add3A_424 = arith.addf %add3A_398, %get3A_423 : vector<16xf32>
          %add3A_425 = arith.constant 0 : i32
          %add3A_426 = arith.addi %add3A_425, %scan3A_412 : i32
          %get3A_427 = arith.index_cast %add3A_426 : i32 to index
          %get3A_428 = arith.constant 32 : index
          %get3A_429 = tpu.vector_load %arg11[%get3A_427, %get3A_428] {strides = array<i32>} : memref<400x64xf32, #tpu.memory_space<vmem>>, vector<16xf32>,
          %add3A_430 = arith.addf %add3A_404, %get3A_429 : vector<16xf32>
          %add3A_431 = arith.constant 0 : i32
          %add3A_432 = arith.addi %add3A_431, %scan3A_412 : i32
          %get3A_433 = arith.index_cast %add3A_432 : i32 to index
          %get3A_434 = arith.constant 48 : index
          %get3A_435 = tpu.vector_load %arg11[%get3A_433, %get3A_434] {strides = array<i32>} : memref<400x64xf32, #tpu.memory_space<vmem>>, vector<16xf32>,
          %add3A_436 = arith.addf %add3A_410, %get3A_435 : vector<16xf32>
          %scan3A_437 = arith.constant 5 : i32
          %scan3A_438 = arith.addi %scan3A_305, %scan3A_437 : i32
          %add3A_439 = arith.constant 0 : i32
          %add3A_440 = arith.addi %add3A_439, %scan3A_438 : i32
          %get3A_441 = arith.index_cast %add3A_440 : i32 to index
          %get3A_442 = arith.constant 0 : index
          %get3A_443 = tpu.vector_load %arg11[%get3A_441, %get3A_442] {strides = array<i32>} : memref<400x64xf32, #tpu.memory_space<vmem>>, vector<16xf32>,
          %add3A_444 = arith.addf %add3A_418, %get3A_443 : vector<16xf32>
          %add3A_445 = arith.constant 0 : i32
          %add3A_446 = arith.addi %add3A_445, %scan3A_438 : i32
          %get3A_447 = arith.index_cast %add3A_446 : i32 to index
          %get3A_448 = arith.constant 16 : index
          %get3A_449 = tpu.vector_load %arg11[%get3A_447, %get3A_448] {strides = array<i32>} : memref<400x64xf32, #tpu.memory_space<vmem>>, vector<16xf32>,
          %add3A_450 = arith.addf %add3A_424, %get3A_449 : vector<16xf32>
          %add3A_451 = arith.constant 0 : i32
          %add3A_452 = arith.addi %add3A_451, %scan3A_438 : i32
          %get3A_453 = arith.index_cast %add3A_452 : i32 to index
          %get3A_454 = arith.constant 32 : index
          %get3A_455 = tpu.vector_load %arg11[%get3A_453, %get3A_454] {strides = array<i32>} : memref<400x64xf32, #tpu.memory_space<vmem>>, vector<16xf32>,
          %add3A_456 = arith.addf %add3A_430, %get3A_455 : vector<16xf32>
          %add3A_457 = arith.constant 0 : i32
          %add3A_458 = arith.addi %add3A_457, %scan3A_438 : i32
          %get3A_459 = arith.index_cast %add3A_458 : i32 to index
          %get3A_460 = arith.constant 48 : index
          %get3A_461 = tpu.vector_load %arg11[%get3A_459, %get3A_460] {strides = array<i32>} : memref<400x64xf32, #tpu.memory_space<vmem>>, vector<16xf32>,
          %add3A_462 = arith.addf %add3A_436, %get3A_461 : vector<16xf32>
          %scan3A_463 = arith.constant 6 : i32
          %scan3A_464 = arith.addi %scan3A_305, %scan3A_463 : i32
          %add3A_465 = arith.constant 0 : i32
          %add3A_466 = arith.addi %add3A_465, %scan3A_464 : i32
          %get3A_467 = arith.index_cast %add3A_466 : i32 to index
          %get3A_468 = arith.constant 0 : index
          %get3A_469 = tpu.vector_load %arg11[%get3A_467, %get3A_468] {strides = array<i32>} : memref<400x64xf32, #tpu.memory_space<vmem>>, vector<16xf32>,
          %add3A_470 = arith.addf %add3A_444, %get3A_469 : vector<16xf32>
          %add3A_471 = arith.constant 0 : i32
          %add3A_472 = arith.addi %add3A_471, %scan3A_464 : i32
          %get3A_473 = arith.index_cast %add3A_472 : i32 to index
          %get3A_474 = arith.constant 16 : index
          %get3A_475 = tpu.vector_load %arg11[%get3A_473, %get3A_474] {strides = array<i32>} : memref<400x64xf32, #tpu.memory_space<vmem>>, vector<16xf32>,
          %add3A_476 = arith.addf %add3A_450, %get3A_475 : vector<16xf32>
          %add3A_477 = arith.constant 0 : i32
          %add3A_478 = arith.addi %add3A_477, %scan3A_464 : i32
          %get3A_479 = arith.index_cast %add3A_478 : i32 to index
          %get3A_480 = arith.constant 32 : index
          %get3A_481 = tpu.vector_load %arg11[%get3A_479, %get3A_480] {strides = array<i32>} : memref<400x64xf32, #tpu.memory_space<vmem>>, vector<16xf32>,
          %add3A_482 = arith.addf %add3A_456, %get3A_481 : vector<16xf32>
          %add3A_483 = arith.constant 0 : i32
          %add3A_484 = arith.addi %add3A_483, %scan3A_464 : i32
          %get3A_485 = arith.index_cast %add3A_484 : i32 to index
          %get3A_486 = arith.constant 48 : index
          %get3A_487 = tpu.vector_load %arg11[%get3A_485, %get3A_486] {strides = array<i32>} : memref<400x64xf32, #tpu.memory_space<vmem>>, vector<16xf32>,
          %add3A_488 = arith.addf %add3A_462, %get3A_487 : vector<16xf32>
          %scan3A_489 = arith.constant 7 : i32
          %scan3A_490 = arith.addi %scan3A_305, %scan3A_489 : i32
          %add3A_491 = arith.constant 0 : i32
          %add3A_492 = arith.addi %add3A_491, %scan3A_490 : i32
          %get3A_493 = arith.index_cast %add3A_492 : i32 to index
          %get3A_494 = arith.constant 0 : index
          %get3A_495 = tpu.vector_load %arg11[%get3A_493, %get3A_494] {strides = array<i32>} : memref<400x64xf32, #tpu.memory_space<vmem>>, vector<16xf32>,
          %add3A_496 = arith.addf %add3A_470, %get3A_495 : vector<16xf32>
          %add3A_497 = arith.constant 0 : i32
          %add3A_498 = arith.addi %add3A_497, %scan3A_490 : i32
          %get3A_499 = arith.index_cast %add3A_498 : i32 to index
          %get3A_500 = arith.constant 16 : index
          %get3A_501 = tpu.vector_load %arg11[%get3A_499, %get3A_500] {strides = array<i32>} : memref<400x64xf32, #tpu.memory_space<vmem>>, vector<16xf32>,
          %add3A_502 = arith.addf %add3A_476, %get3A_501 : vector<16xf32>
          %add3A_503 = arith.constant 0 : i32
          %add3A_504 = arith.addi %add3A_503, %scan3A_490 : i32
          %get3A_505 = arith.index_cast %add3A_504 : i32 to index
          %get3A_506 = arith.constant 32 : index
          %get3A_507 = tpu.vector_load %arg11[%get3A_505, %get3A_506] {strides = array<i32>} : memref<400x64xf32, #tpu.memory_space<vmem>>, vector<16xf32>,
          %add3A_508 = arith.addf %add3A_482, %get3A_507 : vector<16xf32>
          %add3A_509 = arith.constant 0 : i32
          %add3A_510 = arith.addi %add3A_509, %scan3A_490 : i32
          %get3A_511 = arith.index_cast %add3A_510 : i32 to index
          %get3A_512 = arith.constant 48 : index
          %get3A_513 = tpu.vector_load %arg11[%get3A_511, %get3A_512] {strides = array<i32>} : memref<400x64xf32, #tpu.memory_space<vmem>>, vector<16xf32>,
          %add3A_514 = arith.addf %add3A_488, %get3A_513 : vector<16xf32>
          scf.yield %add3A_496, %add3A_502, %add3A_508, %add3A_514 : vector<16xf32>, vector<16xf32>, vector<16xf32>, vector<16xf32>
        }
        %scan3A_144 = arith.constant 200 : i32
        %mul3A_145 = arith.constant 2 : i32
        %mul3A_146 = arith.muli %mul3A_145, %add3A_114 : i32
        %add3A_147 = arith.constant 0 : i32
        %add3A_148 = arith.addi %mul3A_146, %add3A_147 : i32
        %swap3A = arith.index_cast %add3A_148 : i32 to index
        %swap3A_149 = arith.constant 0 : index
        %swap3A_150 = tpu.vector_load %arg13[%swap3A, %swap3A_149] {strides = array<i32>} : memref<128x64xf32, #tpu.memory_space<vmem>>, vector<16xf32>,
        tpu.vector_store %arg13[%swap3A, %swap3A_149], %scan3A_143#0 {strides = array<i32>} : memref<128x64xf32, #tpu.memory_space<vmem>>, vector<16xf32>,
        %mul3A_151 = arith.constant 2 : i32
        %mul3A_152 = arith.muli %mul3A_151, %add3A_114 : i32
        %add3A_153 = arith.constant 0 : i32
        %add3A_154 = arith.addi %mul3A_152, %add3A_153 : i32
        %swap3A_155 = arith.index_cast %add3A_154 : i32 to index
        %swap3A_156 = arith.constant 16 : index
        %swap3A_157 = tpu.vector_load %arg13[%swap3A_155, %swap3A_156] {strides = array<i32>} : memref<128x64xf32, #tpu.memory_space<vmem>>, vector<16xf32>,
        tpu.vector_store %arg13[%swap3A_155, %swap3A_156], %scan3A_143#1 {strides = array<i32>} : memref<128x64xf32, #tpu.memory_space<vmem>>, vector<16xf32>,
        %mul3A_158 = arith.constant 2 : i32
        %mul3A_159 = arith.muli %mul3A_158, %add3A_114 : i32
        %add3A_160 = arith.constant 0 : i32
        %add3A_161 = arith.addi %mul3A_159, %add3A_160 : i32
        %swap3A_162 = arith.index_cast %add3A_161 : i32 to index
        %swap3A_163 = arith.constant 32 : index
        %swap3A_164 = tpu.vector_load %arg13[%swap3A_162, %swap3A_163] {strides = array<i32>} : memref<128x64xf32, #tpu.memory_space<vmem>>, vector<16xf32>,
        tpu.vector_store %arg13[%swap3A_162, %swap3A_163], %scan3A_143#2 {strides = array<i32>} : memref<128x64xf32, #tpu.memory_space<vmem>>, vector<16xf32>,
        %mul3A_165 = arith.constant 2 : i32
        %mul3A_166 = arith.muli %mul3A_165, %add3A_114 : i32
        %add3A_167 = arith.constant 0 : i32
        %add3A_168 = arith.addi %mul3A_166, %add3A_167 : i32
        %swap3A_169 = arith.index_cast %add3A_168 : i32 to index
        %swap3A_170 = arith.constant 48 : index
        %swap3A_171 = tpu.vector_load %arg13[%swap3A_169, %swap3A_170] {strides = array<i32>} : memref<128x64xf32, #tpu.memory_space<vmem>>, vector<16xf32>,
        tpu.vector_store %arg13[%swap3A_169, %swap3A_170], %scan3A_143#3 {strides = array<i32>} : memref<128x64xf32, #tpu.memory_space<vmem>>, vector<16xf32>,
        %scan3A_172 = arith.constant 0 : i32
        %scan3A_173 = arith.constant 200 : i32
        %scan3A_174 = arith.addi %scan3A_172, %scan3A_173 : i32
        %scan3A_175 = arith.constant 8 : i32
        %scan3A_176:4 = scf.for %scan3A_305 = %scan3A_172 to %scan3A_174 step %scan3A_175 iter_args(%scan3A_306 = %broadcast_in_dim3A_138, %scan3A_307 = %broadcast_in_dim3A_138, %scan3A_308 = %broadcast_in_dim3A_138, %scan3A_309 = %broadcast_in_dim3A_138) -> (vector<16xf32>, vector<16xf32>, vector<16xf32>, vector<16xf32>)  : i32 {
          %add3A_310 = arith.constant 200 : i32
          %add3A_311 = arith.addi %add3A_310, %scan3A_305 : i32
          %get3A = arith.index_cast %add3A_311 : i32 to index
          %get3A_312 = arith.constant 0 : index
          %get3A_313 = tpu.vector_load %arg11[%get3A, %get3A_312] {strides = array<i32>} : memref<400x64xf32, #tpu.memory_space<vmem>>, vector<16xf32>,
          %add3A_314 = arith.addf %scan3A_306, %get3A_313 : vector<16xf32>
          %add3A_315 = arith.constant 200 : i32
          %add3A_316 = arith.addi %add3A_315, %scan3A_305 : i32
          %get3A_317 = arith.index_cast %add3A_316 : i32 to index
          %get3A_318 = arith.constant 16 : index
          %get3A_319 = tpu.vector_load %arg11[%get3A_317, %get3A_318] {strides = array<i32>} : memref<400x64xf32, #tpu.memory_space<vmem>>, vector<16xf32>,
          %add3A_320 = arith.addf %scan3A_307, %get3A_319 : vector<16xf32>
          %add3A_321 = arith.constant 200 : i32
          %add3A_322 = arith.addi %add3A_321, %scan3A_305 : i32
          %get3A_323 = arith.index_cast %add3A_322 : i32 to index
          %get3A_324 = arith.constant 32 : index
          %get3A_325 = tpu.vector_load %arg11[%get3A_323, %get3A_324] {strides = array<i32>} : memref<400x64xf32, #tpu.memory_space<vmem>>, vector<16xf32>,
          %add3A_326 = arith.addf %scan3A_308, %get3A_325 : vector<16xf32>
          %add3A_327 = arith.constant 200 : i32
          %add3A_328 = arith.addi %add3A_327, %scan3A_305 : i32
          %get3A_329 = arith.index_cast %add3A_328 : i32 to index
          %get3A_330 = arith.constant 48 : index
          %get3A_331 = tpu.vector_load %arg11[%get3A_329, %get3A_330] {strides = array<i32>} : memref<400x64xf32, #tpu.memory_space<vmem>>, vector<16xf32>,
          %add3A_332 = arith.addf %scan3A_309, %get3A_331 : vector<16xf32>
          %scan3A_333 = arith.constant 1 : i32
          %scan3A_334 = arith.addi %scan3A_305, %scan3A_333 : i32
          %add3A_335 = arith.constant 200 : i32
          %add3A_336 = arith.addi %add3A_335, %scan3A_334 : i32
          %get3A_337 = arith.index_cast %add3A_336 : i32 to index
          %get3A_338 = arith.constant 0 : index
          %get3A_339 = tpu.vector_load %arg11[%get3A_337, %get3A_338] {strides = array<i32>} : memref<400x64xf32, #tpu.memory_space<vmem>>, vector<16xf32>,
          %add3A_340 = arith.addf %add3A_314, %get3A_339 : vector<16xf32>
          %add3A_341 = arith.constant 200 : i32
          %add3A_342 = arith.addi %add3A_341, %scan3A_334 : i32
          %get3A_343 = arith.index_cast %add3A_342 : i32 to index
          %get3A_344 = arith.constant 16 : index
          %get3A_345 = tpu.vector_load %arg11[%get3A_343, %get3A_344] {strides = array<i32>} : memref<400x64xf32, #tpu.memory_space<vmem>>, vector<16xf32>,
          %add3A_346 = arith.addf %add3A_320, %get3A_345 : vector<16xf32>
          %add3A_347 = arith.constant 200 : i32
          %add3A_348 = arith.addi %add3A_347, %scan3A_334 : i32
          %get3A_349 = arith.index_cast %add3A_348 : i32 to index
          %get3A_350 = arith.constant 32 : index
          %get3A_351 = tpu.vector_load %arg11[%get3A_349, %get3A_350] {strides = array<i32>} : memref<400x64xf32, #tpu.memory_space<vmem>>, vector<16xf32>,
          %add3A_352 = arith.addf %add3A_326, %get3A_351 : vector<16xf32>
          %add3A_353 = arith.constant 200 : i32
          %add3A_354 = arith.addi %add3A_353, %scan3A_334 : i32
          %get3A_355 = arith.index_cast %add3A_354 : i32 to index
          %get3A_356 = arith.constant 48 : index
          %get3A_357 = tpu.vector_load %arg11[%get3A_355, %get3A_356] {strides = array<i32>} : memref<400x64xf32, #tpu.memory_space<vmem>>, vector<16xf32>,
          %add3A_358 = arith.addf %add3A_332, %get3A_357 : vector<16xf32>
          %scan3A_359 = arith.constant 2 : i32
          %scan3A_360 = arith.addi %scan3A_305, %scan3A_359 : i32
          %add3A_361 = arith.constant 200 : i32
          %add3A_362 = arith.addi %add3A_361, %scan3A_360 : i32
          %get3A_363 = arith.index_cast %add3A_362 : i32 to index
          %get3A_364 = arith.constant 0 : index
          %get3A_365 = tpu.vector_load %arg11[%get3A_363, %get3A_364] {strides = array<i32>} : memref<400x64xf32, #tpu.memory_space<vmem>>, vector<16xf32>,
          %add3A_366 = arith.addf %add3A_340, %get3A_365 : vector<16xf32>
          %add3A_367 = arith.constant 200 : i32
          %add3A_368 = arith.addi %add3A_367, %scan3A_360 : i32
          %get3A_369 = arith.index_cast %add3A_368 : i32 to index
          %get3A_370 = arith.constant 16 : index
          %get3A_371 = tpu.vector_load %arg11[%get3A_369, %get3A_370] {strides = array<i32>} : memref<400x64xf32, #tpu.memory_space<vmem>>, vector<16xf32>,
          %add3A_372 = arith.addf %add3A_346, %get3A_371 : vector<16xf32>
          %add3A_373 = arith.constant 200 : i32
          %add3A_374 = arith.addi %add3A_373, %scan3A_360 : i32
          %get3A_375 = arith.index_cast %add3A_374 : i32 to index
          %get3A_376 = arith.constant 32 : index
          %get3A_377 = tpu.vector_load %arg11[%get3A_375, %get3A_376] {strides = array<i32>} : memref<400x64xf32, #tpu.memory_space<vmem>>, vector<16xf32>,
          %add3A_378 = arith.addf %add3A_352, %get3A_377 : vector<16xf32>
          %add3A_379 = arith.constant 200 : i32
          %add3A_380 = arith.addi %add3A_379, %scan3A_360 : i32
          %get3A_381 = arith.index_cast %add3A_380 : i32 to index
          %get3A_382 = arith.constant 48 : index
          %get3A_383 = tpu.vector_load %arg11[%get3A_381, %get3A_382] {strides = array<i32>} : memref<400x64xf32, #tpu.memory_space<vmem>>, vector<16xf32>,
          %add3A_384 = arith.addf %add3A_358, %get3A_383 : vector<16xf32>
          %scan3A_385 = arith.constant 3 : i32
          %scan3A_386 = arith.addi %scan3A_305, %scan3A_385 : i32
          %add3A_387 = arith.constant 200 : i32
          %add3A_388 = arith.addi %add3A_387, %scan3A_386 : i32
          %get3A_389 = arith.index_cast %add3A_388 : i32 to index
          %get3A_390 = arith.constant 0 : index
          %get3A_391 = tpu.vector_load %arg11[%get3A_389, %get3A_390] {strides = array<i32>} : memref<400x64xf32, #tpu.memory_space<vmem>>, vector<16xf32>,
          %add3A_392 = arith.addf %add3A_366, %get3A_391 : vector<16xf32>
          %add3A_393 = arith.constant 200 : i32
          %add3A_394 = arith.addi %add3A_393, %scan3A_386 : i32
          %get3A_395 = arith.index_cast %add3A_394 : i32 to index
          %get3A_396 = arith.constant 16 : index
          %get3A_397 = tpu.vector_load %arg11[%get3A_395, %get3A_396] {strides = array<i32>} : memref<400x64xf32, #tpu.memory_space<vmem>>, vector<16xf32>,
          %add3A_398 = arith.addf %add3A_372, %get3A_397 : vector<16xf32>
          %add3A_399 = arith.constant 200 : i32
          %add3A_400 = arith.addi %add3A_399, %scan3A_386 : i32
          %get3A_401 = arith.index_cast %add3A_400 : i32 to index
          %get3A_402 = arith.constant 32 : index
          %get3A_403 = tpu.vector_load %arg11[%get3A_401, %get3A_402] {strides = array<i32>} : memref<400x64xf32, #tpu.memory_space<vmem>>, vector<16xf32>,
          %add3A_404 = arith.addf %add3A_378, %get3A_403 : vector<16xf32>
          %add3A_405 = arith.constant 200 : i32
          %add3A_406 = arith.addi %add3A_405, %scan3A_386 : i32
          %get3A_407 = arith.index_cast %add3A_406 : i32 to index
          %get3A_408 = arith.constant 48 : index
          %get3A_409 = tpu.vector_load %arg11[%get3A_407, %get3A_408] {strides = array<i32>} : memref<400x64xf32, #tpu.memory_space<vmem>>, vector<16xf32>,
          %add3A_410 = arith.addf %add3A_384, %get3A_409 : vector<16xf32>
          %scan3A_411 = arith.constant 4 : i32
          %scan3A_412 = arith.addi %scan3A_305, %scan3A_411 : i32
          %add3A_413 = arith.constant 200 : i32
          %add3A_414 = arith.addi %add3A_413, %scan3A_412 : i32
          %get3A_415 = arith.index_cast %add3A_414 : i32 to index
          %get3A_416 = arith.constant 0 : index
          %get3A_417 = tpu.vector_load %arg11[%get3A_415, %get3A_416] {strides = array<i32>} : memref<400x64xf32, #tpu.memory_space<vmem>>, vector<16xf32>,
          %add3A_418 = arith.addf %add3A_392, %get3A_417 : vector<16xf32>
          %add3A_419 = arith.constant 200 : i32
          %add3A_420 = arith.addi %add3A_419, %scan3A_412 : i32
          %get3A_421 = arith.index_cast %add3A_420 : i32 to index
          %get3A_422 = arith.constant 16 : index
          %get3A_423 = tpu.vector_load %arg11[%get3A_421, %get3A_422] {strides = array<i32>} : memref<400x64xf32, #tpu.memory_space<vmem>>, vector<16xf32>,
          %add3A_424 = arith.addf %add3A_398, %get3A_423 : vector<16xf32>
          %add3A_425 = arith.constant 200 : i32
          %add3A_426 = arith.addi %add3A_425, %scan3A_412 : i32
          %get3A_427 = arith.index_cast %add3A_426 : i32 to index
          %get3A_428 = arith.constant 32 : index
          %get3A_429 = tpu.vector_load %arg11[%get3A_427, %get3A_428] {strides = array<i32>} : memref<400x64xf32, #tpu.memory_space<vmem>>, vector<16xf32>,
          %add3A_430 = arith.addf %add3A_404, %get3A_429 : vector<16xf32>
          %add3A_431 = arith.constant 200 : i32
          %add3A_432 = arith.addi %add3A_431, %scan3A_412 : i32
          %get3A_433 = arith.index_cast %add3A_432 : i32 to index
          %get3A_434 = arith.constant 48 : index
          %get3A_435 = tpu.vector_load %arg11[%get3A_433, %get3A_434] {strides = array<i32>} : memref<400x64xf32, #tpu.memory_space<vmem>>, vector<16xf32>,
          %add3A_436 = arith.addf %add3A_410, %get3A_435 : vector<16xf32>
          %scan3A_437 = arith.constant 5 : i32
          %scan3A_438 = arith.addi %scan3A_305, %scan3A_437 : i32
          %add3A_439 = arith.constant 200 : i32
          %add3A_440 = arith.addi %add3A_439, %scan3A_438 : i32
          %get3A_441 = arith.index_cast %add3A_440 : i32 to index
          %get3A_442 = arith.constant 0 : index
          %get3A_443 = tpu.vector_load %arg11[%get3A_441, %get3A_442] {strides = array<i32>} : memref<400x64xf32, #tpu.memory_space<vmem>>, vector<16xf32>,
          %add3A_444 = arith.addf %add3A_418, %get3A_443 : vector<16xf32>
          %add3A_445 = arith.constant 200 : i32
          %add3A_446 = arith.addi %add3A_445, %scan3A_438 : i32
          %get3A_447 = arith.index_cast %add3A_446 : i32 to index
          %get3A_448 = arith.constant 16 : index
          %get3A_449 = tpu.vector_load %arg11[%get3A_447, %get3A_448] {strides = array<i32>} : memref<400x64xf32, #tpu.memory_space<vmem>>, vector<16xf32>,
          %add3A_450 = arith.addf %add3A_424, %get3A_449 : vector<16xf32>
          %add3A_451 = arith.constant 200 : i32
          %add3A_452 = arith.addi %add3A_451, %scan3A_438 : i32
          %get3A_453 = arith.index_cast %add3A_452 : i32 to index
          %get3A_454 = arith.constant 32 : index
          %get3A_455 = tpu.vector_load %arg11[%get3A_453, %get3A_454] {strides = array<i32>} : memref<400x64xf32, #tpu.memory_space<vmem>>, vector<16xf32>,
          %add3A_456 = arith.addf %add3A_430, %get3A_455 : vector<16xf32>
          %add3A_457 = arith.constant 200 : i32
          %add3A_458 = arith.addi %add3A_457, %scan3A_438 : i32
          %get3A_459 = arith.index_cast %add3A_458 : i32 to index
          %get3A_460 = arith.constant 48 : index
          %get3A_461 = tpu.vector_load %arg11[%get3A_459, %get3A_460] {strides = array<i32>} : memref<400x64xf32, #tpu.memory_space<vmem>>, vector<16xf32>,
          %add3A_462 = arith.addf %add3A_436, %get3A_461 : vector<16xf32>
          %scan3A_463 = arith.constant 6 : i32
          %scan3A_464 = arith.addi %scan3A_305, %scan3A_463 : i32
          %add3A_465 = arith.constant 200 : i32
          %add3A_466 = arith.addi %add3A_465, %scan3A_464 : i32
          %get3A_467 = arith.index_cast %add3A_466 : i32 to index
          %get3A_468 = arith.constant 0 : index
          %get3A_469 = tpu.vector_load %arg11[%get3A_467, %get3A_468] {strides = array<i32>} : memref<400x64xf32, #tpu.memory_space<vmem>>, vector<16xf32>,
          %add3A_470 = arith.addf %add3A_444, %get3A_469 : vector<16xf32>
          %add3A_471 = arith.constant 200 : i32
          %add3A_472 = arith.addi %add3A_471, %scan3A_464 : i32
          %get3A_473 = arith.index_cast %add3A_472 : i32 to index
          %get3A_474 = arith.constant 16 : index
          %get3A_475 = tpu.vector_load %arg11[%get3A_473, %get3A_474] {strides = array<i32>} : memref<400x64xf32, #tpu.memory_space<vmem>>, vector<16xf32>,
          %add3A_476 = arith.addf %add3A_450, %get3A_475 : vector<16xf32>
          %add3A_477 = arith.constant 200 : i32
          %add3A_478 = arith.addi %add3A_477, %scan3A_464 : i32
          %get3A_479 = arith.index_cast %add3A_478 : i32 to index
          %get3A_480 = arith.constant 32 : index
          %get3A_481 = tpu.vector_load %arg11[%get3A_479, %get3A_480] {strides = array<i32>} : memref<400x64xf32, #tpu.memory_space<vmem>>, vector<16xf32>,
          %add3A_482 = arith.addf %add3A_456, %get3A_481 : vector<16xf32>
          %add3A_483 = arith.constant 200 : i32
          %add3A_484 = arith.addi %add3A_483, %scan3A_464 : i32
          %get3A_485 = arith.index_cast %add3A_484 : i32 to index
          %get3A_486 = arith.constant 48 : index
          %get3A_487 = tpu.vector_load %arg11[%get3A_485, %get3A_486] {strides = array<i32>} : memref<400x64xf32, #tpu.memory_space<vmem>>, vector<16xf32>,
          %add3A_488 = arith.addf %add3A_462, %get3A_487 : vector<16xf32>
          %scan3A_489 = arith.constant 7 : i32
          %scan3A_490 = arith.addi %scan3A_305, %scan3A_489 : i32
          %add3A_491 = arith.constant 200 : i32
          %add3A_492 = arith.addi %add3A_491, %scan3A_490 : i32
          %get3A_493 = arith.index_cast %add3A_492 : i32 to index
          %get3A_494 = arith.constant 0 : index
          %get3A_495 = tpu.vector_load %arg11[%get3A_493, %get3A_494] {strides = array<i32>} : memref<400x64xf32, #tpu.memory_space<vmem>>, vector<16xf32>,
          %add3A_496 = arith.addf %add3A_470, %get3A_495 : vector<16xf32>
          %add3A_497 = arith.constant 200 : i32
          %add3A_498 = arith.addi %add3A_497, %scan3A_490 : i32
          %get3A_499 = arith.index_cast %add3A_498 : i32 to index
          %get3A_500 = arith.constant 16 : index
          %get3A_501 = tpu.vector_load %arg11[%get3A_499, %get3A_500] {strides = array<i32>} : memref<400x64xf32, #tpu.memory_space<vmem>>, vector<16xf32>,
          %add3A_502 = arith.addf %add3A_476, %get3A_501 : vector<16xf32>
          %add3A_503 = arith.constant 200 : i32
          %add3A_504 = arith.addi %add3A_503, %scan3A_490 : i32
          %get3A_505 = arith.index_cast %add3A_504 : i32 to index
          %get3A_506 = arith.constant 32 : index
          %get3A_507 = tpu.vector_load %arg11[%get3A_505, %get3A_506] {strides = array<i32>} : memref<400x64xf32, #tpu.memory_space<vmem>>, vector<16xf32>,
          %add3A_508 = arith.addf %add3A_482, %get3A_507 : vector<16xf32>
          %add3A_509 = arith.constant 200 : i32
          %add3A_510 = arith.addi %add3A_509, %scan3A_490 : i32
          %get3A_511 = arith.index_cast %add3A_510 : i32 to index
          %get3A_512 = arith.constant 48 : index
          %get3A_513 = tpu.vector_load %arg11[%get3A_511, %get3A_512] {strides = array<i32>} : memref<400x64xf32, #tpu.memory_space<vmem>>, vector<16xf32>,
          %add3A_514 = arith.addf %add3A_488, %get3A_513 : vector<16xf32>
          scf.yield %add3A_496, %add3A_502, %add3A_508, %add3A_514 : vector<16xf32>, vector<16xf32>, vector<16xf32>, vector<16xf32>
        }
        %scan3A_177 = arith.constant 200 : i32
        %mul3A_178 = arith.constant 2 : i32
        %mul3A_179 = arith.muli %mul3A_178, %add3A_114 : i32
        %add3A_180 = arith.constant 1 : i32
        %add3A_181 = arith.addi %mul3A_179, %add3A_180 : i32
        %swap3A_182 = arith.index_cast %add3A_181 : i32 to index
        %swap3A_183 = arith.constant 0 : index
        %swap3A_184 = tpu.vector_load %arg13[%swap3A_182, %swap3A_183] {strides = array<i32>} : memref<128x64xf32, #tpu.memory_space<vmem>>, vector<16xf32>,
        tpu.vector_store %arg13[%swap3A_182, %swap3A_183], %scan3A_176#0 {strides = array<i32>} : memref<128x64xf32, #tpu.memory_space<vmem>>, vector<16xf32>,
        %mul3A_185 = arith.constant 2 : i32
        %mul3A_186 = arith.muli %mul3A_185, %add3A_114 : i32
        %add3A_187 = arith.constant 1 : i32
        %add3A_188 = arith.addi %mul3A_186, %add3A_187 : i32
        %swap3A_189 = arith.index_cast %add3A_188 : i32 to index
        %swap3A_190 = arith.constant 16 : index
        %swap3A_191 = tpu.vector_load %arg13[%swap3A_189, %swap3A_190] {strides = array<i32>} : memref<128x64xf32, #tpu.memory_space<vmem>>, vector<16xf32>,
        tpu.vector_store %arg13[%swap3A_189, %swap3A_190], %scan3A_176#1 {strides = array<i32>} : memref<128x64xf32, #tpu.memory_space<vmem>>, vector<16xf32>,
        %mul3A_192 = arith.constant 2 : i32
        %mul3A_193 = arith.muli %mul3A_192, %add3A_114 : i32
        %add3A_194 = arith.constant 1 : i32
        %add3A_195 = arith.addi %mul3A_193, %add3A_194 : i32
        %swap3A_196 = arith.index_cast %add3A_195 : i32 to index
        %swap3A_197 = arith.constant 32 : index
        %swap3A_198 = tpu.vector_load %arg13[%swap3A_196, %swap3A_197] {strides = array<i32>} : memref<128x64xf32, #tpu.memory_space<vmem>>, vector<16xf32>,
        tpu.vector_store %arg13[%swap3A_196, %swap3A_197], %scan3A_176#2 {strides = array<i32>} : memref<128x64xf32, #tpu.memory_space<vmem>>, vector<16xf32>,
        %mul3A_199 = arith.constant 2 : i32
        %mul3A_200 = arith.muli %mul3A_199, %add3A_114 : i32
        %add3A_201 = arith.constant 1 : i32
        %add3A_202 = arith.addi %mul3A_200, %add3A_201 : i32
        %swap3A_203 = arith.index_cast %add3A_202 : i32 to index
        %swap3A_204 = arith.constant 48 : index
        %swap3A_205 = tpu.vector_load %arg13[%swap3A_203, %swap3A_204] {strides = array<i32>} : memref<128x64xf32, #tpu.memory_space<vmem>>, vector<16xf32>,
        tpu.vector_store %arg13[%swap3A_203, %swap3A_204], %scan3A_176#3 {strides = array<i32>} : memref<128x64xf32, #tpu.memory_space<vmem>>, vector<16xf32>,
        %mul3A_206 = arith.constant 2 : i32
        %mul3A_207 = arith.muli %mul3A_206, %scan3A_110 : i32
        %add3A_208 = arith.constant 1 : i32
        %add3A_209 = arith.addi %mul3A_207, %add3A_208 : i32
        %add3A_210 = arith.constant 1 : i32
        %add3A_211 = arith.addi %add3A_209, %add3A_210 : i32
        %lt3A_212 = arith.constant 64 : i32
        %lt3A_213 = arith.cmpi slt, %add3A_211, %lt3A_212 : i32
        %convert_element_type3A_214 = arith.extui %lt3A_213 : i1 to i32
        %cond3A_215 = arith.constant 0 : i32
        %cond3A_216 = arith.cmpi ne, %convert_element_type3A_214, %cond3A_215 : i32
        scf.if %cond3A_216 {
          %add3A_305 = arith.constant 1 : i32
          %add3A_306 = arith.addi %add3A_209, %add3A_305 : i32
          %mul3A_307 = arith.constant 400 : i32
          %mul3A_308 = arith.muli %add3A_306, %mul3A_307 : i32
          %dma_start3A_309 = tpu.memref_slice %arg8[%mul3A_308] : memref<25600xi32, #tpu.memory_space<vmem>> -> memref<400xi32, #tpu.memory_space<vmem>>
          %dma_start3A_310 = arith.constant 0 : i32
          %dma_start3A_311 = arith.constant 0 : i32
          %dma_start3A_312 = tpu.memref_slice %arg4[%dma_start3A_310, %dma_start3A_311] : memref<100000x64xf32, #tpu.memory_space<hbm>> -> memref<100000x64xf32, #tpu.memory_space<hbm>>
          tpu.enqueue_indirect_dma source(%dma_start3A_312 : memref<100000x64xf32, #tpu.memory_space<hbm>>) target(%arg11 : memref<400x64xf32, #tpu.memory_space<vmem>>) offsets(%dma_start3A_309 : memref<400xi32, #tpu.memory_space<vmem>>) semaphore(%arg16 : memref<!tpu.dma_semaphore, #tpu.memory_space<semaphore_mem>>)
        } else {
        }
        %add3A_217 = arith.constant 1 : i32
        %add3A_218 = arith.addi %add3A_209, %add3A_217 : i32
        %eq3A_219 = arith.constant 64 : i32
        %eq3A_220 = arith.cmpi eq, %add3A_218, %eq3A_219 : i32
        %add3A_221 = arith.constant 1 : i32
        %add3A_222 = arith.addi %add3A_35, %add3A_221 : i32
        %lt3A_223 = arith.constant 4 : i32
        %lt3A_224 = arith.cmpi slt, %add3A_222, %lt3A_223 : i32
        %and3A_225 = arith.andi %eq3A_220, %lt3A_224 : i1
        %convert_element_type3A_226 = arith.extui %and3A_225 : i1 to i32
        %cond3A_227 = arith.constant 0 : i32
        %cond3A_228 = arith.cmpi ne, %convert_element_type3A_226, %cond3A_227 : i32
        scf.if %cond3A_228 {
          %dma_wait3A_305 = arith.constant 0 : i32
          %dma_wait3A_306 = tpu.memref_slice %arg2[%dma_wait3A_305] : memref<3276800xi32, #tpu.memory_space<hbm>> -> memref<25600xi32, #tpu.memory_space<hbm>>
          %dma_wait3A_307 = arith.constant 0 : i32
          %dma_wait3A_308 = tpu.memref_slice %arg2[%dma_wait3A_307] : memref<3276800xi32, #tpu.memory_space<hbm>> -> memref<25600xi32, #tpu.memory_space<hbm>>
          tpu.wait_dma2 semaphore(%arg20 : memref<!tpu.dma_semaphore, #tpu.memory_space<semaphore_mem>>) src(%dma_wait3A_308 : memref<25600xi32, #tpu.memory_space<hbm>>) dst(%arg9 : memref<25600xi32, #tpu.memory_space<vmem>>)
          %dma_start3A_309 = arith.constant 0 : i32
          %dma_start3A_310 = tpu.memref_slice %arg9[%dma_start3A_309] : memref<25600xi32, #tpu.memory_space<vmem>> -> memref<400xi32, #tpu.memory_space<vmem>>
          %dma_start3A_311 = arith.constant 0 : i32
          %dma_start3A_312 = arith.constant 0 : i32
          %dma_start3A_313 = tpu.memref_slice %arg4[%dma_start3A_311, %dma_start3A_312] : memref<100000x64xf32, #tpu.memory_space<hbm>> -> memref<100000x64xf32, #tpu.memory_space<hbm>>
          tpu.enqueue_indirect_dma source(%dma_start3A_313 : memref<100000x64xf32, #tpu.memory_space<hbm>>) target(%arg11 : memref<400x64xf32, #tpu.memory_space<vmem>>) offsets(%dma_start3A_310 : memref<400xi32, #tpu.memory_space<vmem>>) semaphore(%arg16 : memref<!tpu.dma_semaphore, #tpu.memory_space<semaphore_mem>>)
        } else {
        }
        %dma_wait3A_229 = arith.constant 0 : i32
        %dma_wait3A_230 = arith.constant 0 : i32
        %dma_wait3A_231 = tpu.memref_slice %arg4[%dma_wait3A_229, %dma_wait3A_230] : memref<100000x64xf32, #tpu.memory_space<hbm>> -> memref<400x64xf32, #tpu.memory_space<hbm>>
        %dma_wait3A_232 = arith.constant 0 : i32
        %dma_wait3A_233 = arith.constant 0 : i32
        %dma_wait3A_234 = tpu.memref_slice %arg4[%dma_wait3A_232, %dma_wait3A_233] : memref<100000x64xf32, #tpu.memory_space<hbm>> -> memref<400x64xf32, #tpu.memory_space<hbm>>
        tpu.wait_dma2 semaphore(%arg17 : memref<!tpu.dma_semaphore, #tpu.memory_space<semaphore_mem>>) src(%dma_wait3A_234 : memref<400x64xf32, #tpu.memory_space<hbm>>) dst(%arg12 : memref<400x64xf32, #tpu.memory_space<vmem>>)
        %broadcast_in_dim3A_235 = arith.constant 0.000000e+00 : f32
        %broadcast_in_dim3A_236 = vector.broadcast %broadcast_in_dim3A_235 : f32 to vector<16xf32>
        %scan3A_237 = arith.constant 0 : i32
        %scan3A_238 = arith.constant 200 : i32
        %scan3A_239 = arith.addi %scan3A_237, %scan3A_238 : i32
        %scan3A_240 = arith.constant 8 : i32
        %scan3A_241:4 = scf.for %scan3A_305 = %scan3A_237 to %scan3A_239 step %scan3A_240 iter_args(%scan3A_306 = %broadcast_in_dim3A_236, %scan3A_307 = %broadcast_in_dim3A_236, %scan3A_308 = %broadcast_in_dim3A_236, %scan3A_309 = %broadcast_in_dim3A_236) -> (vector<16xf32>, vector<16xf32>, vector<16xf32>, vector<16xf32>)  : i32 {
          %add3A_310 = arith.constant 0 : i32
          %add3A_311 = arith.addi %add3A_310, %scan3A_305 : i32
          %get3A = arith.index_cast %add3A_311 : i32 to index
          %get3A_312 = arith.constant 0 : index
          %get3A_313 = tpu.vector_load %arg12[%get3A, %get3A_312] {strides = array<i32>} : memref<400x64xf32, #tpu.memory_space<vmem>>, vector<16xf32>,
          %add3A_314 = arith.addf %scan3A_306, %get3A_313 : vector<16xf32>
          %add3A_315 = arith.constant 0 : i32
          %add3A_316 = arith.addi %add3A_315, %scan3A_305 : i32
          %get3A_317 = arith.index_cast %add3A_316 : i32 to index
          %get3A_318 = arith.constant 16 : index
          %get3A_319 = tpu.vector_load %arg12[%get3A_317, %get3A_318] {strides = array<i32>} : memref<400x64xf32, #tpu.memory_space<vmem>>, vector<16xf32>,
          %add3A_320 = arith.addf %scan3A_307, %get3A_319 : vector<16xf32>
          %add3A_321 = arith.constant 0 : i32
          %add3A_322 = arith.addi %add3A_321, %scan3A_305 : i32
          %get3A_323 = arith.index_cast %add3A_322 : i32 to index
          %get3A_324 = arith.constant 32 : index
          %get3A_325 = tpu.vector_load %arg12[%get3A_323, %get3A_324] {strides = array<i32>} : memref<400x64xf32, #tpu.memory_space<vmem>>, vector<16xf32>,
          %add3A_326 = arith.addf %scan3A_308, %get3A_325 : vector<16xf32>
          %add3A_327 = arith.constant 0 : i32
          %add3A_328 = arith.addi %add3A_327, %scan3A_305 : i32
          %get3A_329 = arith.index_cast %add3A_328 : i32 to index
          %get3A_330 = arith.constant 48 : index
          %get3A_331 = tpu.vector_load %arg12[%get3A_329, %get3A_330] {strides = array<i32>} : memref<400x64xf32, #tpu.memory_space<vmem>>, vector<16xf32>,
          %add3A_332 = arith.addf %scan3A_309, %get3A_331 : vector<16xf32>
          %scan3A_333 = arith.constant 1 : i32
          %scan3A_334 = arith.addi %scan3A_305, %scan3A_333 : i32
          %add3A_335 = arith.constant 0 : i32
          %add3A_336 = arith.addi %add3A_335, %scan3A_334 : i32
          %get3A_337 = arith.index_cast %add3A_336 : i32 to index
          %get3A_338 = arith.constant 0 : index
          %get3A_339 = tpu.vector_load %arg12[%get3A_337, %get3A_338] {strides = array<i32>} : memref<400x64xf32, #tpu.memory_space<vmem>>, vector<16xf32>,
          %add3A_340 = arith.addf %add3A_314, %get3A_339 : vector<16xf32>
          %add3A_341 = arith.constant 0 : i32
          %add3A_342 = arith.addi %add3A_341, %scan3A_334 : i32
          %get3A_343 = arith.index_cast %add3A_342 : i32 to index
          %get3A_344 = arith.constant 16 : index
          %get3A_345 = tpu.vector_load %arg12[%get3A_343, %get3A_344] {strides = array<i32>} : memref<400x64xf32, #tpu.memory_space<vmem>>, vector<16xf32>,
          %add3A_346 = arith.addf %add3A_320, %get3A_345 : vector<16xf32>
          %add3A_347 = arith.constant 0 : i32
          %add3A_348 = arith.addi %add3A_347, %scan3A_334 : i32
          %get3A_349 = arith.index_cast %add3A_348 : i32 to index
          %get3A_350 = arith.constant 32 : index
          %get3A_351 = tpu.vector_load %arg12[%get3A_349, %get3A_350] {strides = array<i32>} : memref<400x64xf32, #tpu.memory_space<vmem>>, vector<16xf32>,
          %add3A_352 = arith.addf %add3A_326, %get3A_351 : vector<16xf32>
          %add3A_353 = arith.constant 0 : i32
          %add3A_354 = arith.addi %add3A_353, %scan3A_334 : i32
          %get3A_355 = arith.index_cast %add3A_354 : i32 to index
          %get3A_356 = arith.constant 48 : index
          %get3A_357 = tpu.vector_load %arg12[%get3A_355, %get3A_356] {strides = array<i32>} : memref<400x64xf32, #tpu.memory_space<vmem>>, vector<16xf32>,
          %add3A_358 = arith.addf %add3A_332, %get3A_357 : vector<16xf32>
          %scan3A_359 = arith.constant 2 : i32
          %scan3A_360 = arith.addi %scan3A_305, %scan3A_359 : i32
          %add3A_361 = arith.constant 0 : i32
          %add3A_362 = arith.addi %add3A_361, %scan3A_360 : i32
          %get3A_363 = arith.index_cast %add3A_362 : i32 to index
          %get3A_364 = arith.constant 0 : index
          %get3A_365 = tpu.vector_load %arg12[%get3A_363, %get3A_364] {strides = array<i32>} : memref<400x64xf32, #tpu.memory_space<vmem>>, vector<16xf32>,
          %add3A_366 = arith.addf %add3A_340, %get3A_365 : vector<16xf32>
          %add3A_367 = arith.constant 0 : i32
          %add3A_368 = arith.addi %add3A_367, %scan3A_360 : i32
          %get3A_369 = arith.index_cast %add3A_368 : i32 to index
          %get3A_370 = arith.constant 16 : index
          %get3A_371 = tpu.vector_load %arg12[%get3A_369, %get3A_370] {strides = array<i32>} : memref<400x64xf32, #tpu.memory_space<vmem>>, vector<16xf32>,
          %add3A_372 = arith.addf %add3A_346, %get3A_371 : vector<16xf32>
          %add3A_373 = arith.constant 0 : i32
          %add3A_374 = arith.addi %add3A_373, %scan3A_360 : i32
          %get3A_375 = arith.index_cast %add3A_374 : i32 to index
          %get3A_376 = arith.constant 32 : index
          %get3A_377 = tpu.vector_load %arg12[%get3A_375, %get3A_376] {strides = array<i32>} : memref<400x64xf32, #tpu.memory_space<vmem>>, vector<16xf32>,
          %add3A_378 = arith.addf %add3A_352, %get3A_377 : vector<16xf32>
          %add3A_379 = arith.constant 0 : i32
          %add3A_380 = arith.addi %add3A_379, %scan3A_360 : i32
          %get3A_381 = arith.index_cast %add3A_380 : i32 to index
          %get3A_382 = arith.constant 48 : index
          %get3A_383 = tpu.vector_load %arg12[%get3A_381, %get3A_382] {strides = array<i32>} : memref<400x64xf32, #tpu.memory_space<vmem>>, vector<16xf32>,
          %add3A_384 = arith.addf %add3A_358, %get3A_383 : vector<16xf32>
          %scan3A_385 = arith.constant 3 : i32
          %scan3A_386 = arith.addi %scan3A_305, %scan3A_385 : i32
          %add3A_387 = arith.constant 0 : i32
          %add3A_388 = arith.addi %add3A_387, %scan3A_386 : i32
          %get3A_389 = arith.index_cast %add3A_388 : i32 to index
          %get3A_390 = arith.constant 0 : index
          %get3A_391 = tpu.vector_load %arg12[%get3A_389, %get3A_390] {strides = array<i32>} : memref<400x64xf32, #tpu.memory_space<vmem>>, vector<16xf32>,
          %add3A_392 = arith.addf %add3A_366, %get3A_391 : vector<16xf32>
          %add3A_393 = arith.constant 0 : i32
          %add3A_394 = arith.addi %add3A_393, %scan3A_386 : i32
          %get3A_395 = arith.index_cast %add3A_394 : i32 to index
          %get3A_396 = arith.constant 16 : index
          %get3A_397 = tpu.vector_load %arg12[%get3A_395, %get3A_396] {strides = array<i32>} : memref<400x64xf32, #tpu.memory_space<vmem>>, vector<16xf32>,
          %add3A_398 = arith.addf %add3A_372, %get3A_397 : vector<16xf32>
          %add3A_399 = arith.constant 0 : i32
          %add3A_400 = arith.addi %add3A_399, %scan3A_386 : i32
          %get3A_401 = arith.index_cast %add3A_400 : i32 to index
          %get3A_402 = arith.constant 32 : index
          %get3A_403 = tpu.vector_load %arg12[%get3A_401, %get3A_402] {strides = array<i32>} : memref<400x64xf32, #tpu.memory_space<vmem>>, vector<16xf32>,
          %add3A_404 = arith.addf %add3A_378, %get3A_403 : vector<16xf32>
          %add3A_405 = arith.constant 0 : i32
          %add3A_406 = arith.addi %add3A_405, %scan3A_386 : i32
          %get3A_407 = arith.index_cast %add3A_406 : i32 to index
          %get3A_408 = arith.constant 48 : index
          %get3A_409 = tpu.vector_load %arg12[%get3A_407, %get3A_408] {strides = array<i32>} : memref<400x64xf32, #tpu.memory_space<vmem>>, vector<16xf32>,
          %add3A_410 = arith.addf %add3A_384, %get3A_409 : vector<16xf32>
          %scan3A_411 = arith.constant 4 : i32
          %scan3A_412 = arith.addi %scan3A_305, %scan3A_411 : i32
          %add3A_413 = arith.constant 0 : i32
          %add3A_414 = arith.addi %add3A_413, %scan3A_412 : i32
          %get3A_415 = arith.index_cast %add3A_414 : i32 to index
          %get3A_416 = arith.constant 0 : index
          %get3A_417 = tpu.vector_load %arg12[%get3A_415, %get3A_416] {strides = array<i32>} : memref<400x64xf32, #tpu.memory_space<vmem>>, vector<16xf32>,
          %add3A_418 = arith.addf %add3A_392, %get3A_417 : vector<16xf32>
          %add3A_419 = arith.constant 0 : i32
          %add3A_420 = arith.addi %add3A_419, %scan3A_412 : i32
          %get3A_421 = arith.index_cast %add3A_420 : i32 to index
          %get3A_422 = arith.constant 16 : index
          %get3A_423 = tpu.vector_load %arg12[%get3A_421, %get3A_422] {strides = array<i32>} : memref<400x64xf32, #tpu.memory_space<vmem>>, vector<16xf32>,
          %add3A_424 = arith.addf %add3A_398, %get3A_423 : vector<16xf32>
          %add3A_425 = arith.constant 0 : i32
          %add3A_426 = arith.addi %add3A_425, %scan3A_412 : i32
          %get3A_427 = arith.index_cast %add3A_426 : i32 to index
          %get3A_428 = arith.constant 32 : index
          %get3A_429 = tpu.vector_load %arg12[%get3A_427, %get3A_428] {strides = array<i32>} : memref<400x64xf32, #tpu.memory_space<vmem>>, vector<16xf32>,
          %add3A_430 = arith.addf %add3A_404, %get3A_429 : vector<16xf32>
          %add3A_431 = arith.constant 0 : i32
          %add3A_432 = arith.addi %add3A_431, %scan3A_412 : i32
          %get3A_433 = arith.index_cast %add3A_432 : i32 to index
          %get3A_434 = arith.constant 48 : index
          %get3A_435 = tpu.vector_load %arg12[%get3A_433, %get3A_434] {strides = array<i32>} : memref<400x64xf32, #tpu.memory_space<vmem>>, vector<16xf32>,
          %add3A_436 = arith.addf %add3A_410, %get3A_435 : vector<16xf32>
          %scan3A_437 = arith.constant 5 : i32
          %scan3A_438 = arith.addi %scan3A_305, %scan3A_437 : i32
          %add3A_439 = arith.constant 0 : i32
          %add3A_440 = arith.addi %add3A_439, %scan3A_438 : i32
          %get3A_441 = arith.index_cast %add3A_440 : i32 to index
          %get3A_442 = arith.constant 0 : index
          %get3A_443 = tpu.vector_load %arg12[%get3A_441, %get3A_442] {strides = array<i32>} : memref<400x64xf32, #tpu.memory_space<vmem>>, vector<16xf32>,
          %add3A_444 = arith.addf %add3A_418, %get3A_443 : vector<16xf32>
          %add3A_445 = arith.constant 0 : i32
          %add3A_446 = arith.addi %add3A_445, %scan3A_438 : i32
          %get3A_447 = arith.index_cast %add3A_446 : i32 to index
          %get3A_448 = arith.constant 16 : index
          %get3A_449 = tpu.vector_load %arg12[%get3A_447, %get3A_448] {strides = array<i32>} : memref<400x64xf32, #tpu.memory_space<vmem>>, vector<16xf32>,
          %add3A_450 = arith.addf %add3A_424, %get3A_449 : vector<16xf32>
          %add3A_451 = arith.constant 0 : i32
          %add3A_452 = arith.addi %add3A_451, %scan3A_438 : i32
          %get3A_453 = arith.index_cast %add3A_452 : i32 to index
          %get3A_454 = arith.constant 32 : index
          %get3A_455 = tpu.vector_load %arg12[%get3A_453, %get3A_454] {strides = array<i32>} : memref<400x64xf32, #tpu.memory_space<vmem>>, vector<16xf32>,
          %add3A_456 = arith.addf %add3A_430, %get3A_455 : vector<16xf32>
          %add3A_457 = arith.constant 0 : i32
          %add3A_458 = arith.addi %add3A_457, %scan3A_438 : i32
          %get3A_459 = arith.index_cast %add3A_458 : i32 to index
          %get3A_460 = arith.constant 48 : index
          %get3A_461 = tpu.vector_load %arg12[%get3A_459, %get3A_460] {strides = array<i32>} : memref<400x64xf32, #tpu.memory_space<vmem>>, vector<16xf32>,
          %add3A_462 = arith.addf %add3A_436, %get3A_461 : vector<16xf32>
          %scan3A_463 = arith.constant 6 : i32
          %scan3A_464 = arith.addi %scan3A_305, %scan3A_463 : i32
          %add3A_465 = arith.constant 0 : i32
          %add3A_466 = arith.addi %add3A_465, %scan3A_464 : i32
          %get3A_467 = arith.index_cast %add3A_466 : i32 to index
          %get3A_468 = arith.constant 0 : index
          %get3A_469 = tpu.vector_load %arg12[%get3A_467, %get3A_468] {strides = array<i32>} : memref<400x64xf32, #tpu.memory_space<vmem>>, vector<16xf32>,
          %add3A_470 = arith.addf %add3A_444, %get3A_469 : vector<16xf32>
          %add3A_471 = arith.constant 0 : i32
          %add3A_472 = arith.addi %add3A_471, %scan3A_464 : i32
          %get3A_473 = arith.index_cast %add3A_472 : i32 to index
          %get3A_474 = arith.constant 16 : index
          %get3A_475 = tpu.vector_load %arg12[%get3A_473, %get3A_474] {strides = array<i32>} : memref<400x64xf32, #tpu.memory_space<vmem>>, vector<16xf32>,
          %add3A_476 = arith.addf %add3A_450, %get3A_475 : vector<16xf32>
          %add3A_477 = arith.constant 0 : i32
          %add3A_478 = arith.addi %add3A_477, %scan3A_464 : i32
          %get3A_479 = arith.index_cast %add3A_478 : i32 to index
          %get3A_480 = arith.constant 32 : index
          %get3A_481 = tpu.vector_load %arg12[%get3A_479, %get3A_480] {strides = array<i32>} : memref<400x64xf32, #tpu.memory_space<vmem>>, vector<16xf32>,
          %add3A_482 = arith.addf %add3A_456, %get3A_481 : vector<16xf32>
          %add3A_483 = arith.constant 0 : i32
          %add3A_484 = arith.addi %add3A_483, %scan3A_464 : i32
          %get3A_485 = arith.index_cast %add3A_484 : i32 to index
          %get3A_486 = arith.constant 48 : index
          %get3A_487 = tpu.vector_load %arg12[%get3A_485, %get3A_486] {strides = array<i32>} : memref<400x64xf32, #tpu.memory_space<vmem>>, vector<16xf32>,
          %add3A_488 = arith.addf %add3A_462, %get3A_487 : vector<16xf32>
          %scan3A_489 = arith.constant 7 : i32
          %scan3A_490 = arith.addi %scan3A_305, %scan3A_489 : i32
          %add3A_491 = arith.constant 0 : i32
          %add3A_492 = arith.addi %add3A_491, %scan3A_490 : i32
          %get3A_493 = arith.index_cast %add3A_492 : i32 to index
          %get3A_494 = arith.constant 0 : index
          %get3A_495 = tpu.vector_load %arg12[%get3A_493, %get3A_494] {strides = array<i32>} : memref<400x64xf32, #tpu.memory_space<vmem>>, vector<16xf32>,
          %add3A_496 = arith.addf %add3A_470, %get3A_495 : vector<16xf32>
          %add3A_497 = arith.constant 0 : i32
          %add3A_498 = arith.addi %add3A_497, %scan3A_490 : i32
          %get3A_499 = arith.index_cast %add3A_498 : i32 to index
          %get3A_500 = arith.constant 16 : index
          %get3A_501 = tpu.vector_load %arg12[%get3A_499, %get3A_500] {strides = array<i32>} : memref<400x64xf32, #tpu.memory_space<vmem>>, vector<16xf32>,
          %add3A_502 = arith.addf %add3A_476, %get3A_501 : vector<16xf32>
          %add3A_503 = arith.constant 0 : i32
          %add3A_504 = arith.addi %add3A_503, %scan3A_490 : i32
          %get3A_505 = arith.index_cast %add3A_504 : i32 to index
          %get3A_506 = arith.constant 32 : index
          %get3A_507 = tpu.vector_load %arg12[%get3A_505, %get3A_506] {strides = array<i32>} : memref<400x64xf32, #tpu.memory_space<vmem>>, vector<16xf32>,
          %add3A_508 = arith.addf %add3A_482, %get3A_507 : vector<16xf32>
          %add3A_509 = arith.constant 0 : i32
          %add3A_510 = arith.addi %add3A_509, %scan3A_490 : i32
          %get3A_511 = arith.index_cast %add3A_510 : i32 to index
          %get3A_512 = arith.constant 48 : index
          %get3A_513 = tpu.vector_load %arg12[%get3A_511, %get3A_512] {strides = array<i32>} : memref<400x64xf32, #tpu.memory_space<vmem>>, vector<16xf32>,
          %add3A_514 = arith.addf %add3A_488, %get3A_513 : vector<16xf32>
          scf.yield %add3A_496, %add3A_502, %add3A_508, %add3A_514 : vector<16xf32>, vector<16xf32>, vector<16xf32>, vector<16xf32>
        }
        %scan3A_242 = arith.constant 200 : i32
        %mul3A_243 = arith.constant 2 : i32
        %mul3A_244 = arith.muli %mul3A_243, %add3A_209 : i32
        %add3A_245 = arith.constant 0 : i32
        %add3A_246 = arith.addi %mul3A_244, %add3A_245 : i32
        %swap3A_247 = arith.index_cast %add3A_246 : i32 to index
        %swap3A_248 = arith.constant 0 : index
        %swap3A_249 = tpu.vector_load %arg13[%swap3A_247, %swap3A_248] {strides = array<i32>} : memref<128x64xf32, #tpu.memory_space<vmem>>, vector<16xf32>,
        tpu.vector_store %arg13[%swap3A_247, %swap3A_248], %scan3A_241#0 {strides = array<i32>} : memref<128x64xf32, #tpu.memory_space<vmem>>, vector<16xf32>,
        %mul3A_250 = arith.constant 2 : i32
        %mul3A_251 = arith.muli %mul3A_250, %add3A_209 : i32
        %add3A_252 = arith.constant 0 : i32
        %add3A_253 = arith.addi %mul3A_251, %add3A_252 : i32
        %swap3A_254 = arith.index_cast %add3A_253 : i32 to index
        %swap3A_255 = arith.constant 16 : index
        %swap3A_256 = tpu.vector_load %arg13[%swap3A_254, %swap3A_255] {strides = array<i32>} : memref<128x64xf32, #tpu.memory_space<vmem>>, vector<16xf32>,
        tpu.vector_store %arg13[%swap3A_254, %swap3A_255], %scan3A_241#1 {strides = array<i32>} : memref<128x64xf32, #tpu.memory_space<vmem>>, vector<16xf32>,
        %mul3A_257 = arith.constant 2 : i32
        %mul3A_258 = arith.muli %mul3A_257, %add3A_209 : i32
        %add3A_259 = arith.constant 0 : i32
        %add3A_260 = arith.addi %mul3A_258, %add3A_259 : i32
        %swap3A_261 = arith.index_cast %add3A_260 : i32 to index
        %swap3A_262 = arith.constant 32 : index
        %swap3A_263 = tpu.vector_load %arg13[%swap3A_261, %swap3A_262] {strides = array<i32>} : memref<128x64xf32, #tpu.memory_space<vmem>>, vector<16xf32>,
        tpu.vector_store %arg13[%swap3A_261, %swap3A_262], %scan3A_241#2 {strides = array<i32>} : memref<128x64xf32, #tpu.memory_space<vmem>>, vector<16xf32>,
        %mul3A_264 = arith.constant 2 : i32
        %mul3A_265 = arith.muli %mul3A_264, %add3A_209 : i32
        %add3A_266 = arith.constant 0 : i32
        %add3A_267 = arith.addi %mul3A_265, %add3A_266 : i32
        %swap3A_268 = arith.index_cast %add3A_267 : i32 to index
        %swap3A_269 = arith.constant 48 : index
        %swap3A_270 = tpu.vector_load %arg13[%swap3A_268, %swap3A_269] {strides = array<i32>} : memref<128x64xf32, #tpu.memory_space<vmem>>, vector<16xf32>,
        tpu.vector_store %arg13[%swap3A_268, %swap3A_269], %scan3A_241#3 {strides = array<i32>} : memref<128x64xf32, #tpu.memory_space<vmem>>, vector<16xf32>,
        %scan3A_271 = arith.constant 0 : i32
        %scan3A_272 = arith.constant 200 : i32
        %scan3A_273 = arith.addi %scan3A_271, %scan3A_272 : i32
        %scan3A_274 = arith.constant 8 : i32
        %scan3A_275:4 = scf.for %scan3A_305 = %scan3A_271 to %scan3A_273 step %scan3A_274 iter_args(%scan3A_306 = %broadcast_in_dim3A_236, %scan3A_307 = %broadcast_in_dim3A_236, %scan3A_308 = %broadcast_in_dim3A_236, %scan3A_309 = %broadcast_in_dim3A_236) -> (vector<16xf32>, vector<16xf32>, vector<16xf32>, vector<16xf32>)  : i32 {
          %add3A_310 = arith.constant 200 : i32
          %add3A_311 = arith.addi %add3A_310, %scan3A_305 : i32
          %get3A = arith.index_cast %add3A_311 : i32 to index
          %get3A_312 = arith.constant 0 : index
          %get3A_313 = tpu.vector_load %arg12[%get3A, %get3A_312] {strides = array<i32>} : memref<400x64xf32, #tpu.memory_space<vmem>>, vector<16xf32>,
          %add3A_314 = arith.addf %scan3A_306, %get3A_313 : vector<16xf32>
          %add3A_315 = arith.constant 200 : i32
          %add3A_316 = arith.addi %add3A_315, %scan3A_305 : i32
          %get3A_317 = arith.index_cast %add3A_316 : i32 to index
          %get3A_318 = arith.constant 16 : index
          %get3A_319 = tpu.vector_load %arg12[%get3A_317, %get3A_318] {strides = array<i32>} : memref<400x64xf32, #tpu.memory_space<vmem>>, vector<16xf32>,
          %add3A_320 = arith.addf %scan3A_307, %get3A_319 : vector<16xf32>
          %add3A_321 = arith.constant 200 : i32
          %add3A_322 = arith.addi %add3A_321, %scan3A_305 : i32
          %get3A_323 = arith.index_cast %add3A_322 : i32 to index
          %get3A_324 = arith.constant 32 : index
          %get3A_325 = tpu.vector_load %arg12[%get3A_323, %get3A_324] {strides = array<i32>} : memref<400x64xf32, #tpu.memory_space<vmem>>, vector<16xf32>,
          %add3A_326 = arith.addf %scan3A_308, %get3A_325 : vector<16xf32>
          %add3A_327 = arith.constant 200 : i32
          %add3A_328 = arith.addi %add3A_327, %scan3A_305 : i32
          %get3A_329 = arith.index_cast %add3A_328 : i32 to index
          %get3A_330 = arith.constant 48 : index
          %get3A_331 = tpu.vector_load %arg12[%get3A_329, %get3A_330] {strides = array<i32>} : memref<400x64xf32, #tpu.memory_space<vmem>>, vector<16xf32>,
          %add3A_332 = arith.addf %scan3A_309, %get3A_331 : vector<16xf32>
          %scan3A_333 = arith.constant 1 : i32
          %scan3A_334 = arith.addi %scan3A_305, %scan3A_333 : i32
          %add3A_335 = arith.constant 200 : i32
          %add3A_336 = arith.addi %add3A_335, %scan3A_334 : i32
          %get3A_337 = arith.index_cast %add3A_336 : i32 to index
          %get3A_338 = arith.constant 0 : index
          %get3A_339 = tpu.vector_load %arg12[%get3A_337, %get3A_338] {strides = array<i32>} : memref<400x64xf32, #tpu.memory_space<vmem>>, vector<16xf32>,
          %add3A_340 = arith.addf %add3A_314, %get3A_339 : vector<16xf32>
          %add3A_341 = arith.constant 200 : i32
          %add3A_342 = arith.addi %add3A_341, %scan3A_334 : i32
          %get3A_343 = arith.index_cast %add3A_342 : i32 to index
          %get3A_344 = arith.constant 16 : index
          %get3A_345 = tpu.vector_load %arg12[%get3A_343, %get3A_344] {strides = array<i32>} : memref<400x64xf32, #tpu.memory_space<vmem>>, vector<16xf32>,
          %add3A_346 = arith.addf %add3A_320, %get3A_345 : vector<16xf32>
          %add3A_347 = arith.constant 200 : i32
          %add3A_348 = arith.addi %add3A_347, %scan3A_334 : i32
          %get3A_349 = arith.index_cast %add3A_348 : i32 to index
          %get3A_350 = arith.constant 32 : index
          %get3A_351 = tpu.vector_load %arg12[%get3A_349, %get3A_350] {strides = array<i32>} : memref<400x64xf32, #tpu.memory_space<vmem>>, vector<16xf32>,
          %add3A_352 = arith.addf %add3A_326, %get3A_351 : vector<16xf32>
          %add3A_353 = arith.constant 200 : i32
          %add3A_354 = arith.addi %add3A_353, %scan3A_334 : i32
          %get3A_355 = arith.index_cast %add3A_354 : i32 to index
          %get3A_356 = arith.constant 48 : index
          %get3A_357 = tpu.vector_load %arg12[%get3A_355, %get3A_356] {strides = array<i32>} : memref<400x64xf32, #tpu.memory_space<vmem>>, vector<16xf32>,
          %add3A_358 = arith.addf %add3A_332, %get3A_357 : vector<16xf32>
          %scan3A_359 = arith.constant 2 : i32
          %scan3A_360 = arith.addi %scan3A_305, %scan3A_359 : i32
          %add3A_361 = arith.constant 200 : i32
          %add3A_362 = arith.addi %add3A_361, %scan3A_360 : i32
          %get3A_363 = arith.index_cast %add3A_362 : i32 to index
          %get3A_364 = arith.constant 0 : index
          %get3A_365 = tpu.vector_load %arg12[%get3A_363, %get3A_364] {strides = array<i32>} : memref<400x64xf32, #tpu.memory_space<vmem>>, vector<16xf32>,
          %add3A_366 = arith.addf %add3A_340, %get3A_365 : vector<16xf32>
          %add3A_367 = arith.constant 200 : i32
          %add3A_368 = arith.addi %add3A_367, %scan3A_360 : i32
          %get3A_369 = arith.index_cast %add3A_368 : i32 to index
          %get3A_370 = arith.constant 16 : index
          %get3A_371 = tpu.vector_load %arg12[%get3A_369, %get3A_370] {strides = array<i32>} : memref<400x64xf32, #tpu.memory_space<vmem>>, vector<16xf32>,
          %add3A_372 = arith.addf %add3A_346, %get3A_371 : vector<16xf32>
          %add3A_373 = arith.constant 200 : i32
          %add3A_374 = arith.addi %add3A_373, %scan3A_360 : i32
          %get3A_375 = arith.index_cast %add3A_374 : i32 to index
          %get3A_376 = arith.constant 32 : index
          %get3A_377 = tpu.vector_load %arg12[%get3A_375, %get3A_376] {strides = array<i32>} : memref<400x64xf32, #tpu.memory_space<vmem>>, vector<16xf32>,
          %add3A_378 = arith.addf %add3A_352, %get3A_377 : vector<16xf32>
          %add3A_379 = arith.constant 200 : i32
          %add3A_380 = arith.addi %add3A_379, %scan3A_360 : i32
          %get3A_381 = arith.index_cast %add3A_380 : i32 to index
          %get3A_382 = arith.constant 48 : index
          %get3A_383 = tpu.vector_load %arg12[%get3A_381, %get3A_382] {strides = array<i32>} : memref<400x64xf32, #tpu.memory_space<vmem>>, vector<16xf32>,
          %add3A_384 = arith.addf %add3A_358, %get3A_383 : vector<16xf32>
          %scan3A_385 = arith.constant 3 : i32
          %scan3A_386 = arith.addi %scan3A_305, %scan3A_385 : i32
          %add3A_387 = arith.constant 200 : i32
          %add3A_388 = arith.addi %add3A_387, %scan3A_386 : i32
          %get3A_389 = arith.index_cast %add3A_388 : i32 to index
          %get3A_390 = arith.constant 0 : index
          %get3A_391 = tpu.vector_load %arg12[%get3A_389, %get3A_390] {strides = array<i32>} : memref<400x64xf32, #tpu.memory_space<vmem>>, vector<16xf32>,
          %add3A_392 = arith.addf %add3A_366, %get3A_391 : vector<16xf32>
          %add3A_393 = arith.constant 200 : i32
          %add3A_394 = arith.addi %add3A_393, %scan3A_386 : i32
          %get3A_395 = arith.index_cast %add3A_394 : i32 to index
          %get3A_396 = arith.constant 16 : index
          %get3A_397 = tpu.vector_load %arg12[%get3A_395, %get3A_396] {strides = array<i32>} : memref<400x64xf32, #tpu.memory_space<vmem>>, vector<16xf32>,
          %add3A_398 = arith.addf %add3A_372, %get3A_397 : vector<16xf32>
          %add3A_399 = arith.constant 200 : i32
          %add3A_400 = arith.addi %add3A_399, %scan3A_386 : i32
          %get3A_401 = arith.index_cast %add3A_400 : i32 to index
          %get3A_402 = arith.constant 32 : index
          %get3A_403 = tpu.vector_load %arg12[%get3A_401, %get3A_402] {strides = array<i32>} : memref<400x64xf32, #tpu.memory_space<vmem>>, vector<16xf32>,
          %add3A_404 = arith.addf %add3A_378, %get3A_403 : vector<16xf32>
          %add3A_405 = arith.constant 200 : i32
          %add3A_406 = arith.addi %add3A_405, %scan3A_386 : i32
          %get3A_407 = arith.index_cast %add3A_406 : i32 to index
          %get3A_408 = arith.constant 48 : index
          %get3A_409 = tpu.vector_load %arg12[%get3A_407, %get3A_408] {strides = array<i32>} : memref<400x64xf32, #tpu.memory_space<vmem>>, vector<16xf32>,
          %add3A_410 = arith.addf %add3A_384, %get3A_409 : vector<16xf32>
          %scan3A_411 = arith.constant 4 : i32
          %scan3A_412 = arith.addi %scan3A_305, %scan3A_411 : i32
          %add3A_413 = arith.constant 200 : i32
          %add3A_414 = arith.addi %add3A_413, %scan3A_412 : i32
          %get3A_415 = arith.index_cast %add3A_414 : i32 to index
          %get3A_416 = arith.constant 0 : index
          %get3A_417 = tpu.vector_load %arg12[%get3A_415, %get3A_416] {strides = array<i32>} : memref<400x64xf32, #tpu.memory_space<vmem>>, vector<16xf32>,
          %add3A_418 = arith.addf %add3A_392, %get3A_417 : vector<16xf32>
          %add3A_419 = arith.constant 200 : i32
          %add3A_420 = arith.addi %add3A_419, %scan3A_412 : i32
          %get3A_421 = arith.index_cast %add3A_420 : i32 to index
          %get3A_422 = arith.constant 16 : index
          %get3A_423 = tpu.vector_load %arg12[%get3A_421, %get3A_422] {strides = array<i32>} : memref<400x64xf32, #tpu.memory_space<vmem>>, vector<16xf32>,
          %add3A_424 = arith.addf %add3A_398, %get3A_423 : vector<16xf32>
          %add3A_425 = arith.constant 200 : i32
          %add3A_426 = arith.addi %add3A_425, %scan3A_412 : i32
          %get3A_427 = arith.index_cast %add3A_426 : i32 to index
          %get3A_428 = arith.constant 32 : index
          %get3A_429 = tpu.vector_load %arg12[%get3A_427, %get3A_428] {strides = array<i32>} : memref<400x64xf32, #tpu.memory_space<vmem>>, vector<16xf32>,
          %add3A_430 = arith.addf %add3A_404, %get3A_429 : vector<16xf32>
          %add3A_431 = arith.constant 200 : i32
          %add3A_432 = arith.addi %add3A_431, %scan3A_412 : i32
          %get3A_433 = arith.index_cast %add3A_432 : i32 to index
          %get3A_434 = arith.constant 48 : index
          %get3A_435 = tpu.vector_load %arg12[%get3A_433, %get3A_434] {strides = array<i32>} : memref<400x64xf32, #tpu.memory_space<vmem>>, vector<16xf32>,
          %add3A_436 = arith.addf %add3A_410, %get3A_435 : vector<16xf32>
          %scan3A_437 = arith.constant 5 : i32
          %scan3A_438 = arith.addi %scan3A_305, %scan3A_437 : i32
          %add3A_439 = arith.constant 200 : i32
          %add3A_440 = arith.addi %add3A_439, %scan3A_438 : i32
          %get3A_441 = arith.index_cast %add3A_440 : i32 to index
          %get3A_442 = arith.constant 0 : index
          %get3A_443 = tpu.vector_load %arg12[%get3A_441, %get3A_442] {strides = array<i32>} : memref<400x64xf32, #tpu.memory_space<vmem>>, vector<16xf32>,
          %add3A_444 = arith.addf %add3A_418, %get3A_443 : vector<16xf32>
          %add3A_445 = arith.constant 200 : i32
          %add3A_446 = arith.addi %add3A_445, %scan3A_438 : i32
          %get3A_447 = arith.index_cast %add3A_446 : i32 to index
          %get3A_448 = arith.constant 16 : index
          %get3A_449 = tpu.vector_load %arg12[%get3A_447, %get3A_448] {strides = array<i32>} : memref<400x64xf32, #tpu.memory_space<vmem>>, vector<16xf32>,
          %add3A_450 = arith.addf %add3A_424, %get3A_449 : vector<16xf32>
          %add3A_451 = arith.constant 200 : i32
          %add3A_452 = arith.addi %add3A_451, %scan3A_438 : i32
          %get3A_453 = arith.index_cast %add3A_452 : i32 to index
          %get3A_454 = arith.constant 32 : index
          %get3A_455 = tpu.vector_load %arg12[%get3A_453, %get3A_454] {strides = array<i32>} : memref<400x64xf32, #tpu.memory_space<vmem>>, vector<16xf32>,
          %add3A_456 = arith.addf %add3A_430, %get3A_455 : vector<16xf32>
          %add3A_457 = arith.constant 200 : i32
          %add3A_458 = arith.addi %add3A_457, %scan3A_438 : i32
          %get3A_459 = arith.index_cast %add3A_458 : i32 to index
          %get3A_460 = arith.constant 48 : index
          %get3A_461 = tpu.vector_load %arg12[%get3A_459, %get3A_460] {strides = array<i32>} : memref<400x64xf32, #tpu.memory_space<vmem>>, vector<16xf32>,
          %add3A_462 = arith.addf %add3A_436, %get3A_461 : vector<16xf32>
          %scan3A_463 = arith.constant 6 : i32
          %scan3A_464 = arith.addi %scan3A_305, %scan3A_463 : i32
          %add3A_465 = arith.constant 200 : i32
          %add3A_466 = arith.addi %add3A_465, %scan3A_464 : i32
          %get3A_467 = arith.index_cast %add3A_466 : i32 to index
          %get3A_468 = arith.constant 0 : index
          %get3A_469 = tpu.vector_load %arg12[%get3A_467, %get3A_468] {strides = array<i32>} : memref<400x64xf32, #tpu.memory_space<vmem>>, vector<16xf32>,
          %add3A_470 = arith.addf %add3A_444, %get3A_469 : vector<16xf32>
          %add3A_471 = arith.constant 200 : i32
          %add3A_472 = arith.addi %add3A_471, %scan3A_464 : i32
          %get3A_473 = arith.index_cast %add3A_472 : i32 to index
          %get3A_474 = arith.constant 16 : index
          %get3A_475 = tpu.vector_load %arg12[%get3A_473, %get3A_474] {strides = array<i32>} : memref<400x64xf32, #tpu.memory_space<vmem>>, vector<16xf32>,
          %add3A_476 = arith.addf %add3A_450, %get3A_475 : vector<16xf32>
          %add3A_477 = arith.constant 200 : i32
          %add3A_478 = arith.addi %add3A_477, %scan3A_464 : i32
          %get3A_479 = arith.index_cast %add3A_478 : i32 to index
          %get3A_480 = arith.constant 32 : index
          %get3A_481 = tpu.vector_load %arg12[%get3A_479, %get3A_480] {strides = array<i32>} : memref<400x64xf32, #tpu.memory_space<vmem>>, vector<16xf32>,
          %add3A_482 = arith.addf %add3A_456, %get3A_481 : vector<16xf32>
          %add3A_483 = arith.constant 200 : i32
          %add3A_484 = arith.addi %add3A_483, %scan3A_464 : i32
          %get3A_485 = arith.index_cast %add3A_484 : i32 to index
          %get3A_486 = arith.constant 48 : index
          %get3A_487 = tpu.vector_load %arg12[%get3A_485, %get3A_486] {strides = array<i32>} : memref<400x64xf32, #tpu.memory_space<vmem>>, vector<16xf32>,
          %add3A_488 = arith.addf %add3A_462, %get3A_487 : vector<16xf32>
          %scan3A_489 = arith.constant 7 : i32
          %scan3A_490 = arith.addi %scan3A_305, %scan3A_489 : i32
          %add3A_491 = arith.constant 200 : i32
          %add3A_492 = arith.addi %add3A_491, %scan3A_490 : i32
          %get3A_493 = arith.index_cast %add3A_492 : i32 to index
          %get3A_494 = arith.constant 0 : index
          %get3A_495 = tpu.vector_load %arg12[%get3A_493, %get3A_494] {strides = array<i32>} : memref<400x64xf32, #tpu.memory_space<vmem>>, vector<16xf32>,
          %add3A_496 = arith.addf %add3A_470, %get3A_495 : vector<16xf32>
          %add3A_497 = arith.constant 200 : i32
          %add3A_498 = arith.addi %add3A_497, %scan3A_490 : i32
          %get3A_499 = arith.index_cast %add3A_498 : i32 to index
          %get3A_500 = arith.constant 16 : index
          %get3A_501 = tpu.vector_load %arg12[%get3A_499, %get3A_500] {strides = array<i32>} : memref<400x64xf32, #tpu.memory_space<vmem>>, vector<16xf32>,
          %add3A_502 = arith.addf %add3A_476, %get3A_501 : vector<16xf32>
          %add3A_503 = arith.constant 200 : i32
          %add3A_504 = arith.addi %add3A_503, %scan3A_490 : i32
          %get3A_505 = arith.index_cast %add3A_504 : i32 to index
          %get3A_506 = arith.constant 32 : index
          %get3A_507 = tpu.vector_load %arg12[%get3A_505, %get3A_506] {strides = array<i32>} : memref<400x64xf32, #tpu.memory_space<vmem>>, vector<16xf32>,
          %add3A_508 = arith.addf %add3A_482, %get3A_507 : vector<16xf32>
          %add3A_509 = arith.constant 200 : i32
          %add3A_510 = arith.addi %add3A_509, %scan3A_490 : i32
          %get3A_511 = arith.index_cast %add3A_510 : i32 to index
          %get3A_512 = arith.constant 48 : index
          %get3A_513 = tpu.vector_load %arg12[%get3A_511, %get3A_512] {strides = array<i32>} : memref<400x64xf32, #tpu.memory_space<vmem>>, vector<16xf32>,
          %add3A_514 = arith.addf %add3A_488, %get3A_513 : vector<16xf32>
          scf.yield %add3A_496, %add3A_502, %add3A_508, %add3A_514 : vector<16xf32>, vector<16xf32>, vector<16xf32>, vector<16xf32>
        }
        %scan3A_276 = arith.constant 200 : i32
        %mul3A_277 = arith.constant 2 : i32
        %mul3A_278 = arith.muli %mul3A_277, %add3A_209 : i32
        %add3A_279 = arith.constant 1 : i32
        %add3A_280 = arith.addi %mul3A_278, %add3A_279 : i32
        %swap3A_281 = arith.index_cast %add3A_280 : i32 to index
        %swap3A_282 = arith.constant 0 : index
        %swap3A_283 = tpu.vector_load %arg13[%swap3A_281, %swap3A_282] {strides = array<i32>} : memref<128x64xf32, #tpu.memory_space<vmem>>, vector<16xf32>,
        tpu.vector_store %arg13[%swap3A_281, %swap3A_282], %scan3A_275#0 {strides = array<i32>} : memref<128x64xf32, #tpu.memory_space<vmem>>, vector<16xf32>,
        %mul3A_284 = arith.constant 2 : i32
        %mul3A_285 = arith.muli %mul3A_284, %add3A_209 : i32
        %add3A_286 = arith.constant 1 : i32
        %add3A_287 = arith.addi %mul3A_285, %add3A_286 : i32
        %swap3A_288 = arith.index_cast %add3A_287 : i32 to index
        %swap3A_289 = arith.constant 16 : index
        %swap3A_290 = tpu.vector_load %arg13[%swap3A_288, %swap3A_289] {strides = array<i32>} : memref<128x64xf32, #tpu.memory_space<vmem>>, vector<16xf32>,
        tpu.vector_store %arg13[%swap3A_288, %swap3A_289], %scan3A_275#1 {strides = array<i32>} : memref<128x64xf32, #tpu.memory_space<vmem>>, vector<16xf32>,
        %mul3A_291 = arith.constant 2 : i32
        %mul3A_292 = arith.muli %mul3A_291, %add3A_209 : i32
        %add3A_293 = arith.constant 1 : i32
        %add3A_294 = arith.addi %mul3A_292, %add3A_293 : i32
        %swap3A_295 = arith.index_cast %add3A_294 : i32 to index
        %swap3A_296 = arith.constant 32 : index
        %swap3A_297 = tpu.vector_load %arg13[%swap3A_295, %swap3A_296] {strides = array<i32>} : memref<128x64xf32, #tpu.memory_space<vmem>>, vector<16xf32>,
        tpu.vector_store %arg13[%swap3A_295, %swap3A_296], %scan3A_275#2 {strides = array<i32>} : memref<128x64xf32, #tpu.memory_space<vmem>>, vector<16xf32>,
        %mul3A_298 = arith.constant 2 : i32
        %mul3A_299 = arith.muli %mul3A_298, %add3A_209 : i32
        %add3A_300 = arith.constant 1 : i32
        %add3A_301 = arith.addi %mul3A_299, %add3A_300 : i32
        %swap3A_302 = arith.index_cast %add3A_301 : i32 to index
        %swap3A_303 = arith.constant 48 : index
        %swap3A_304 = tpu.vector_load %arg13[%swap3A_302, %swap3A_303] {strides = array<i32>} : memref<128x64xf32, #tpu.memory_space<vmem>>, vector<16xf32>,
        tpu.vector_store %arg13[%swap3A_302, %swap3A_303], %scan3A_275#3 {strides = array<i32>} : memref<128x64xf32, #tpu.memory_space<vmem>>, vector<16xf32>,
      }
      %scan3A_49 = arith.constant 32 : i32
      %mul3A_50 = arith.constant 128 : i32
      %mul3A_51 = arith.muli %add3A_35, %mul3A_50 : i32
      %add3A_52 = arith.addi %mul3A_2, %mul3A_51 : i32
      %dma_start3A_53 = arith.constant 0 : i32
      %dma_start3A_54 = tpu.memref_slice %arg6[%add3A_52, %dma_start3A_53] : memref<16384x64xf32, #tpu.memory_space<hbm>> -> memref<128x64xf32, #tpu.memory_space<hbm>>
      %dma_start3A_55 = arith.constant 0 : i32
      %dma_start3A_56 = tpu.memref_slice %arg6[%add3A_52, %dma_start3A_55] : memref<16384x64xf32, #tpu.memory_space<hbm>> -> memref<128x64xf32, #tpu.memory_space<hbm>>
      tpu.enqueue_dma source(%arg13 : memref<128x64xf32, #tpu.memory_space<vmem>>) target(%dma_start3A_56 : memref<128x64xf32, #tpu.memory_space<hbm>>) target_semaphore(%arg21 : memref<!tpu.dma_semaphore, #tpu.memory_space<semaphore_mem>>)
      %dma_wait3A_57 = arith.constant 0 : i32
      %dma_wait3A_58 = arith.constant 0 : i32
      %dma_wait3A_59 = tpu.memref_slice %arg5[%dma_wait3A_57, %dma_wait3A_58] : memref<1000x64xf32, #tpu.memory_space<hbm>> -> memref<128x64xf32, #tpu.memory_space<hbm>>
      %dma_wait3A_60 = arith.constant 0 : i32
      %dma_wait3A_61 = arith.constant 0 : i32
      %dma_wait3A_62 = tpu.memref_slice %arg5[%dma_wait3A_60, %dma_wait3A_61] : memref<1000x64xf32, #tpu.memory_space<hbm>> -> memref<128x64xf32, #tpu.memory_space<hbm>>
      tpu.wait_dma2 semaphore(%arg18 : memref<!tpu.dma_semaphore, #tpu.memory_space<semaphore_mem>>) src(%dma_wait3A_62 : memref<128x64xf32, #tpu.memory_space<hbm>>) dst(%arg15 : memref<128x64xf32, #tpu.memory_space<vmem>>)
      "tpu.region"() ({
        %run_scoped3A = tpu.sem_alloc : memref<!tpu.dma_semaphore, #tpu.memory_space<semaphore_mem>>
        %dma_start3A_110 = arith.constant 0 : i32
        %dma_start3A_111 = tpu.memref_slice %arg7[%add3A_38, %dma_start3A_110] : memref<16384x64xf32, #tpu.memory_space<hbm>> -> memref<128x64xf32, #tpu.memory_space<hbm>>
        %dma_start3A_112 = arith.constant 0 : i32
        %dma_start3A_113 = tpu.memref_slice %arg7[%add3A_38, %dma_start3A_112] : memref<16384x64xf32, #tpu.memory_space<hbm>> -> memref<128x64xf32, #tpu.memory_space<hbm>>
        tpu.enqueue_dma source(%arg15 : memref<128x64xf32, #tpu.memory_space<vmem>>) target(%dma_start3A_113 : memref<128x64xf32, #tpu.memory_space<hbm>>) target_semaphore(%run_scoped3A : memref<!tpu.dma_semaphore, #tpu.memory_space<semaphore_mem>>)
        %dma_wait3A_114 = arith.constant 0 : i32
        %dma_wait3A_115 = tpu.memref_slice %arg7[%add3A_38, %dma_wait3A_114] : memref<16384x64xf32, #tpu.memory_space<hbm>> -> memref<128x64xf32, #tpu.memory_space<hbm>>
        %dma_wait3A_116 = arith.constant 0 : i32
        %dma_wait3A_117 = tpu.memref_slice %arg7[%add3A_38, %dma_wait3A_116] : memref<16384x64xf32, #tpu.memory_space<hbm>> -> memref<128x64xf32, #tpu.memory_space<hbm>>
        tpu.wait_dma2 semaphore(%run_scoped3A : memref<!tpu.dma_semaphore, #tpu.memory_space<semaphore_mem>>) src(%arg15 : memref<128x64xf32, #tpu.memory_space<vmem>>) dst(%dma_wait3A_117 : memref<128x64xf32, #tpu.memory_space<hbm>>)
        tpu.yield
      }) : () -> ()
      %add3A_63 = arith.constant 2 : i32
      %add3A_64 = arith.addi %add3A_35, %add3A_63 : i32
      %lt3A = arith.constant 4 : i32
      %lt3A_65 = arith.cmpi slt, %add3A_64, %lt3A : i32
      %convert_element_type3A_66 = arith.extui %lt3A_65 : i1 to i32
      %cond3A_67 = arith.constant 0 : i32
      %cond3A_68 = arith.cmpi ne, %convert_element_type3A_66, %cond3A_67 : i32
      scf.if %cond3A_68 {
        %add3A_110 = arith.constant 2 : i32
        %add3A_111 = arith.addi %add3A_35, %add3A_110 : i32
        %mul3A_112 = arith.constant 128 : i32
        %mul3A_113 = arith.muli %add3A_111, %mul3A_112 : i32
        %add3A_114 = arith.addi %mul3A_2, %mul3A_113 : i32
        %mul3A_115 = arith.constant 200 : i32
        %mul3A_116 = arith.muli %add3A_114, %mul3A_115 : i32
        %dma_start3A_117 = tpu.memref_slice %arg2[%mul3A_116] : memref<3276800xi32, #tpu.memory_space<hbm>> -> memref<25600xi32, #tpu.memory_space<hbm>>
        %dma_start3A_118 = tpu.memref_slice %arg2[%mul3A_116] : memref<3276800xi32, #tpu.memory_space<hbm>> -> memref<25600xi32, #tpu.memory_space<hbm>>
        tpu.enqueue_dma source(%dma_start3A_118 : memref<25600xi32, #tpu.memory_space<hbm>>) target(%arg8 : memref<25600xi32, #tpu.memory_space<vmem>>) target_semaphore(%arg19 : memref<!tpu.dma_semaphore, #tpu.memory_space<semaphore_mem>>)
      } else {
      }
      %mul3A_69 = arith.constant 2 : i32
      %mul3A_70 = arith.muli %mul3A_69, %scan3A_31 : i32
      %add3A_71 = arith.constant 1 : i32
      %add3A_72 = arith.addi %mul3A_70, %add3A_71 : i32
      %mul3A_73 = arith.constant 128 : i32
      %mul3A_74 = arith.muli %add3A_72, %mul3A_73 : i32
      %add3A_75 = arith.addi %mul3A_2, %mul3A_74 : i32
      %ge3A_76 = arith.constant 2 : i32
      %ge3A_77 = arith.cmpi sge, %add3A_72, %ge3A_76 : i32
      %convert_element_type3A_78 = arith.extui %ge3A_77 : i1 to i32
      %cond3A_79 = arith.constant 0 : i32
      %cond3A_80 = arith.cmpi ne, %convert_element_type3A_78, %cond3A_79 : i32
      scf.if %cond3A_80 {
        %dma_wait3A_110 = arith.constant 0 : i32
        %dma_wait3A_111 = arith.constant 0 : i32
        %dma_wait3A_112 = tpu.memref_slice %arg6[%dma_wait3A_110, %dma_wait3A_111] : memref<16384x64xf32, #tpu.memory_space<hbm>> -> memref<128x64xf32, #tpu.memory_space<hbm>>
        %dma_wait3A_113 = arith.constant 0 : i32
        %dma_wait3A_114 = arith.constant 0 : i32
        %dma_wait3A_115 = tpu.memref_slice %arg6[%dma_wait3A_113, %dma_wait3A_114] : memref<16384x64xf32, #tpu.memory_space<hbm>> -> memref<128x64xf32, #tpu.memory_space<hbm>>
        tpu.wait_dma2 semaphore(%arg22 : memref<!tpu.dma_semaphore, #tpu.memory_space<semaphore_mem>>) src(%arg14 : memref<128x64xf32, #tpu.memory_space<vmem>>) dst(%dma_wait3A_115 : memref<128x64xf32, #tpu.memory_space<hbm>>)
      } else {
      }
      "tpu.region"() ({
        %run_scoped3A = tpu.sem_alloc : memref<!tpu.dma_semaphore, #tpu.memory_space<semaphore_mem>>
        %dma_start3A_110 = tpu.memref_slice %arg3[%add3A_75] : memref<16384xi32, #tpu.memory_space<hbm>> -> memref<128xi32, #tpu.memory_space<hbm>>
        %dma_start3A_111 = tpu.memref_slice %arg3[%add3A_75] : memref<16384xi32, #tpu.memory_space<hbm>> -> memref<128xi32, #tpu.memory_space<hbm>>
        tpu.enqueue_dma source(%dma_start3A_111 : memref<128xi32, #tpu.memory_space<hbm>>) target(%arg10 : memref<128xi32, #tpu.memory_space<vmem>>) target_semaphore(%run_scoped3A : memref<!tpu.dma_semaphore, #tpu.memory_space<semaphore_mem>>)
        %dma_wait3A_112 = tpu.memref_slice %arg3[%add3A_75] : memref<16384xi32, #tpu.memory_space<hbm>> -> memref<128xi32, #tpu.memory_space<hbm>>
        %dma_wait3A_113 = tpu.memref_slice %arg3[%add3A_75] : memref<16384xi32, #tpu.memory_space<hbm>> -> memref<128xi32, #tpu.memory_space<hbm>>
        tpu.wait_dma2 semaphore(%run_scoped3A : memref<!tpu.dma_semaphore, #tpu.memory_space<semaphore_mem>>) src(%dma_wait3A_113 : memref<128xi32, #tpu.memory_space<hbm>>) dst(%arg10 : memref<128xi32, #tpu.memory_space<vmem>>)
        tpu.yield
      }) : () -> ()
      %dma_start3A_81 = arith.constant 0 : i32
      %dma_start3A_82 = arith.constant 0 : i32
      %dma_start3A_83 = tpu.memref_slice %arg5[%dma_start3A_81, %dma_start3A_82] : memref<1000x64xf32, #tpu.memory_space<hbm>> -> memref<1000x64xf32, #tpu.memory_space<hbm>>
      tpu.enqueue_indirect_dma source(%dma_start3A_83 : memref<1000x64xf32, #tpu.memory_space<hbm>>) target(%arg15 : memref<128x64xf32, #tpu.memory_space<vmem>>) offsets(%arg10 : memref<128xi32, #tpu.memory_space<vmem>>) semaphore(%arg18 : memref<!tpu.dma_semaphore, #tpu.memory_space<semaphore_mem>>)
      %scan3A_84 = arith.constant 0 : i32
      %scan3A_85 = arith.constant 0 : i32
      %scan3A_86 = arith.constant 32 : i32
      %scan3A_87 = arith.addi %scan3A_85, %scan3A_86 : i32
      %scan3A_88 = arith.constant 1 : i32
      scf.for %scan3A_110 = %scan3A_85 to %scan3A_87 step %scan3A_88  : i32 {
        %mul3A_111 = arith.constant 2 : i32
        %mul3A_112 = arith.muli %mul3A_111, %scan3A_110 : i32
        %add3A_113 = arith.constant 0 : i32
        %add3A_114 = arith.addi %mul3A_112, %add3A_113 : i32
        %add3A_115 = arith.constant 1 : i32
        %add3A_116 = arith.addi %add3A_114, %add3A_115 : i32
        %lt3A_117 = arith.constant 64 : i32
        %lt3A_118 = arith.cmpi slt, %add3A_116, %lt3A_117 : i32
        %convert_element_type3A_119 = arith.extui %lt3A_118 : i1 to i32
        %cond3A_120 = arith.constant 0 : i32
        %cond3A_121 = arith.cmpi ne, %convert_element_type3A_119, %cond3A_120 : i32
        scf.if %cond3A_121 {
          %add3A_305 = arith.constant 1 : i32
          %add3A_306 = arith.addi %add3A_114, %add3A_305 : i32
          %mul3A_307 = arith.constant 400 : i32
          %mul3A_308 = arith.muli %add3A_306, %mul3A_307 : i32
          %dma_start3A_309 = tpu.memref_slice %arg9[%mul3A_308] : memref<25600xi32, #tpu.memory_space<vmem>> -> memref<400xi32, #tpu.memory_space<vmem>>
          %dma_start3A_310 = arith.constant 0 : i32
          %dma_start3A_311 = arith.constant 0 : i32
          %dma_start3A_312 = tpu.memref_slice %arg4[%dma_start3A_310, %dma_start3A_311] : memref<100000x64xf32, #tpu.memory_space<hbm>> -> memref<100000x64xf32, #tpu.memory_space<hbm>>
          tpu.enqueue_indirect_dma source(%dma_start3A_312 : memref<100000x64xf32, #tpu.memory_space<hbm>>) target(%arg12 : memref<400x64xf32, #tpu.memory_space<vmem>>) offsets(%dma_start3A_309 : memref<400xi32, #tpu.memory_space<vmem>>) semaphore(%arg17 : memref<!tpu.dma_semaphore, #tpu.memory_space<semaphore_mem>>)
        } else {
        }
        %add3A_122 = arith.constant 1 : i32
        %add3A_123 = arith.addi %add3A_114, %add3A_122 : i32
        %eq3A = arith.constant 64 : i32
        %eq3A_124 = arith.cmpi eq, %add3A_123, %eq3A : i32
        %add3A_125 = arith.constant 1 : i32
        %add3A_126 = arith.addi %add3A_72, %add3A_125 : i32
        %lt3A_127 = arith.constant 4 : i32
        %lt3A_128 = arith.cmpi slt, %add3A_126, %lt3A_127 : i32
        %and3A = arith.andi %eq3A_124, %lt3A_128 : i1
        %convert_element_type3A_129 = arith.extui %and3A : i1 to i32
        %cond3A_130 = arith.constant 0 : i32
        %cond3A_131 = arith.cmpi ne, %convert_element_type3A_129, %cond3A_130 : i32
        scf.if %cond3A_131 {
          %dma_wait3A_305 = arith.constant 0 : i32
          %dma_wait3A_306 = tpu.memref_slice %arg2[%dma_wait3A_305] : memref<3276800xi32, #tpu.memory_space<hbm>> -> memref<25600xi32, #tpu.memory_space<hbm>>
          %dma_wait3A_307 = arith.constant 0 : i32
          %dma_wait3A_308 = tpu.memref_slice %arg2[%dma_wait3A_307] : memref<3276800xi32, #tpu.memory_space<hbm>> -> memref<25600xi32, #tpu.memory_space<hbm>>
          tpu.wait_dma2 semaphore(%arg19 : memref<!tpu.dma_semaphore, #tpu.memory_space<semaphore_mem>>) src(%dma_wait3A_308 : memref<25600xi32, #tpu.memory_space<hbm>>) dst(%arg8 : memref<25600xi32, #tpu.memory_space<vmem>>)
          %dma_start3A_309 = arith.constant 0 : i32
          %dma_start3A_310 = tpu.memref_slice %arg8[%dma_start3A_309] : memref<25600xi32, #tpu.memory_space<vmem>> -> memref<400xi32, #tpu.memory_space<vmem>>
          %dma_start3A_311 = arith.constant 0 : i32
          %dma_start3A_312 = arith.constant 0 : i32
          %dma_start3A_313 = tpu.memref_slice %arg4[%dma_start3A_311, %dma_start3A_312] : memref<100000x64xf32, #tpu.memory_space<hbm>> -> memref<100000x64xf32, #tpu.memory_space<hbm>>
          tpu.enqueue_indirect_dma source(%dma_start3A_313 : memref<100000x64xf32, #tpu.memory_space<hbm>>) target(%arg12 : memref<400x64xf32, #tpu.memory_space<vmem>>) offsets(%dma_start3A_310 : memref<400xi32, #tpu.memory_space<vmem>>) semaphore(%arg17 : memref<!tpu.dma_semaphore, #tpu.memory_space<semaphore_mem>>)
        } else {
        }
        %dma_wait3A_132 = arith.constant 0 : i32
        %dma_wait3A_133 = arith.constant 0 : i32
        %dma_wait3A_134 = tpu.memref_slice %arg4[%dma_wait3A_132, %dma_wait3A_133] : memref<100000x64xf32, #tpu.memory_space<hbm>> -> memref<400x64xf32, #tpu.memory_space<hbm>>
        %dma_wait3A_135 = arith.constant 0 : i32
        %dma_wait3A_136 = arith.constant 0 : i32
        %dma_wait3A_137 = tpu.memref_slice %arg4[%dma_wait3A_135, %dma_wait3A_136] : memref<100000x64xf32, #tpu.memory_space<hbm>> -> memref<400x64xf32, #tpu.memory_space<hbm>>
        tpu.wait_dma2 semaphore(%arg16 : memref<!tpu.dma_semaphore, #tpu.memory_space<semaphore_mem>>) src(%dma_wait3A_137 : memref<400x64xf32, #tpu.memory_space<hbm>>) dst(%arg11 : memref<400x64xf32, #tpu.memory_space<vmem>>)
        %broadcast_in_dim3A = arith.constant 0.000000e+00 : f32
        %broadcast_in_dim3A_138 = vector.broadcast %broadcast_in_dim3A : f32 to vector<16xf32>
        %scan3A_139 = arith.constant 0 : i32
        %scan3A_140 = arith.constant 200 : i32
        %scan3A_141 = arith.addi %scan3A_139, %scan3A_140 : i32
        %scan3A_142 = arith.constant 8 : i32
        %scan3A_143:4 = scf.for %scan3A_305 = %scan3A_139 to %scan3A_141 step %scan3A_142 iter_args(%scan3A_306 = %broadcast_in_dim3A_138, %scan3A_307 = %broadcast_in_dim3A_138, %scan3A_308 = %broadcast_in_dim3A_138, %scan3A_309 = %broadcast_in_dim3A_138) -> (vector<16xf32>, vector<16xf32>, vector<16xf32>, vector<16xf32>)  : i32 {
          %add3A_310 = arith.constant 0 : i32
          %add3A_311 = arith.addi %add3A_310, %scan3A_305 : i32
          %get3A = arith.index_cast %add3A_311 : i32 to index
          %get3A_312 = arith.constant 0 : index
          %get3A_313 = tpu.vector_load %arg11[%get3A, %get3A_312] {strides = array<i32>} : memref<400x64xf32, #tpu.memory_space<vmem>>, vector<16xf32>,
          %add3A_314 = arith.addf %scan3A_306, %get3A_313 : vector<16xf32>
          %add3A_315 = arith.constant 0 : i32
          %add3A_316 = arith.addi %add3A_315, %scan3A_305 : i32
          %get3A_317 = arith.index_cast %add3A_316 : i32 to index
          %get3A_318 = arith.constant 16 : index
          %get3A_319 = tpu.vector_load %arg11[%get3A_317, %get3A_318] {strides = array<i32>} : memref<400x64xf32, #tpu.memory_space<vmem>>, vector<16xf32>,
          %add3A_320 = arith.addf %scan3A_307, %get3A_319 : vector<16xf32>
          %add3A_321 = arith.constant 0 : i32
          %add3A_322 = arith.addi %add3A_321, %scan3A_305 : i32
          %get3A_323 = arith.index_cast %add3A_322 : i32 to index
          %get3A_324 = arith.constant 32 : index
          %get3A_325 = tpu.vector_load %arg11[%get3A_323, %get3A_324] {strides = array<i32>} : memref<400x64xf32, #tpu.memory_space<vmem>>, vector<16xf32>,
          %add3A_326 = arith.addf %scan3A_308, %get3A_325 : vector<16xf32>
          %add3A_327 = arith.constant 0 : i32
          %add3A_328 = arith.addi %add3A_327, %scan3A_305 : i32
          %get3A_329 = arith.index_cast %add3A_328 : i32 to index
          %get3A_330 = arith.constant 48 : index
          %get3A_331 = tpu.vector_load %arg11[%get3A_329, %get3A_330] {strides = array<i32>} : memref<400x64xf32, #tpu.memory_space<vmem>>, vector<16xf32>,
          %add3A_332 = arith.addf %scan3A_309, %get3A_331 : vector<16xf32>
          %scan3A_333 = arith.constant 1 : i32
          %scan3A_334 = arith.addi %scan3A_305, %scan3A_333 : i32
          %add3A_335 = arith.constant 0 : i32
          %add3A_336 = arith.addi %add3A_335, %scan3A_334 : i32
          %get3A_337 = arith.index_cast %add3A_336 : i32 to index
          %get3A_338 = arith.constant 0 : index
          %get3A_339 = tpu.vector_load %arg11[%get3A_337, %get3A_338] {strides = array<i32>} : memref<400x64xf32, #tpu.memory_space<vmem>>, vector<16xf32>,
          %add3A_340 = arith.addf %add3A_314, %get3A_339 : vector<16xf32>
          %add3A_341 = arith.constant 0 : i32
          %add3A_342 = arith.addi %add3A_341, %scan3A_334 : i32
          %get3A_343 = arith.index_cast %add3A_342 : i32 to index
          %get3A_344 = arith.constant 16 : index
          %get3A_345 = tpu.vector_load %arg11[%get3A_343, %get3A_344] {strides = array<i32>} : memref<400x64xf32, #tpu.memory_space<vmem>>, vector<16xf32>,
          %add3A_346 = arith.addf %add3A_320, %get3A_345 : vector<16xf32>
          %add3A_347 = arith.constant 0 : i32
          %add3A_348 = arith.addi %add3A_347, %scan3A_334 : i32
          %get3A_349 = arith.index_cast %add3A_348 : i32 to index
          %get3A_350 = arith.constant 32 : index
          %get3A_351 = tpu.vector_load %arg11[%get3A_349, %get3A_350] {strides = array<i32>} : memref<400x64xf32, #tpu.memory_space<vmem>>, vector<16xf32>,
          %add3A_352 = arith.addf %add3A_326, %get3A_351 : vector<16xf32>
          %add3A_353 = arith.constant 0 : i32
          %add3A_354 = arith.addi %add3A_353, %scan3A_334 : i32
          %get3A_355 = arith.index_cast %add3A_354 : i32 to index
          %get3A_356 = arith.constant 48 : index
          %get3A_357 = tpu.vector_load %arg11[%get3A_355, %get3A_356] {strides = array<i32>} : memref<400x64xf32, #tpu.memory_space<vmem>>, vector<16xf32>,
          %add3A_358 = arith.addf %add3A_332, %get3A_357 : vector<16xf32>
          %scan3A_359 = arith.constant 2 : i32
          %scan3A_360 = arith.addi %scan3A_305, %scan3A_359 : i32
          %add3A_361 = arith.constant 0 : i32
          %add3A_362 = arith.addi %add3A_361, %scan3A_360 : i32
          %get3A_363 = arith.index_cast %add3A_362 : i32 to index
          %get3A_364 = arith.constant 0 : index
          %get3A_365 = tpu.vector_load %arg11[%get3A_363, %get3A_364] {strides = array<i32>} : memref<400x64xf32, #tpu.memory_space<vmem>>, vector<16xf32>,
          %add3A_366 = arith.addf %add3A_340, %get3A_365 : vector<16xf32>
          %add3A_367 = arith.constant 0 : i32
          %add3A_368 = arith.addi %add3A_367, %scan3A_360 : i32
          %get3A_369 = arith.index_cast %add3A_368 : i32 to index
          %get3A_370 = arith.constant 16 : index
          %get3A_371 = tpu.vector_load %arg11[%get3A_369, %get3A_370] {strides = array<i32>} : memref<400x64xf32, #tpu.memory_space<vmem>>, vector<16xf32>,
          %add3A_372 = arith.addf %add3A_346, %get3A_371 : vector<16xf32>
          %add3A_373 = arith.constant 0 : i32
          %add3A_374 = arith.addi %add3A_373, %scan3A_360 : i32
          %get3A_375 = arith.index_cast %add3A_374 : i32 to index
          %get3A_376 = arith.constant 32 : index
          %get3A_377 = tpu.vector_load %arg11[%get3A_375, %get3A_376] {strides = array<i32>} : memref<400x64xf32, #tpu.memory_space<vmem>>, vector<16xf32>,
          %add3A_378 = arith.addf %add3A_352, %get3A_377 : vector<16xf32>
          %add3A_379 = arith.constant 0 : i32
          %add3A_380 = arith.addi %add3A_379, %scan3A_360 : i32
          %get3A_381 = arith.index_cast %add3A_380 : i32 to index
          %get3A_382 = arith.constant 48 : index
          %get3A_383 = tpu.vector_load %arg11[%get3A_381, %get3A_382] {strides = array<i32>} : memref<400x64xf32, #tpu.memory_space<vmem>>, vector<16xf32>,
          %add3A_384 = arith.addf %add3A_358, %get3A_383 : vector<16xf32>
          %scan3A_385 = arith.constant 3 : i32
          %scan3A_386 = arith.addi %scan3A_305, %scan3A_385 : i32
          %add3A_387 = arith.constant 0 : i32
          %add3A_388 = arith.addi %add3A_387, %scan3A_386 : i32
          %get3A_389 = arith.index_cast %add3A_388 : i32 to index
          %get3A_390 = arith.constant 0 : index
          %get3A_391 = tpu.vector_load %arg11[%get3A_389, %get3A_390] {strides = array<i32>} : memref<400x64xf32, #tpu.memory_space<vmem>>, vector<16xf32>,
          %add3A_392 = arith.addf %add3A_366, %get3A_391 : vector<16xf32>
          %add3A_393 = arith.constant 0 : i32
          %add3A_394 = arith.addi %add3A_393, %scan3A_386 : i32
          %get3A_395 = arith.index_cast %add3A_394 : i32 to index
          %get3A_396 = arith.constant 16 : index
          %get3A_397 = tpu.vector_load %arg11[%get3A_395, %get3A_396] {strides = array<i32>} : memref<400x64xf32, #tpu.memory_space<vmem>>, vector<16xf32>,
          %add3A_398 = arith.addf %add3A_372, %get3A_397 : vector<16xf32>
          %add3A_399 = arith.constant 0 : i32
          %add3A_400 = arith.addi %add3A_399, %scan3A_386 : i32
          %get3A_401 = arith.index_cast %add3A_400 : i32 to index
          %get3A_402 = arith.constant 32 : index
          %get3A_403 = tpu.vector_load %arg11[%get3A_401, %get3A_402] {strides = array<i32>} : memref<400x64xf32, #tpu.memory_space<vmem>>, vector<16xf32>,
          %add3A_404 = arith.addf %add3A_378, %get3A_403 : vector<16xf32>
          %add3A_405 = arith.constant 0 : i32
          %add3A_406 = arith.addi %add3A_405, %scan3A_386 : i32
          %get3A_407 = arith.index_cast %add3A_406 : i32 to index
          %get3A_408 = arith.constant 48 : index
          %get3A_409 = tpu.vector_load %arg11[%get3A_407, %get3A_408] {strides = array<i32>} : memref<400x64xf32, #tpu.memory_space<vmem>>, vector<16xf32>,
          %add3A_410 = arith.addf %add3A_384, %get3A_409 : vector<16xf32>
          %scan3A_411 = arith.constant 4 : i32
          %scan3A_412 = arith.addi %scan3A_305, %scan3A_411 : i32
          %add3A_413 = arith.constant 0 : i32
          %add3A_414 = arith.addi %add3A_413, %scan3A_412 : i32
          %get3A_415 = arith.index_cast %add3A_414 : i32 to index
          %get3A_416 = arith.constant 0 : index
          %get3A_417 = tpu.vector_load %arg11[%get3A_415, %get3A_416] {strides = array<i32>} : memref<400x64xf32, #tpu.memory_space<vmem>>, vector<16xf32>,
          %add3A_418 = arith.addf %add3A_392, %get3A_417 : vector<16xf32>
          %add3A_419 = arith.constant 0 : i32
          %add3A_420 = arith.addi %add3A_419, %scan3A_412 : i32
          %get3A_421 = arith.index_cast %add3A_420 : i32 to index
          %get3A_422 = arith.constant 16 : index
          %get3A_423 = tpu.vector_load %arg11[%get3A_421, %get3A_422] {strides = array<i32>} : memref<400x64xf32, #tpu.memory_space<vmem>>, vector<16xf32>,
          %add3A_424 = arith.addf %add3A_398, %get3A_423 : vector<16xf32>
          %add3A_425 = arith.constant 0 : i32
          %add3A_426 = arith.addi %add3A_425, %scan3A_412 : i32
          %get3A_427 = arith.index_cast %add3A_426 : i32 to index
          %get3A_428 = arith.constant 32 : index
          %get3A_429 = tpu.vector_load %arg11[%get3A_427, %get3A_428] {strides = array<i32>} : memref<400x64xf32, #tpu.memory_space<vmem>>, vector<16xf32>,
          %add3A_430 = arith.addf %add3A_404, %get3A_429 : vector<16xf32>
          %add3A_431 = arith.constant 0 : i32
          %add3A_432 = arith.addi %add3A_431, %scan3A_412 : i32
          %get3A_433 = arith.index_cast %add3A_432 : i32 to index
          %get3A_434 = arith.constant 48 : index
          %get3A_435 = tpu.vector_load %arg11[%get3A_433, %get3A_434] {strides = array<i32>} : memref<400x64xf32, #tpu.memory_space<vmem>>, vector<16xf32>,
          %add3A_436 = arith.addf %add3A_410, %get3A_435 : vector<16xf32>
          %scan3A_437 = arith.constant 5 : i32
          %scan3A_438 = arith.addi %scan3A_305, %scan3A_437 : i32
          %add3A_439 = arith.constant 0 : i32
          %add3A_440 = arith.addi %add3A_439, %scan3A_438 : i32
          %get3A_441 = arith.index_cast %add3A_440 : i32 to index
          %get3A_442 = arith.constant 0 : index
          %get3A_443 = tpu.vector_load %arg11[%get3A_441, %get3A_442] {strides = array<i32>} : memref<400x64xf32, #tpu.memory_space<vmem>>, vector<16xf32>,
          %add3A_444 = arith.addf %add3A_418, %get3A_443 : vector<16xf32>
          %add3A_445 = arith.constant 0 : i32
          %add3A_446 = arith.addi %add3A_445, %scan3A_438 : i32
          %get3A_447 = arith.index_cast %add3A_446 : i32 to index
          %get3A_448 = arith.constant 16 : index
          %get3A_449 = tpu.vector_load %arg11[%get3A_447, %get3A_448] {strides = array<i32>} : memref<400x64xf32, #tpu.memory_space<vmem>>, vector<16xf32>,
          %add3A_450 = arith.addf %add3A_424, %get3A_449 : vector<16xf32>
          %add3A_451 = arith.constant 0 : i32
          %add3A_452 = arith.addi %add3A_451, %scan3A_438 : i32
          %get3A_453 = arith.index_cast %add3A_452 : i32 to index
          %get3A_454 = arith.constant 32 : index
          %get3A_455 = tpu.vector_load %arg11[%get3A_453, %get3A_454] {strides = array<i32>} : memref<400x64xf32, #tpu.memory_space<vmem>>, vector<16xf32>,
          %add3A_456 = arith.addf %add3A_430, %get3A_455 : vector<16xf32>
          %add3A_457 = arith.constant 0 : i32
          %add3A_458 = arith.addi %add3A_457, %scan3A_438 : i32
          %get3A_459 = arith.index_cast %add3A_458 : i32 to index
          %get3A_460 = arith.constant 48 : index
          %get3A_461 = tpu.vector_load %arg11[%get3A_459, %get3A_460] {strides = array<i32>} : memref<400x64xf32, #tpu.memory_space<vmem>>, vector<16xf32>,
          %add3A_462 = arith.addf %add3A_436, %get3A_461 : vector<16xf32>
          %scan3A_463 = arith.constant 6 : i32
          %scan3A_464 = arith.addi %scan3A_305, %scan3A_463 : i32
          %add3A_465 = arith.constant 0 : i32
          %add3A_466 = arith.addi %add3A_465, %scan3A_464 : i32
          %get3A_467 = arith.index_cast %add3A_466 : i32 to index
          %get3A_468 = arith.constant 0 : index
          %get3A_469 = tpu.vector_load %arg11[%get3A_467, %get3A_468] {strides = array<i32>} : memref<400x64xf32, #tpu.memory_space<vmem>>, vector<16xf32>,
          %add3A_470 = arith.addf %add3A_444, %get3A_469 : vector<16xf32>
          %add3A_471 = arith.constant 0 : i32
          %add3A_472 = arith.addi %add3A_471, %scan3A_464 : i32
          %get3A_473 = arith.index_cast %add3A_472 : i32 to index
          %get3A_474 = arith.constant 16 : index
          %get3A_475 = tpu.vector_load %arg11[%get3A_473, %get3A_474] {strides = array<i32>} : memref<400x64xf32, #tpu.memory_space<vmem>>, vector<16xf32>,
          %add3A_476 = arith.addf %add3A_450, %get3A_475 : vector<16xf32>
          %add3A_477 = arith.constant 0 : i32
          %add3A_478 = arith.addi %add3A_477, %scan3A_464 : i32
          %get3A_479 = arith.index_cast %add3A_478 : i32 to index
          %get3A_480 = arith.constant 32 : index
          %get3A_481 = tpu.vector_load %arg11[%get3A_479, %get3A_480] {strides = array<i32>} : memref<400x64xf32, #tpu.memory_space<vmem>>, vector<16xf32>,
          %add3A_482 = arith.addf %add3A_456, %get3A_481 : vector<16xf32>
          %add3A_483 = arith.constant 0 : i32
          %add3A_484 = arith.addi %add3A_483, %scan3A_464 : i32
          %get3A_485 = arith.index_cast %add3A_484 : i32 to index
          %get3A_486 = arith.constant 48 : index
          %get3A_487 = tpu.vector_load %arg11[%get3A_485, %get3A_486] {strides = array<i32>} : memref<400x64xf32, #tpu.memory_space<vmem>>, vector<16xf32>,
          %add3A_488 = arith.addf %add3A_462, %get3A_487 : vector<16xf32>
          %scan3A_489 = arith.constant 7 : i32
          %scan3A_490 = arith.addi %scan3A_305, %scan3A_489 : i32
          %add3A_491 = arith.constant 0 : i32
          %add3A_492 = arith.addi %add3A_491, %scan3A_490 : i32
          %get3A_493 = arith.index_cast %add3A_492 : i32 to index
          %get3A_494 = arith.constant 0 : index
          %get3A_495 = tpu.vector_load %arg11[%get3A_493, %get3A_494] {strides = array<i32>} : memref<400x64xf32, #tpu.memory_space<vmem>>, vector<16xf32>,
          %add3A_496 = arith.addf %add3A_470, %get3A_495 : vector<16xf32>
          %add3A_497 = arith.constant 0 : i32
          %add3A_498 = arith.addi %add3A_497, %scan3A_490 : i32
          %get3A_499 = arith.index_cast %add3A_498 : i32 to index
          %get3A_500 = arith.constant 16 : index
          %get3A_501 = tpu.vector_load %arg11[%get3A_499, %get3A_500] {strides = array<i32>} : memref<400x64xf32, #tpu.memory_space<vmem>>, vector<16xf32>,
          %add3A_502 = arith.addf %add3A_476, %get3A_501 : vector<16xf32>
          %add3A_503 = arith.constant 0 : i32
          %add3A_504 = arith.addi %add3A_503, %scan3A_490 : i32
          %get3A_505 = arith.index_cast %add3A_504 : i32 to index
          %get3A_506 = arith.constant 32 : index
          %get3A_507 = tpu.vector_load %arg11[%get3A_505, %get3A_506] {strides = array<i32>} : memref<400x64xf32, #tpu.memory_space<vmem>>, vector<16xf32>,
          %add3A_508 = arith.addf %add3A_482, %get3A_507 : vector<16xf32>
          %add3A_509 = arith.constant 0 : i32
          %add3A_510 = arith.addi %add3A_509, %scan3A_490 : i32
          %get3A_511 = arith.index_cast %add3A_510 : i32 to index
          %get3A_512 = arith.constant 48 : index
          %get3A_513 = tpu.vector_load %arg11[%get3A_511, %get3A_512] {strides = array<i32>} : memref<400x64xf32, #tpu.memory_space<vmem>>, vector<16xf32>,
          %add3A_514 = arith.addf %add3A_488, %get3A_513 : vector<16xf32>
          scf.yield %add3A_496, %add3A_502, %add3A_508, %add3A_514 : vector<16xf32>, vector<16xf32>, vector<16xf32>, vector<16xf32>
        }
        %scan3A_144 = arith.constant 200 : i32
        %mul3A_145 = arith.constant 2 : i32
        %mul3A_146 = arith.muli %mul3A_145, %add3A_114 : i32
        %add3A_147 = arith.constant 0 : i32
        %add3A_148 = arith.addi %mul3A_146, %add3A_147 : i32
        %swap3A = arith.index_cast %add3A_148 : i32 to index
        %swap3A_149 = arith.constant 0 : index
        %swap3A_150 = tpu.vector_load %arg14[%swap3A, %swap3A_149] {strides = array<i32>} : memref<128x64xf32, #tpu.memory_space<vmem>>, vector<16xf32>,
        tpu.vector_store %arg14[%swap3A, %swap3A_149], %scan3A_143#0 {strides = array<i32>} : memref<128x64xf32, #tpu.memory_space<vmem>>, vector<16xf32>,
        %mul3A_151 = arith.constant 2 : i32
        %mul3A_152 = arith.muli %mul3A_151, %add3A_114 : i32
        %add3A_153 = arith.constant 0 : i32
        %add3A_154 = arith.addi %mul3A_152, %add3A_153 : i32
        %swap3A_155 = arith.index_cast %add3A_154 : i32 to index
        %swap3A_156 = arith.constant 16 : index
        %swap3A_157 = tpu.vector_load %arg14[%swap3A_155, %swap3A_156] {strides = array<i32>} : memref<128x64xf32, #tpu.memory_space<vmem>>, vector<16xf32>,
        tpu.vector_store %arg14[%swap3A_155, %swap3A_156], %scan3A_143#1 {strides = array<i32>} : memref<128x64xf32, #tpu.memory_space<vmem>>, vector<16xf32>,
        %mul3A_158 = arith.constant 2 : i32
        %mul3A_159 = arith.muli %mul3A_158, %add3A_114 : i32
        %add3A_160 = arith.constant 0 : i32
        %add3A_161 = arith.addi %mul3A_159, %add3A_160 : i32
        %swap3A_162 = arith.index_cast %add3A_161 : i32 to index
        %swap3A_163 = arith.constant 32 : index
        %swap3A_164 = tpu.vector_load %arg14[%swap3A_162, %swap3A_163] {strides = array<i32>} : memref<128x64xf32, #tpu.memory_space<vmem>>, vector<16xf32>,
        tpu.vector_store %arg14[%swap3A_162, %swap3A_163], %scan3A_143#2 {strides = array<i32>} : memref<128x64xf32, #tpu.memory_space<vmem>>, vector<16xf32>,
        %mul3A_165 = arith.constant 2 : i32
        %mul3A_166 = arith.muli %mul3A_165, %add3A_114 : i32
        %add3A_167 = arith.constant 0 : i32
        %add3A_168 = arith.addi %mul3A_166, %add3A_167 : i32
        %swap3A_169 = arith.index_cast %add3A_168 : i32 to index
        %swap3A_170 = arith.constant 48 : index
        %swap3A_171 = tpu.vector_load %arg14[%swap3A_169, %swap3A_170] {strides = array<i32>} : memref<128x64xf32, #tpu.memory_space<vmem>>, vector<16xf32>,
        tpu.vector_store %arg14[%swap3A_169, %swap3A_170], %scan3A_143#3 {strides = array<i32>} : memref<128x64xf32, #tpu.memory_space<vmem>>, vector<16xf32>,
        %scan3A_172 = arith.constant 0 : i32
        %scan3A_173 = arith.constant 200 : i32
        %scan3A_174 = arith.addi %scan3A_172, %scan3A_173 : i32
        %scan3A_175 = arith.constant 8 : i32
        %scan3A_176:4 = scf.for %scan3A_305 = %scan3A_172 to %scan3A_174 step %scan3A_175 iter_args(%scan3A_306 = %broadcast_in_dim3A_138, %scan3A_307 = %broadcast_in_dim3A_138, %scan3A_308 = %broadcast_in_dim3A_138, %scan3A_309 = %broadcast_in_dim3A_138) -> (vector<16xf32>, vector<16xf32>, vector<16xf32>, vector<16xf32>)  : i32 {
          %add3A_310 = arith.constant 200 : i32
          %add3A_311 = arith.addi %add3A_310, %scan3A_305 : i32
          %get3A = arith.index_cast %add3A_311 : i32 to index
          %get3A_312 = arith.constant 0 : index
          %get3A_313 = tpu.vector_load %arg11[%get3A, %get3A_312] {strides = array<i32>} : memref<400x64xf32, #tpu.memory_space<vmem>>, vector<16xf32>,
          %add3A_314 = arith.addf %scan3A_306, %get3A_313 : vector<16xf32>
          %add3A_315 = arith.constant 200 : i32
          %add3A_316 = arith.addi %add3A_315, %scan3A_305 : i32
          %get3A_317 = arith.index_cast %add3A_316 : i32 to index
          %get3A_318 = arith.constant 16 : index
          %get3A_319 = tpu.vector_load %arg11[%get3A_317, %get3A_318] {strides = array<i32>} : memref<400x64xf32, #tpu.memory_space<vmem>>, vector<16xf32>,
          %add3A_320 = arith.addf %scan3A_307, %get3A_319 : vector<16xf32>
          %add3A_321 = arith.constant 200 : i32
          %add3A_322 = arith.addi %add3A_321, %scan3A_305 : i32
          %get3A_323 = arith.index_cast %add3A_322 : i32 to index
          %get3A_324 = arith.constant 32 : index
          %get3A_325 = tpu.vector_load %arg11[%get3A_323, %get3A_324] {strides = array<i32>} : memref<400x64xf32, #tpu.memory_space<vmem>>, vector<16xf32>,
          %add3A_326 = arith.addf %scan3A_308, %get3A_325 : vector<16xf32>
          %add3A_327 = arith.constant 200 : i32
          %add3A_328 = arith.addi %add3A_327, %scan3A_305 : i32
          %get3A_329 = arith.index_cast %add3A_328 : i32 to index
          %get3A_330 = arith.constant 48 : index
          %get3A_331 = tpu.vector_load %arg11[%get3A_329, %get3A_330] {strides = array<i32>} : memref<400x64xf32, #tpu.memory_space<vmem>>, vector<16xf32>,
          %add3A_332 = arith.addf %scan3A_309, %get3A_331 : vector<16xf32>
          %scan3A_333 = arith.constant 1 : i32
          %scan3A_334 = arith.addi %scan3A_305, %scan3A_333 : i32
          %add3A_335 = arith.constant 200 : i32
          %add3A_336 = arith.addi %add3A_335, %scan3A_334 : i32
          %get3A_337 = arith.index_cast %add3A_336 : i32 to index
          %get3A_338 = arith.constant 0 : index
          %get3A_339 = tpu.vector_load %arg11[%get3A_337, %get3A_338] {strides = array<i32>} : memref<400x64xf32, #tpu.memory_space<vmem>>, vector<16xf32>,
          %add3A_340 = arith.addf %add3A_314, %get3A_339 : vector<16xf32>
          %add3A_341 = arith.constant 200 : i32
          %add3A_342 = arith.addi %add3A_341, %scan3A_334 : i32
          %get3A_343 = arith.index_cast %add3A_342 : i32 to index
          %get3A_344 = arith.constant 16 : index
          %get3A_345 = tpu.vector_load %arg11[%get3A_343, %get3A_344] {strides = array<i32>} : memref<400x64xf32, #tpu.memory_space<vmem>>, vector<16xf32>,
          %add3A_346 = arith.addf %add3A_320, %get3A_345 : vector<16xf32>
          %add3A_347 = arith.constant 200 : i32
          %add3A_348 = arith.addi %add3A_347, %scan3A_334 : i32
          %get3A_349 = arith.index_cast %add3A_348 : i32 to index
          %get3A_350 = arith.constant 32 : index
          %get3A_351 = tpu.vector_load %arg11[%get3A_349, %get3A_350] {strides = array<i32>} : memref<400x64xf32, #tpu.memory_space<vmem>>, vector<16xf32>,
          %add3A_352 = arith.addf %add3A_326, %get3A_351 : vector<16xf32>
          %add3A_353 = arith.constant 200 : i32
          %add3A_354 = arith.addi %add3A_353, %scan3A_334 : i32
          %get3A_355 = arith.index_cast %add3A_354 : i32 to index
          %get3A_356 = arith.constant 48 : index
          %get3A_357 = tpu.vector_load %arg11[%get3A_355, %get3A_356] {strides = array<i32>} : memref<400x64xf32, #tpu.memory_space<vmem>>, vector<16xf32>,
          %add3A_358 = arith.addf %add3A_332, %get3A_357 : vector<16xf32>
          %scan3A_359 = arith.constant 2 : i32
          %scan3A_360 = arith.addi %scan3A_305, %scan3A_359 : i32
          %add3A_361 = arith.constant 200 : i32
          %add3A_362 = arith.addi %add3A_361, %scan3A_360 : i32
          %get3A_363 = arith.index_cast %add3A_362 : i32 to index
          %get3A_364 = arith.constant 0 : index
          %get3A_365 = tpu.vector_load %arg11[%get3A_363, %get3A_364] {strides = array<i32>} : memref<400x64xf32, #tpu.memory_space<vmem>>, vector<16xf32>,
          %add3A_366 = arith.addf %add3A_340, %get3A_365 : vector<16xf32>
          %add3A_367 = arith.constant 200 : i32
          %add3A_368 = arith.addi %add3A_367, %scan3A_360 : i32
          %get3A_369 = arith.index_cast %add3A_368 : i32 to index
          %get3A_370 = arith.constant 16 : index
          %get3A_371 = tpu.vector_load %arg11[%get3A_369, %get3A_370] {strides = array<i32>} : memref<400x64xf32, #tpu.memory_space<vmem>>, vector<16xf32>,
          %add3A_372 = arith.addf %add3A_346, %get3A_371 : vector<16xf32>
          %add3A_373 = arith.constant 200 : i32
          %add3A_374 = arith.addi %add3A_373, %scan3A_360 : i32
          %get3A_375 = arith.index_cast %add3A_374 : i32 to index
          %get3A_376 = arith.constant 32 : index
          %get3A_377 = tpu.vector_load %arg11[%get3A_375, %get3A_376] {strides = array<i32>} : memref<400x64xf32, #tpu.memory_space<vmem>>, vector<16xf32>,
          %add3A_378 = arith.addf %add3A_352, %get3A_377 : vector<16xf32>
          %add3A_379 = arith.constant 200 : i32
          %add3A_380 = arith.addi %add3A_379, %scan3A_360 : i32
          %get3A_381 = arith.index_cast %add3A_380 : i32 to index
          %get3A_382 = arith.constant 48 : index
          %get3A_383 = tpu.vector_load %arg11[%get3A_381, %get3A_382] {strides = array<i32>} : memref<400x64xf32, #tpu.memory_space<vmem>>, vector<16xf32>,
          %add3A_384 = arith.addf %add3A_358, %get3A_383 : vector<16xf32>
          %scan3A_385 = arith.constant 3 : i32
          %scan3A_386 = arith.addi %scan3A_305, %scan3A_385 : i32
          %add3A_387 = arith.constant 200 : i32
          %add3A_388 = arith.addi %add3A_387, %scan3A_386 : i32
          %get3A_389 = arith.index_cast %add3A_388 : i32 to index
          %get3A_390 = arith.constant 0 : index
          %get3A_391 = tpu.vector_load %arg11[%get3A_389, %get3A_390] {strides = array<i32>} : memref<400x64xf32, #tpu.memory_space<vmem>>, vector<16xf32>,
          %add3A_392 = arith.addf %add3A_366, %get3A_391 : vector<16xf32>
          %add3A_393 = arith.constant 200 : i32
          %add3A_394 = arith.addi %add3A_393, %scan3A_386 : i32
          %get3A_395 = arith.index_cast %add3A_394 : i32 to index
          %get3A_396 = arith.constant 16 : index
          %get3A_397 = tpu.vector_load %arg11[%get3A_395, %get3A_396] {strides = array<i32>} : memref<400x64xf32, #tpu.memory_space<vmem>>, vector<16xf32>,
          %add3A_398 = arith.addf %add3A_372, %get3A_397 : vector<16xf32>
          %add3A_399 = arith.constant 200 : i32
          %add3A_400 = arith.addi %add3A_399, %scan3A_386 : i32
          %get3A_401 = arith.index_cast %add3A_400 : i32 to index
          %get3A_402 = arith.constant 32 : index
          %get3A_403 = tpu.vector_load %arg11[%get3A_401, %get3A_402] {strides = array<i32>} : memref<400x64xf32, #tpu.memory_space<vmem>>, vector<16xf32>,
          %add3A_404 = arith.addf %add3A_378, %get3A_403 : vector<16xf32>
          %add3A_405 = arith.constant 200 : i32
          %add3A_406 = arith.addi %add3A_405, %scan3A_386 : i32
          %get3A_407 = arith.index_cast %add3A_406 : i32 to index
          %get3A_408 = arith.constant 48 : index
          %get3A_409 = tpu.vector_load %arg11[%get3A_407, %get3A_408] {strides = array<i32>} : memref<400x64xf32, #tpu.memory_space<vmem>>, vector<16xf32>,
          %add3A_410 = arith.addf %add3A_384, %get3A_409 : vector<16xf32>
          %scan3A_411 = arith.constant 4 : i32
          %scan3A_412 = arith.addi %scan3A_305, %scan3A_411 : i32
          %add3A_413 = arith.constant 200 : i32
          %add3A_414 = arith.addi %add3A_413, %scan3A_412 : i32
          %get3A_415 = arith.index_cast %add3A_414 : i32 to index
          %get3A_416 = arith.constant 0 : index
          %get3A_417 = tpu.vector_load %arg11[%get3A_415, %get3A_416] {strides = array<i32>} : memref<400x64xf32, #tpu.memory_space<vmem>>, vector<16xf32>,
          %add3A_418 = arith.addf %add3A_392, %get3A_417 : vector<16xf32>
          %add3A_419 = arith.constant 200 : i32
          %add3A_420 = arith.addi %add3A_419, %scan3A_412 : i32
          %get3A_421 = arith.index_cast %add3A_420 : i32 to index
          %get3A_422 = arith.constant 16 : index
          %get3A_423 = tpu.vector_load %arg11[%get3A_421, %get3A_422] {strides = array<i32>} : memref<400x64xf32, #tpu.memory_space<vmem>>, vector<16xf32>,
          %add3A_424 = arith.addf %add3A_398, %get3A_423 : vector<16xf32>
          %add3A_425 = arith.constant 200 : i32
          %add3A_426 = arith.addi %add3A_425, %scan3A_412 : i32
          %get3A_427 = arith.index_cast %add3A_426 : i32 to index
          %get3A_428 = arith.constant 32 : index
          %get3A_429 = tpu.vector_load %arg11[%get3A_427, %get3A_428] {strides = array<i32>} : memref<400x64xf32, #tpu.memory_space<vmem>>, vector<16xf32>,
          %add3A_430 = arith.addf %add3A_404, %get3A_429 : vector<16xf32>
          %add3A_431 = arith.constant 200 : i32
          %add3A_432 = arith.addi %add3A_431, %scan3A_412 : i32
          %get3A_433 = arith.index_cast %add3A_432 : i32 to index
          %get3A_434 = arith.constant 48 : index
          %get3A_435 = tpu.vector_load %arg11[%get3A_433, %get3A_434] {strides = array<i32>} : memref<400x64xf32, #tpu.memory_space<vmem>>, vector<16xf32>,
          %add3A_436 = arith.addf %add3A_410, %get3A_435 : vector<16xf32>
          %scan3A_437 = arith.constant 5 : i32
          %scan3A_438 = arith.addi %scan3A_305, %scan3A_437 : i32
          %add3A_439 = arith.constant 200 : i32
          %add3A_440 = arith.addi %add3A_439, %scan3A_438 : i32
          %get3A_441 = arith.index_cast %add3A_440 : i32 to index
          %get3A_442 = arith.constant 0 : index
          %get3A_443 = tpu.vector_load %arg11[%get3A_441, %get3A_442] {strides = array<i32>} : memref<400x64xf32, #tpu.memory_space<vmem>>, vector<16xf32>,
          %add3A_444 = arith.addf %add3A_418, %get3A_443 : vector<16xf32>
          %add3A_445 = arith.constant 200 : i32
          %add3A_446 = arith.addi %add3A_445, %scan3A_438 : i32
          %get3A_447 = arith.index_cast %add3A_446 : i32 to index
          %get3A_448 = arith.constant 16 : index
          %get3A_449 = tpu.vector_load %arg11[%get3A_447, %get3A_448] {strides = array<i32>} : memref<400x64xf32, #tpu.memory_space<vmem>>, vector<16xf32>,
          %add3A_450 = arith.addf %add3A_424, %get3A_449 : vector<16xf32>
          %add3A_451 = arith.constant 200 : i32
          %add3A_452 = arith.addi %add3A_451, %scan3A_438 : i32
          %get3A_453 = arith.index_cast %add3A_452 : i32 to index
          %get3A_454 = arith.constant 32 : index
          %get3A_455 = tpu.vector_load %arg11[%get3A_453, %get3A_454] {strides = array<i32>} : memref<400x64xf32, #tpu.memory_space<vmem>>, vector<16xf32>,
          %add3A_456 = arith.addf %add3A_430, %get3A_455 : vector<16xf32>
          %add3A_457 = arith.constant 200 : i32
          %add3A_458 = arith.addi %add3A_457, %scan3A_438 : i32
          %get3A_459 = arith.index_cast %add3A_458 : i32 to index
          %get3A_460 = arith.constant 48 : index
          %get3A_461 = tpu.vector_load %arg11[%get3A_459, %get3A_460] {strides = array<i32>} : memref<400x64xf32, #tpu.memory_space<vmem>>, vector<16xf32>,
          %add3A_462 = arith.addf %add3A_436, %get3A_461 : vector<16xf32>
          %scan3A_463 = arith.constant 6 : i32
          %scan3A_464 = arith.addi %scan3A_305, %scan3A_463 : i32
          %add3A_465 = arith.constant 200 : i32
          %add3A_466 = arith.addi %add3A_465, %scan3A_464 : i32
          %get3A_467 = arith.index_cast %add3A_466 : i32 to index
          %get3A_468 = arith.constant 0 : index
          %get3A_469 = tpu.vector_load %arg11[%get3A_467, %get3A_468] {strides = array<i32>} : memref<400x64xf32, #tpu.memory_space<vmem>>, vector<16xf32>,
          %add3A_470 = arith.addf %add3A_444, %get3A_469 : vector<16xf32>
          %add3A_471 = arith.constant 200 : i32
          %add3A_472 = arith.addi %add3A_471, %scan3A_464 : i32
          %get3A_473 = arith.index_cast %add3A_472 : i32 to index
          %get3A_474 = arith.constant 16 : index
          %get3A_475 = tpu.vector_load %arg11[%get3A_473, %get3A_474] {strides = array<i32>} : memref<400x64xf32, #tpu.memory_space<vmem>>, vector<16xf32>,
          %add3A_476 = arith.addf %add3A_450, %get3A_475 : vector<16xf32>
          %add3A_477 = arith.constant 200 : i32
          %add3A_478 = arith.addi %add3A_477, %scan3A_464 : i32
          %get3A_479 = arith.index_cast %add3A_478 : i32 to index
          %get3A_480 = arith.constant 32 : index
          %get3A_481 = tpu.vector_load %arg11[%get3A_479, %get3A_480] {strides = array<i32>} : memref<400x64xf32, #tpu.memory_space<vmem>>, vector<16xf32>,
          %add3A_482 = arith.addf %add3A_456, %get3A_481 : vector<16xf32>
          %add3A_483 = arith.constant 200 : i32
          %add3A_484 = arith.addi %add3A_483, %scan3A_464 : i32
          %get3A_485 = arith.index_cast %add3A_484 : i32 to index
          %get3A_486 = arith.constant 48 : index
          %get3A_487 = tpu.vector_load %arg11[%get3A_485, %get3A_486] {strides = array<i32>} : memref<400x64xf32, #tpu.memory_space<vmem>>, vector<16xf32>,
          %add3A_488 = arith.addf %add3A_462, %get3A_487 : vector<16xf32>
          %scan3A_489 = arith.constant 7 : i32
          %scan3A_490 = arith.addi %scan3A_305, %scan3A_489 : i32
          %add3A_491 = arith.constant 200 : i32
          %add3A_492 = arith.addi %add3A_491, %scan3A_490 : i32
          %get3A_493 = arith.index_cast %add3A_492 : i32 to index
          %get3A_494 = arith.constant 0 : index
          %get3A_495 = tpu.vector_load %arg11[%get3A_493, %get3A_494] {strides = array<i32>} : memref<400x64xf32, #tpu.memory_space<vmem>>, vector<16xf32>,
          %add3A_496 = arith.addf %add3A_470, %get3A_495 : vector<16xf32>
          %add3A_497 = arith.constant 200 : i32
          %add3A_498 = arith.addi %add3A_497, %scan3A_490 : i32
          %get3A_499 = arith.index_cast %add3A_498 : i32 to index
          %get3A_500 = arith.constant 16 : index
          %get3A_501 = tpu.vector_load %arg11[%get3A_499, %get3A_500] {strides = array<i32>} : memref<400x64xf32, #tpu.memory_space<vmem>>, vector<16xf32>,
          %add3A_502 = arith.addf %add3A_476, %get3A_501 : vector<16xf32>
          %add3A_503 = arith.constant 200 : i32
          %add3A_504 = arith.addi %add3A_503, %scan3A_490 : i32
          %get3A_505 = arith.index_cast %add3A_504 : i32 to index
          %get3A_506 = arith.constant 32 : index
          %get3A_507 = tpu.vector_load %arg11[%get3A_505, %get3A_506] {strides = array<i32>} : memref<400x64xf32, #tpu.memory_space<vmem>>, vector<16xf32>,
          %add3A_508 = arith.addf %add3A_482, %get3A_507 : vector<16xf32>
          %add3A_509 = arith.constant 200 : i32
          %add3A_510 = arith.addi %add3A_509, %scan3A_490 : i32
          %get3A_511 = arith.index_cast %add3A_510 : i32 to index
          %get3A_512 = arith.constant 48 : index
          %get3A_513 = tpu.vector_load %arg11[%get3A_511, %get3A_512] {strides = array<i32>} : memref<400x64xf32, #tpu.memory_space<vmem>>, vector<16xf32>,
          %add3A_514 = arith.addf %add3A_488, %get3A_513 : vector<16xf32>
          scf.yield %add3A_496, %add3A_502, %add3A_508, %add3A_514 : vector<16xf32>, vector<16xf32>, vector<16xf32>, vector<16xf32>
        }
        %scan3A_177 = arith.constant 200 : i32
        %mul3A_178 = arith.constant 2 : i32
        %mul3A_179 = arith.muli %mul3A_178, %add3A_114 : i32
        %add3A_180 = arith.constant 1 : i32
        %add3A_181 = arith.addi %mul3A_179, %add3A_180 : i32
        %swap3A_182 = arith.index_cast %add3A_181 : i32 to index
        %swap3A_183 = arith.constant 0 : index
        %swap3A_184 = tpu.vector_load %arg14[%swap3A_182, %swap3A_183] {strides = array<i32>} : memref<128x64xf32, #tpu.memory_space<vmem>>, vector<16xf32>,
        tpu.vector_store %arg14[%swap3A_182, %swap3A_183], %scan3A_176#0 {strides = array<i32>} : memref<128x64xf32, #tpu.memory_space<vmem>>, vector<16xf32>,
        %mul3A_185 = arith.constant 2 : i32
        %mul3A_186 = arith.muli %mul3A_185, %add3A_114 : i32
        %add3A_187 = arith.constant 1 : i32
        %add3A_188 = arith.addi %mul3A_186, %add3A_187 : i32
        %swap3A_189 = arith.index_cast %add3A_188 : i32 to index
        %swap3A_190 = arith.constant 16 : index
        %swap3A_191 = tpu.vector_load %arg14[%swap3A_189, %swap3A_190] {strides = array<i32>} : memref<128x64xf32, #tpu.memory_space<vmem>>, vector<16xf32>,
        tpu.vector_store %arg14[%swap3A_189, %swap3A_190], %scan3A_176#1 {strides = array<i32>} : memref<128x64xf32, #tpu.memory_space<vmem>>, vector<16xf32>,
        %mul3A_192 = arith.constant 2 : i32
        %mul3A_193 = arith.muli %mul3A_192, %add3A_114 : i32
        %add3A_194 = arith.constant 1 : i32
        %add3A_195 = arith.addi %mul3A_193, %add3A_194 : i32
        %swap3A_196 = arith.index_cast %add3A_195 : i32 to index
        %swap3A_197 = arith.constant 32 : index
        %swap3A_198 = tpu.vector_load %arg14[%swap3A_196, %swap3A_197] {strides = array<i32>} : memref<128x64xf32, #tpu.memory_space<vmem>>, vector<16xf32>,
        tpu.vector_store %arg14[%swap3A_196, %swap3A_197], %scan3A_176#2 {strides = array<i32>} : memref<128x64xf32, #tpu.memory_space<vmem>>, vector<16xf32>,
        %mul3A_199 = arith.constant 2 : i32
        %mul3A_200 = arith.muli %mul3A_199, %add3A_114 : i32
        %add3A_201 = arith.constant 1 : i32
        %add3A_202 = arith.addi %mul3A_200, %add3A_201 : i32
        %swap3A_203 = arith.index_cast %add3A_202 : i32 to index
        %swap3A_204 = arith.constant 48 : index
        %swap3A_205 = tpu.vector_load %arg14[%swap3A_203, %swap3A_204] {strides = array<i32>} : memref<128x64xf32, #tpu.memory_space<vmem>>, vector<16xf32>,
        tpu.vector_store %arg14[%swap3A_203, %swap3A_204], %scan3A_176#3 {strides = array<i32>} : memref<128x64xf32, #tpu.memory_space<vmem>>, vector<16xf32>,
        %mul3A_206 = arith.constant 2 : i32
        %mul3A_207 = arith.muli %mul3A_206, %scan3A_110 : i32
        %add3A_208 = arith.constant 1 : i32
        %add3A_209 = arith.addi %mul3A_207, %add3A_208 : i32
        %add3A_210 = arith.constant 1 : i32
        %add3A_211 = arith.addi %add3A_209, %add3A_210 : i32
        %lt3A_212 = arith.constant 64 : i32
        %lt3A_213 = arith.cmpi slt, %add3A_211, %lt3A_212 : i32
        %convert_element_type3A_214 = arith.extui %lt3A_213 : i1 to i32
        %cond3A_215 = arith.constant 0 : i32
        %cond3A_216 = arith.cmpi ne, %convert_element_type3A_214, %cond3A_215 : i32
        scf.if %cond3A_216 {
          %add3A_305 = arith.constant 1 : i32
          %add3A_306 = arith.addi %add3A_209, %add3A_305 : i32
          %mul3A_307 = arith.constant 400 : i32
          %mul3A_308 = arith.muli %add3A_306, %mul3A_307 : i32
          %dma_start3A_309 = tpu.memref_slice %arg9[%mul3A_308] : memref<25600xi32, #tpu.memory_space<vmem>> -> memref<400xi32, #tpu.memory_space<vmem>>
          %dma_start3A_310 = arith.constant 0 : i32
          %dma_start3A_311 = arith.constant 0 : i32
          %dma_start3A_312 = tpu.memref_slice %arg4[%dma_start3A_310, %dma_start3A_311] : memref<100000x64xf32, #tpu.memory_space<hbm>> -> memref<100000x64xf32, #tpu.memory_space<hbm>>
          tpu.enqueue_indirect_dma source(%dma_start3A_312 : memref<100000x64xf32, #tpu.memory_space<hbm>>) target(%arg11 : memref<400x64xf32, #tpu.memory_space<vmem>>) offsets(%dma_start3A_309 : memref<400xi32, #tpu.memory_space<vmem>>) semaphore(%arg16 : memref<!tpu.dma_semaphore, #tpu.memory_space<semaphore_mem>>)
        } else {
        }
        %add3A_217 = arith.constant 1 : i32
        %add3A_218 = arith.addi %add3A_209, %add3A_217 : i32
        %eq3A_219 = arith.constant 64 : i32
        %eq3A_220 = arith.cmpi eq, %add3A_218, %eq3A_219 : i32
        %add3A_221 = arith.constant 1 : i32
        %add3A_222 = arith.addi %add3A_72, %add3A_221 : i32
        %lt3A_223 = arith.constant 4 : i32
        %lt3A_224 = arith.cmpi slt, %add3A_222, %lt3A_223 : i32
        %and3A_225 = arith.andi %eq3A_220, %lt3A_224 : i1
        %convert_element_type3A_226 = arith.extui %and3A_225 : i1 to i32
        %cond3A_227 = arith.constant 0 : i32
        %cond3A_228 = arith.cmpi ne, %convert_element_type3A_226, %cond3A_227 : i32
        scf.if %cond3A_228 {
          %dma_wait3A_305 = arith.constant 0 : i32
          %dma_wait3A_306 = tpu.memref_slice %arg2[%dma_wait3A_305] : memref<3276800xi32, #tpu.memory_space<hbm>> -> memref<25600xi32, #tpu.memory_space<hbm>>
          %dma_wait3A_307 = arith.constant 0 : i32
          %dma_wait3A_308 = tpu.memref_slice %arg2[%dma_wait3A_307] : memref<3276800xi32, #tpu.memory_space<hbm>> -> memref<25600xi32, #tpu.memory_space<hbm>>
          tpu.wait_dma2 semaphore(%arg19 : memref<!tpu.dma_semaphore, #tpu.memory_space<semaphore_mem>>) src(%dma_wait3A_308 : memref<25600xi32, #tpu.memory_space<hbm>>) dst(%arg8 : memref<25600xi32, #tpu.memory_space<vmem>>)
          %dma_start3A_309 = arith.constant 0 : i32
          %dma_start3A_310 = tpu.memref_slice %arg8[%dma_start3A_309] : memref<25600xi32, #tpu.memory_space<vmem>> -> memref<400xi32, #tpu.memory_space<vmem>>
          %dma_start3A_311 = arith.constant 0 : i32
          %dma_start3A_312 = arith.constant 0 : i32
          %dma_start3A_313 = tpu.memref_slice %arg4[%dma_start3A_311, %dma_start3A_312] : memref<100000x64xf32, #tpu.memory_space<hbm>> -> memref<100000x64xf32, #tpu.memory_space<hbm>>
          tpu.enqueue_indirect_dma source(%dma_start3A_313 : memref<100000x64xf32, #tpu.memory_space<hbm>>) target(%arg11 : memref<400x64xf32, #tpu.memory_space<vmem>>) offsets(%dma_start3A_310 : memref<400xi32, #tpu.memory_space<vmem>>) semaphore(%arg16 : memref<!tpu.dma_semaphore, #tpu.memory_space<semaphore_mem>>)
        } else {
        }
        %dma_wait3A_229 = arith.constant 0 : i32
        %dma_wait3A_230 = arith.constant 0 : i32
        %dma_wait3A_231 = tpu.memref_slice %arg4[%dma_wait3A_229, %dma_wait3A_230] : memref<100000x64xf32, #tpu.memory_space<hbm>> -> memref<400x64xf32, #tpu.memory_space<hbm>>
        %dma_wait3A_232 = arith.constant 0 : i32
        %dma_wait3A_233 = arith.constant 0 : i32
        %dma_wait3A_234 = tpu.memref_slice %arg4[%dma_wait3A_232, %dma_wait3A_233] : memref<100000x64xf32, #tpu.memory_space<hbm>> -> memref<400x64xf32, #tpu.memory_space<hbm>>
        tpu.wait_dma2 semaphore(%arg17 : memref<!tpu.dma_semaphore, #tpu.memory_space<semaphore_mem>>) src(%dma_wait3A_234 : memref<400x64xf32, #tpu.memory_space<hbm>>) dst(%arg12 : memref<400x64xf32, #tpu.memory_space<vmem>>)
        %broadcast_in_dim3A_235 = arith.constant 0.000000e+00 : f32
        %broadcast_in_dim3A_236 = vector.broadcast %broadcast_in_dim3A_235 : f32 to vector<16xf32>
        %scan3A_237 = arith.constant 0 : i32
        %scan3A_238 = arith.constant 200 : i32
        %scan3A_239 = arith.addi %scan3A_237, %scan3A_238 : i32
        %scan3A_240 = arith.constant 8 : i32
        %scan3A_241:4 = scf.for %scan3A_305 = %scan3A_237 to %scan3A_239 step %scan3A_240 iter_args(%scan3A_306 = %broadcast_in_dim3A_236, %scan3A_307 = %broadcast_in_dim3A_236, %scan3A_308 = %broadcast_in_dim3A_236, %scan3A_309 = %broadcast_in_dim3A_236) -> (vector<16xf32>, vector<16xf32>, vector<16xf32>, vector<16xf32>)  : i32 {
          %add3A_310 = arith.constant 0 : i32
          %add3A_311 = arith.addi %add3A_310, %scan3A_305 : i32
          %get3A = arith.index_cast %add3A_311 : i32 to index
          %get3A_312 = arith.constant 0 : index
          %get3A_313 = tpu.vector_load %arg12[%get3A, %get3A_312] {strides = array<i32>} : memref<400x64xf32, #tpu.memory_space<vmem>>, vector<16xf32>,
          %add3A_314 = arith.addf %scan3A_306, %get3A_313 : vector<16xf32>
          %add3A_315 = arith.constant 0 : i32
          %add3A_316 = arith.addi %add3A_315, %scan3A_305 : i32
          %get3A_317 = arith.index_cast %add3A_316 : i32 to index
          %get3A_318 = arith.constant 16 : index
          %get3A_319 = tpu.vector_load %arg12[%get3A_317, %get3A_318] {strides = array<i32>} : memref<400x64xf32, #tpu.memory_space<vmem>>, vector<16xf32>,
          %add3A_320 = arith.addf %scan3A_307, %get3A_319 : vector<16xf32>
          %add3A_321 = arith.constant 0 : i32
          %add3A_322 = arith.addi %add3A_321, %scan3A_305 : i32
          %get3A_323 = arith.index_cast %add3A_322 : i32 to index
          %get3A_324 = arith.constant 32 : index
          %get3A_325 = tpu.vector_load %arg12[%get3A_323, %get3A_324] {strides = array<i32>} : memref<400x64xf32, #tpu.memory_space<vmem>>, vector<16xf32>,
          %add3A_326 = arith.addf %scan3A_308, %get3A_325 : vector<16xf32>
          %add3A_327 = arith.constant 0 : i32
          %add3A_328 = arith.addi %add3A_327, %scan3A_305 : i32
          %get3A_329 = arith.index_cast %add3A_328 : i32 to index
          %get3A_330 = arith.constant 48 : index
          %get3A_331 = tpu.vector_load %arg12[%get3A_329, %get3A_330] {strides = array<i32>} : memref<400x64xf32, #tpu.memory_space<vmem>>, vector<16xf32>,
          %add3A_332 = arith.addf %scan3A_309, %get3A_331 : vector<16xf32>
          %scan3A_333 = arith.constant 1 : i32
          %scan3A_334 = arith.addi %scan3A_305, %scan3A_333 : i32
          %add3A_335 = arith.constant 0 : i32
          %add3A_336 = arith.addi %add3A_335, %scan3A_334 : i32
          %get3A_337 = arith.index_cast %add3A_336 : i32 to index
          %get3A_338 = arith.constant 0 : index
          %get3A_339 = tpu.vector_load %arg12[%get3A_337, %get3A_338] {strides = array<i32>} : memref<400x64xf32, #tpu.memory_space<vmem>>, vector<16xf32>,
          %add3A_340 = arith.addf %add3A_314, %get3A_339 : vector<16xf32>
          %add3A_341 = arith.constant 0 : i32
          %add3A_342 = arith.addi %add3A_341, %scan3A_334 : i32
          %get3A_343 = arith.index_cast %add3A_342 : i32 to index
          %get3A_344 = arith.constant 16 : index
          %get3A_345 = tpu.vector_load %arg12[%get3A_343, %get3A_344] {strides = array<i32>} : memref<400x64xf32, #tpu.memory_space<vmem>>, vector<16xf32>,
          %add3A_346 = arith.addf %add3A_320, %get3A_345 : vector<16xf32>
          %add3A_347 = arith.constant 0 : i32
          %add3A_348 = arith.addi %add3A_347, %scan3A_334 : i32
          %get3A_349 = arith.index_cast %add3A_348 : i32 to index
          %get3A_350 = arith.constant 32 : index
          %get3A_351 = tpu.vector_load %arg12[%get3A_349, %get3A_350] {strides = array<i32>} : memref<400x64xf32, #tpu.memory_space<vmem>>, vector<16xf32>,
          %add3A_352 = arith.addf %add3A_326, %get3A_351 : vector<16xf32>
          %add3A_353 = arith.constant 0 : i32
          %add3A_354 = arith.addi %add3A_353, %scan3A_334 : i32
          %get3A_355 = arith.index_cast %add3A_354 : i32 to index
          %get3A_356 = arith.constant 48 : index
          %get3A_357 = tpu.vector_load %arg12[%get3A_355, %get3A_356] {strides = array<i32>} : memref<400x64xf32, #tpu.memory_space<vmem>>, vector<16xf32>,
          %add3A_358 = arith.addf %add3A_332, %get3A_357 : vector<16xf32>
          %scan3A_359 = arith.constant 2 : i32
          %scan3A_360 = arith.addi %scan3A_305, %scan3A_359 : i32
          %add3A_361 = arith.constant 0 : i32
          %add3A_362 = arith.addi %add3A_361, %scan3A_360 : i32
          %get3A_363 = arith.index_cast %add3A_362 : i32 to index
          %get3A_364 = arith.constant 0 : index
          %get3A_365 = tpu.vector_load %arg12[%get3A_363, %get3A_364] {strides = array<i32>} : memref<400x64xf32, #tpu.memory_space<vmem>>, vector<16xf32>,
          %add3A_366 = arith.addf %add3A_340, %get3A_365 : vector<16xf32>
          %add3A_367 = arith.constant 0 : i32
          %add3A_368 = arith.addi %add3A_367, %scan3A_360 : i32
          %get3A_369 = arith.index_cast %add3A_368 : i32 to index
          %get3A_370 = arith.constant 16 : index
          %get3A_371 = tpu.vector_load %arg12[%get3A_369, %get3A_370] {strides = array<i32>} : memref<400x64xf32, #tpu.memory_space<vmem>>, vector<16xf32>,
          %add3A_372 = arith.addf %add3A_346, %get3A_371 : vector<16xf32>
          %add3A_373 = arith.constant 0 : i32
          %add3A_374 = arith.addi %add3A_373, %scan3A_360 : i32
          %get3A_375 = arith.index_cast %add3A_374 : i32 to index
          %get3A_376 = arith.constant 32 : index
          %get3A_377 = tpu.vector_load %arg12[%get3A_375, %get3A_376] {strides = array<i32>} : memref<400x64xf32, #tpu.memory_space<vmem>>, vector<16xf32>,
          %add3A_378 = arith.addf %add3A_352, %get3A_377 : vector<16xf32>
          %add3A_379 = arith.constant 0 : i32
          %add3A_380 = arith.addi %add3A_379, %scan3A_360 : i32
          %get3A_381 = arith.index_cast %add3A_380 : i32 to index
          %get3A_382 = arith.constant 48 : index
          %get3A_383 = tpu.vector_load %arg12[%get3A_381, %get3A_382] {strides = array<i32>} : memref<400x64xf32, #tpu.memory_space<vmem>>, vector<16xf32>,
          %add3A_384 = arith.addf %add3A_358, %get3A_383 : vector<16xf32>
          %scan3A_385 = arith.constant 3 : i32
          %scan3A_386 = arith.addi %scan3A_305, %scan3A_385 : i32
          %add3A_387 = arith.constant 0 : i32
          %add3A_388 = arith.addi %add3A_387, %scan3A_386 : i32
          %get3A_389 = arith.index_cast %add3A_388 : i32 to index
          %get3A_390 = arith.constant 0 : index
          %get3A_391 = tpu.vector_load %arg12[%get3A_389, %get3A_390] {strides = array<i32>} : memref<400x64xf32, #tpu.memory_space<vmem>>, vector<16xf32>,
          %add3A_392 = arith.addf %add3A_366, %get3A_391 : vector<16xf32>
          %add3A_393 = arith.constant 0 : i32
          %add3A_394 = arith.addi %add3A_393, %scan3A_386 : i32
          %get3A_395 = arith.index_cast %add3A_394 : i32 to index
          %get3A_396 = arith.constant 16 : index
          %get3A_397 = tpu.vector_load %arg12[%get3A_395, %get3A_396] {strides = array<i32>} : memref<400x64xf32, #tpu.memory_space<vmem>>, vector<16xf32>,
          %add3A_398 = arith.addf %add3A_372, %get3A_397 : vector<16xf32>
          %add3A_399 = arith.constant 0 : i32
          %add3A_400 = arith.addi %add3A_399, %scan3A_386 : i32
          %get3A_401 = arith.index_cast %add3A_400 : i32 to index
          %get3A_402 = arith.constant 32 : index
          %get3A_403 = tpu.vector_load %arg12[%get3A_401, %get3A_402] {strides = array<i32>} : memref<400x64xf32, #tpu.memory_space<vmem>>, vector<16xf32>,
          %add3A_404 = arith.addf %add3A_378, %get3A_403 : vector<16xf32>
          %add3A_405 = arith.constant 0 : i32
          %add3A_406 = arith.addi %add3A_405, %scan3A_386 : i32
          %get3A_407 = arith.index_cast %add3A_406 : i32 to index
          %get3A_408 = arith.constant 48 : index
          %get3A_409 = tpu.vector_load %arg12[%get3A_407, %get3A_408] {strides = array<i32>} : memref<400x64xf32, #tpu.memory_space<vmem>>, vector<16xf32>,
          %add3A_410 = arith.addf %add3A_384, %get3A_409 : vector<16xf32>
          %scan3A_411 = arith.constant 4 : i32
          %scan3A_412 = arith.addi %scan3A_305, %scan3A_411 : i32
          %add3A_413 = arith.constant 0 : i32
          %add3A_414 = arith.addi %add3A_413, %scan3A_412 : i32
          %get3A_415 = arith.index_cast %add3A_414 : i32 to index
          %get3A_416 = arith.constant 0 : index
          %get3A_417 = tpu.vector_load %arg12[%get3A_415, %get3A_416] {strides = array<i32>} : memref<400x64xf32, #tpu.memory_space<vmem>>, vector<16xf32>,
          %add3A_418 = arith.addf %add3A_392, %get3A_417 : vector<16xf32>
          %add3A_419 = arith.constant 0 : i32
          %add3A_420 = arith.addi %add3A_419, %scan3A_412 : i32
          %get3A_421 = arith.index_cast %add3A_420 : i32 to index
          %get3A_422 = arith.constant 16 : index
          %get3A_423 = tpu.vector_load %arg12[%get3A_421, %get3A_422] {strides = array<i32>} : memref<400x64xf32, #tpu.memory_space<vmem>>, vector<16xf32>,
          %add3A_424 = arith.addf %add3A_398, %get3A_423 : vector<16xf32>
          %add3A_425 = arith.constant 0 : i32
          %add3A_426 = arith.addi %add3A_425, %scan3A_412 : i32
          %get3A_427 = arith.index_cast %add3A_426 : i32 to index
          %get3A_428 = arith.constant 32 : index
          %get3A_429 = tpu.vector_load %arg12[%get3A_427, %get3A_428] {strides = array<i32>} : memref<400x64xf32, #tpu.memory_space<vmem>>, vector<16xf32>,
          %add3A_430 = arith.addf %add3A_404, %get3A_429 : vector<16xf32>
          %add3A_431 = arith.constant 0 : i32
          %add3A_432 = arith.addi %add3A_431, %scan3A_412 : i32
          %get3A_433 = arith.index_cast %add3A_432 : i32 to index
          %get3A_434 = arith.constant 48 : index
          %get3A_435 = tpu.vector_load %arg12[%get3A_433, %get3A_434] {strides = array<i32>} : memref<400x64xf32, #tpu.memory_space<vmem>>, vector<16xf32>,
          %add3A_436 = arith.addf %add3A_410, %get3A_435 : vector<16xf32>
          %scan3A_437 = arith.constant 5 : i32
          %scan3A_438 = arith.addi %scan3A_305, %scan3A_437 : i32
          %add3A_439 = arith.constant 0 : i32
          %add3A_440 = arith.addi %add3A_439, %scan3A_438 : i32
          %get3A_441 = arith.index_cast %add3A_440 : i32 to index
          %get3A_442 = arith.constant 0 : index
          %get3A_443 = tpu.vector_load %arg12[%get3A_441, %get3A_442] {strides = array<i32>} : memref<400x64xf32, #tpu.memory_space<vmem>>, vector<16xf32>,
          %add3A_444 = arith.addf %add3A_418, %get3A_443 : vector<16xf32>
          %add3A_445 = arith.constant 0 : i32
          %add3A_446 = arith.addi %add3A_445, %scan3A_438 : i32
          %get3A_447 = arith.index_cast %add3A_446 : i32 to index
          %get3A_448 = arith.constant 16 : index
          %get3A_449 = tpu.vector_load %arg12[%get3A_447, %get3A_448] {strides = array<i32>} : memref<400x64xf32, #tpu.memory_space<vmem>>, vector<16xf32>,
          %add3A_450 = arith.addf %add3A_424, %get3A_449 : vector<16xf32>
          %add3A_451 = arith.constant 0 : i32
          %add3A_452 = arith.addi %add3A_451, %scan3A_438 : i32
          %get3A_453 = arith.index_cast %add3A_452 : i32 to index
          %get3A_454 = arith.constant 32 : index
          %get3A_455 = tpu.vector_load %arg12[%get3A_453, %get3A_454] {strides = array<i32>} : memref<400x64xf32, #tpu.memory_space<vmem>>, vector<16xf32>,
          %add3A_456 = arith.addf %add3A_430, %get3A_455 : vector<16xf32>
          %add3A_457 = arith.constant 0 : i32
          %add3A_458 = arith.addi %add3A_457, %scan3A_438 : i32
          %get3A_459 = arith.index_cast %add3A_458 : i32 to index
          %get3A_460 = arith.constant 48 : index
          %get3A_461 = tpu.vector_load %arg12[%get3A_459, %get3A_460] {strides = array<i32>} : memref<400x64xf32, #tpu.memory_space<vmem>>, vector<16xf32>,
          %add3A_462 = arith.addf %add3A_436, %get3A_461 : vector<16xf32>
          %scan3A_463 = arith.constant 6 : i32
          %scan3A_464 = arith.addi %scan3A_305, %scan3A_463 : i32
          %add3A_465 = arith.constant 0 : i32
          %add3A_466 = arith.addi %add3A_465, %scan3A_464 : i32
          %get3A_467 = arith.index_cast %add3A_466 : i32 to index
          %get3A_468 = arith.constant 0 : index
          %get3A_469 = tpu.vector_load %arg12[%get3A_467, %get3A_468] {strides = array<i32>} : memref<400x64xf32, #tpu.memory_space<vmem>>, vector<16xf32>,
          %add3A_470 = arith.addf %add3A_444, %get3A_469 : vector<16xf32>
          %add3A_471 = arith.constant 0 : i32
          %add3A_472 = arith.addi %add3A_471, %scan3A_464 : i32
          %get3A_473 = arith.index_cast %add3A_472 : i32 to index
          %get3A_474 = arith.constant 16 : index
          %get3A_475 = tpu.vector_load %arg12[%get3A_473, %get3A_474] {strides = array<i32>} : memref<400x64xf32, #tpu.memory_space<vmem>>, vector<16xf32>,
          %add3A_476 = arith.addf %add3A_450, %get3A_475 : vector<16xf32>
          %add3A_477 = arith.constant 0 : i32
          %add3A_478 = arith.addi %add3A_477, %scan3A_464 : i32
          %get3A_479 = arith.index_cast %add3A_478 : i32 to index
          %get3A_480 = arith.constant 32 : index
          %get3A_481 = tpu.vector_load %arg12[%get3A_479, %get3A_480] {strides = array<i32>} : memref<400x64xf32, #tpu.memory_space<vmem>>, vector<16xf32>,
          %add3A_482 = arith.addf %add3A_456, %get3A_481 : vector<16xf32>
          %add3A_483 = arith.constant 0 : i32
          %add3A_484 = arith.addi %add3A_483, %scan3A_464 : i32
          %get3A_485 = arith.index_cast %add3A_484 : i32 to index
          %get3A_486 = arith.constant 48 : index
          %get3A_487 = tpu.vector_load %arg12[%get3A_485, %get3A_486] {strides = array<i32>} : memref<400x64xf32, #tpu.memory_space<vmem>>, vector<16xf32>,
          %add3A_488 = arith.addf %add3A_462, %get3A_487 : vector<16xf32>
          %scan3A_489 = arith.constant 7 : i32
          %scan3A_490 = arith.addi %scan3A_305, %scan3A_489 : i32
          %add3A_491 = arith.constant 0 : i32
          %add3A_492 = arith.addi %add3A_491, %scan3A_490 : i32
          %get3A_493 = arith.index_cast %add3A_492 : i32 to index
          %get3A_494 = arith.constant 0 : index
          %get3A_495 = tpu.vector_load %arg12[%get3A_493, %get3A_494] {strides = array<i32>} : memref<400x64xf32, #tpu.memory_space<vmem>>, vector<16xf32>,
          %add3A_496 = arith.addf %add3A_470, %get3A_495 : vector<16xf32>
          %add3A_497 = arith.constant 0 : i32
          %add3A_498 = arith.addi %add3A_497, %scan3A_490 : i32
          %get3A_499 = arith.index_cast %add3A_498 : i32 to index
          %get3A_500 = arith.constant 16 : index
          %get3A_501 = tpu.vector_load %arg12[%get3A_499, %get3A_500] {strides = array<i32>} : memref<400x64xf32, #tpu.memory_space<vmem>>, vector<16xf32>,
          %add3A_502 = arith.addf %add3A_476, %get3A_501 : vector<16xf32>
          %add3A_503 = arith.constant 0 : i32
          %add3A_504 = arith.addi %add3A_503, %scan3A_490 : i32
          %get3A_505 = arith.index_cast %add3A_504 : i32 to index
          %get3A_506 = arith.constant 32 : index
          %get3A_507 = tpu.vector_load %arg12[%get3A_505, %get3A_506] {strides = array<i32>} : memref<400x64xf32, #tpu.memory_space<vmem>>, vector<16xf32>,
          %add3A_508 = arith.addf %add3A_482, %get3A_507 : vector<16xf32>
          %add3A_509 = arith.constant 0 : i32
          %add3A_510 = arith.addi %add3A_509, %scan3A_490 : i32
          %get3A_511 = arith.index_cast %add3A_510 : i32 to index
          %get3A_512 = arith.constant 48 : index
          %get3A_513 = tpu.vector_load %arg12[%get3A_511, %get3A_512] {strides = array<i32>} : memref<400x64xf32, #tpu.memory_space<vmem>>, vector<16xf32>,
          %add3A_514 = arith.addf %add3A_488, %get3A_513 : vector<16xf32>
          scf.yield %add3A_496, %add3A_502, %add3A_508, %add3A_514 : vector<16xf32>, vector<16xf32>, vector<16xf32>, vector<16xf32>
        }
        %scan3A_242 = arith.constant 200 : i32
        %mul3A_243 = arith.constant 2 : i32
        %mul3A_244 = arith.muli %mul3A_243, %add3A_209 : i32
        %add3A_245 = arith.constant 0 : i32
        %add3A_246 = arith.addi %mul3A_244, %add3A_245 : i32
        %swap3A_247 = arith.index_cast %add3A_246 : i32 to index
        %swap3A_248 = arith.constant 0 : index
        %swap3A_249 = tpu.vector_load %arg14[%swap3A_247, %swap3A_248] {strides = array<i32>} : memref<128x64xf32, #tpu.memory_space<vmem>>, vector<16xf32>,
        tpu.vector_store %arg14[%swap3A_247, %swap3A_248], %scan3A_241#0 {strides = array<i32>} : memref<128x64xf32, #tpu.memory_space<vmem>>, vector<16xf32>,
        %mul3A_250 = arith.constant 2 : i32
        %mul3A_251 = arith.muli %mul3A_250, %add3A_209 : i32
        %add3A_252 = arith.constant 0 : i32
        %add3A_253 = arith.addi %mul3A_251, %add3A_252 : i32
        %swap3A_254 = arith.index_cast %add3A_253 : i32 to index
        %swap3A_255 = arith.constant 16 : index
        %swap3A_256 = tpu.vector_load %arg14[%swap3A_254, %swap3A_255] {strides = array<i32>} : memref<128x64xf32, #tpu.memory_space<vmem>>, vector<16xf32>,
        tpu.vector_store %arg14[%swap3A_254, %swap3A_255], %scan3A_241#1 {strides = array<i32>} : memref<128x64xf32, #tpu.memory_space<vmem>>, vector<16xf32>,
        %mul3A_257 = arith.constant 2 : i32
        %mul3A_258 = arith.muli %mul3A_257, %add3A_209 : i32
        %add3A_259 = arith.constant 0 : i32
        %add3A_260 = arith.addi %mul3A_258, %add3A_259 : i32
        %swap3A_261 = arith.index_cast %add3A_260 : i32 to index
        %swap3A_262 = arith.constant 32 : index
        %swap3A_263 = tpu.vector_load %arg14[%swap3A_261, %swap3A_262] {strides = array<i32>} : memref<128x64xf32, #tpu.memory_space<vmem>>, vector<16xf32>,
        tpu.vector_store %arg14[%swap3A_261, %swap3A_262], %scan3A_241#2 {strides = array<i32>} : memref<128x64xf32, #tpu.memory_space<vmem>>, vector<16xf32>,
        %mul3A_264 = arith.constant 2 : i32
        %mul3A_265 = arith.muli %mul3A_264, %add3A_209 : i32
        %add3A_266 = arith.constant 0 : i32
        %add3A_267 = arith.addi %mul3A_265, %add3A_266 : i32
        %swap3A_268 = arith.index_cast %add3A_267 : i32 to index
        %swap3A_269 = arith.constant 48 : index
        %swap3A_270 = tpu.vector_load %arg14[%swap3A_268, %swap3A_269] {strides = array<i32>} : memref<128x64xf32, #tpu.memory_space<vmem>>, vector<16xf32>,
        tpu.vector_store %arg14[%swap3A_268, %swap3A_269], %scan3A_241#3 {strides = array<i32>} : memref<128x64xf32, #tpu.memory_space<vmem>>, vector<16xf32>,
        %scan3A_271 = arith.constant 0 : i32
        %scan3A_272 = arith.constant 200 : i32
        %scan3A_273 = arith.addi %scan3A_271, %scan3A_272 : i32
        %scan3A_274 = arith.constant 8 : i32
        %scan3A_275:4 = scf.for %scan3A_305 = %scan3A_271 to %scan3A_273 step %scan3A_274 iter_args(%scan3A_306 = %broadcast_in_dim3A_236, %scan3A_307 = %broadcast_in_dim3A_236, %scan3A_308 = %broadcast_in_dim3A_236, %scan3A_309 = %broadcast_in_dim3A_236) -> (vector<16xf32>, vector<16xf32>, vector<16xf32>, vector<16xf32>)  : i32 {
          %add3A_310 = arith.constant 200 : i32
          %add3A_311 = arith.addi %add3A_310, %scan3A_305 : i32
          %get3A = arith.index_cast %add3A_311 : i32 to index
          %get3A_312 = arith.constant 0 : index
          %get3A_313 = tpu.vector_load %arg12[%get3A, %get3A_312] {strides = array<i32>} : memref<400x64xf32, #tpu.memory_space<vmem>>, vector<16xf32>,
          %add3A_314 = arith.addf %scan3A_306, %get3A_313 : vector<16xf32>
          %add3A_315 = arith.constant 200 : i32
          %add3A_316 = arith.addi %add3A_315, %scan3A_305 : i32
          %get3A_317 = arith.index_cast %add3A_316 : i32 to index
          %get3A_318 = arith.constant 16 : index
          %get3A_319 = tpu.vector_load %arg12[%get3A_317, %get3A_318] {strides = array<i32>} : memref<400x64xf32, #tpu.memory_space<vmem>>, vector<16xf32>,
          %add3A_320 = arith.addf %scan3A_307, %get3A_319 : vector<16xf32>
          %add3A_321 = arith.constant 200 : i32
          %add3A_322 = arith.addi %add3A_321, %scan3A_305 : i32
          %get3A_323 = arith.index_cast %add3A_322 : i32 to index
          %get3A_324 = arith.constant 32 : index
          %get3A_325 = tpu.vector_load %arg12[%get3A_323, %get3A_324] {strides = array<i32>} : memref<400x64xf32, #tpu.memory_space<vmem>>, vector<16xf32>,
          %add3A_326 = arith.addf %scan3A_308, %get3A_325 : vector<16xf32>
          %add3A_327 = arith.constant 200 : i32
          %add3A_328 = arith.addi %add3A_327, %scan3A_305 : i32
          %get3A_329 = arith.index_cast %add3A_328 : i32 to index
          %get3A_330 = arith.constant 48 : index
          %get3A_331 = tpu.vector_load %arg12[%get3A_329, %get3A_330] {strides = array<i32>} : memref<400x64xf32, #tpu.memory_space<vmem>>, vector<16xf32>,
          %add3A_332 = arith.addf %scan3A_309, %get3A_331 : vector<16xf32>
          %scan3A_333 = arith.constant 1 : i32
          %scan3A_334 = arith.addi %scan3A_305, %scan3A_333 : i32
          %add3A_335 = arith.constant 200 : i32
          %add3A_336 = arith.addi %add3A_335, %scan3A_334 : i32
          %get3A_337 = arith.index_cast %add3A_336 : i32 to index
          %get3A_338 = arith.constant 0 : index
          %get3A_339 = tpu.vector_load %arg12[%get3A_337, %get3A_338] {strides = array<i32>} : memref<400x64xf32, #tpu.memory_space<vmem>>, vector<16xf32>,
          %add3A_340 = arith.addf %add3A_314, %get3A_339 : vector<16xf32>
          %add3A_341 = arith.constant 200 : i32
          %add3A_342 = arith.addi %add3A_341, %scan3A_334 : i32
          %get3A_343 = arith.index_cast %add3A_342 : i32 to index
          %get3A_344 = arith.constant 16 : index
          %get3A_345 = tpu.vector_load %arg12[%get3A_343, %get3A_344] {strides = array<i32>} : memref<400x64xf32, #tpu.memory_space<vmem>>, vector<16xf32>,
          %add3A_346 = arith.addf %add3A_320, %get3A_345 : vector<16xf32>
          %add3A_347 = arith.constant 200 : i32
          %add3A_348 = arith.addi %add3A_347, %scan3A_334 : i32
          %get3A_349 = arith.index_cast %add3A_348 : i32 to index
          %get3A_350 = arith.constant 32 : index
          %get3A_351 = tpu.vector_load %arg12[%get3A_349, %get3A_350] {strides = array<i32>} : memref<400x64xf32, #tpu.memory_space<vmem>>, vector<16xf32>,
          %add3A_352 = arith.addf %add3A_326, %get3A_351 : vector<16xf32>
          %add3A_353 = arith.constant 200 : i32
          %add3A_354 = arith.addi %add3A_353, %scan3A_334 : i32
          %get3A_355 = arith.index_cast %add3A_354 : i32 to index
          %get3A_356 = arith.constant 48 : index
          %get3A_357 = tpu.vector_load %arg12[%get3A_355, %get3A_356] {strides = array<i32>} : memref<400x64xf32, #tpu.memory_space<vmem>>, vector<16xf32>,
          %add3A_358 = arith.addf %add3A_332, %get3A_357 : vector<16xf32>
          %scan3A_359 = arith.constant 2 : i32
          %scan3A_360 = arith.addi %scan3A_305, %scan3A_359 : i32
          %add3A_361 = arith.constant 200 : i32
          %add3A_362 = arith.addi %add3A_361, %scan3A_360 : i32
          %get3A_363 = arith.index_cast %add3A_362 : i32 to index
          %get3A_364 = arith.constant 0 : index
          %get3A_365 = tpu.vector_load %arg12[%get3A_363, %get3A_364] {strides = array<i32>} : memref<400x64xf32, #tpu.memory_space<vmem>>, vector<16xf32>,
          %add3A_366 = arith.addf %add3A_340, %get3A_365 : vector<16xf32>
          %add3A_367 = arith.constant 200 : i32
          %add3A_368 = arith.addi %add3A_367, %scan3A_360 : i32
          %get3A_369 = arith.index_cast %add3A_368 : i32 to index
          %get3A_370 = arith.constant 16 : index
          %get3A_371 = tpu.vector_load %arg12[%get3A_369, %get3A_370] {strides = array<i32>} : memref<400x64xf32, #tpu.memory_space<vmem>>, vector<16xf32>,
          %add3A_372 = arith.addf %add3A_346, %get3A_371 : vector<16xf32>
          %add3A_373 = arith.constant 200 : i32
          %add3A_374 = arith.addi %add3A_373, %scan3A_360 : i32
          %get3A_375 = arith.index_cast %add3A_374 : i32 to index
          %get3A_376 = arith.constant 32 : index
          %get3A_377 = tpu.vector_load %arg12[%get3A_375, %get3A_376] {strides = array<i32>} : memref<400x64xf32, #tpu.memory_space<vmem>>, vector<16xf32>,
          %add3A_378 = arith.addf %add3A_352, %get3A_377 : vector<16xf32>
          %add3A_379 = arith.constant 200 : i32
          %add3A_380 = arith.addi %add3A_379, %scan3A_360 : i32
          %get3A_381 = arith.index_cast %add3A_380 : i32 to index
          %get3A_382 = arith.constant 48 : index
          %get3A_383 = tpu.vector_load %arg12[%get3A_381, %get3A_382] {strides = array<i32>} : memref<400x64xf32, #tpu.memory_space<vmem>>, vector<16xf32>,
          %add3A_384 = arith.addf %add3A_358, %get3A_383 : vector<16xf32>
          %scan3A_385 = arith.constant 3 : i32
          %scan3A_386 = arith.addi %scan3A_305, %scan3A_385 : i32
          %add3A_387 = arith.constant 200 : i32
          %add3A_388 = arith.addi %add3A_387, %scan3A_386 : i32
          %get3A_389 = arith.index_cast %add3A_388 : i32 to index
          %get3A_390 = arith.constant 0 : index
          %get3A_391 = tpu.vector_load %arg12[%get3A_389, %get3A_390] {strides = array<i32>} : memref<400x64xf32, #tpu.memory_space<vmem>>, vector<16xf32>,
          %add3A_392 = arith.addf %add3A_366, %get3A_391 : vector<16xf32>
          %add3A_393 = arith.constant 200 : i32
          %add3A_394 = arith.addi %add3A_393, %scan3A_386 : i32
          %get3A_395 = arith.index_cast %add3A_394 : i32 to index
          %get3A_396 = arith.constant 16 : index
          %get3A_397 = tpu.vector_load %arg12[%get3A_395, %get3A_396] {strides = array<i32>} : memref<400x64xf32, #tpu.memory_space<vmem>>, vector<16xf32>,
          %add3A_398 = arith.addf %add3A_372, %get3A_397 : vector<16xf32>
          %add3A_399 = arith.constant 200 : i32
          %add3A_400 = arith.addi %add3A_399, %scan3A_386 : i32
          %get3A_401 = arith.index_cast %add3A_400 : i32 to index
          %get3A_402 = arith.constant 32 : index
          %get3A_403 = tpu.vector_load %arg12[%get3A_401, %get3A_402] {strides = array<i32>} : memref<400x64xf32, #tpu.memory_space<vmem>>, vector<16xf32>,
          %add3A_404 = arith.addf %add3A_378, %get3A_403 : vector<16xf32>
          %add3A_405 = arith.constant 200 : i32
          %add3A_406 = arith.addi %add3A_405, %scan3A_386 : i32
          %get3A_407 = arith.index_cast %add3A_406 : i32 to index
          %get3A_408 = arith.constant 48 : index
          %get3A_409 = tpu.vector_load %arg12[%get3A_407, %get3A_408] {strides = array<i32>} : memref<400x64xf32, #tpu.memory_space<vmem>>, vector<16xf32>,
          %add3A_410 = arith.addf %add3A_384, %get3A_409 : vector<16xf32>
          %scan3A_411 = arith.constant 4 : i32
          %scan3A_412 = arith.addi %scan3A_305, %scan3A_411 : i32
          %add3A_413 = arith.constant 200 : i32
          %add3A_414 = arith.addi %add3A_413, %scan3A_412 : i32
          %get3A_415 = arith.index_cast %add3A_414 : i32 to index
          %get3A_416 = arith.constant 0 : index
          %get3A_417 = tpu.vector_load %arg12[%get3A_415, %get3A_416] {strides = array<i32>} : memref<400x64xf32, #tpu.memory_space<vmem>>, vector<16xf32>,
          %add3A_418 = arith.addf %add3A_392, %get3A_417 : vector<16xf32>
          %add3A_419 = arith.constant 200 : i32
          %add3A_420 = arith.addi %add3A_419, %scan3A_412 : i32
          %get3A_421 = arith.index_cast %add3A_420 : i32 to index
          %get3A_422 = arith.constant 16 : index
          %get3A_423 = tpu.vector_load %arg12[%get3A_421, %get3A_422] {strides = array<i32>} : memref<400x64xf32, #tpu.memory_space<vmem>>, vector<16xf32>,
          %add3A_424 = arith.addf %add3A_398, %get3A_423 : vector<16xf32>
          %add3A_425 = arith.constant 200 : i32
          %add3A_426 = arith.addi %add3A_425, %scan3A_412 : i32
          %get3A_427 = arith.index_cast %add3A_426 : i32 to index
          %get3A_428 = arith.constant 32 : index
          %get3A_429 = tpu.vector_load %arg12[%get3A_427, %get3A_428] {strides = array<i32>} : memref<400x64xf32, #tpu.memory_space<vmem>>, vector<16xf32>,
          %add3A_430 = arith.addf %add3A_404, %get3A_429 : vector<16xf32>
          %add3A_431 = arith.constant 200 : i32
          %add3A_432 = arith.addi %add3A_431, %scan3A_412 : i32
          %get3A_433 = arith.index_cast %add3A_432 : i32 to index
          %get3A_434 = arith.constant 48 : index
          %get3A_435 = tpu.vector_load %arg12[%get3A_433, %get3A_434] {strides = array<i32>} : memref<400x64xf32, #tpu.memory_space<vmem>>, vector<16xf32>,
          %add3A_436 = arith.addf %add3A_410, %get3A_435 : vector<16xf32>
          %scan3A_437 = arith.constant 5 : i32
          %scan3A_438 = arith.addi %scan3A_305, %scan3A_437 : i32
          %add3A_439 = arith.constant 200 : i32
          %add3A_440 = arith.addi %add3A_439, %scan3A_438 : i32
          %get3A_441 = arith.index_cast %add3A_440 : i32 to index
          %get3A_442 = arith.constant 0 : index
          %get3A_443 = tpu.vector_load %arg12[%get3A_441, %get3A_442] {strides = array<i32>} : memref<400x64xf32, #tpu.memory_space<vmem>>, vector<16xf32>,
          %add3A_444 = arith.addf %add3A_418, %get3A_443 : vector<16xf32>
          %add3A_445 = arith.constant 200 : i32
          %add3A_446 = arith.addi %add3A_445, %scan3A_438 : i32
          %get3A_447 = arith.index_cast %add3A_446 : i32 to index
          %get3A_448 = arith.constant 16 : index
          %get3A_449 = tpu.vector_load %arg12[%get3A_447, %get3A_448] {strides = array<i32>} : memref<400x64xf32, #tpu.memory_space<vmem>>, vector<16xf32>,
          %add3A_450 = arith.addf %add3A_424, %get3A_449 : vector<16xf32>
          %add3A_451 = arith.constant 200 : i32
          %add3A_452 = arith.addi %add3A_451, %scan3A_438 : i32
          %get3A_453 = arith.index_cast %add3A_452 : i32 to index
          %get3A_454 = arith.constant 32 : index
          %get3A_455 = tpu.vector_load %arg12[%get3A_453, %get3A_454] {strides = array<i32>} : memref<400x64xf32, #tpu.memory_space<vmem>>, vector<16xf32>,
          %add3A_456 = arith.addf %add3A_430, %get3A_455 : vector<16xf32>
          %add3A_457 = arith.constant 200 : i32
          %add3A_458 = arith.addi %add3A_457, %scan3A_438 : i32
          %get3A_459 = arith.index_cast %add3A_458 : i32 to index
          %get3A_460 = arith.constant 48 : index
          %get3A_461 = tpu.vector_load %arg12[%get3A_459, %get3A_460] {strides = array<i32>} : memref<400x64xf32, #tpu.memory_space<vmem>>, vector<16xf32>,
          %add3A_462 = arith.addf %add3A_436, %get3A_461 : vector<16xf32>
          %scan3A_463 = arith.constant 6 : i32
          %scan3A_464 = arith.addi %scan3A_305, %scan3A_463 : i32
          %add3A_465 = arith.constant 200 : i32
          %add3A_466 = arith.addi %add3A_465, %scan3A_464 : i32
          %get3A_467 = arith.index_cast %add3A_466 : i32 to index
          %get3A_468 = arith.constant 0 : index
          %get3A_469 = tpu.vector_load %arg12[%get3A_467, %get3A_468] {strides = array<i32>} : memref<400x64xf32, #tpu.memory_space<vmem>>, vector<16xf32>,
          %add3A_470 = arith.addf %add3A_444, %get3A_469 : vector<16xf32>
          %add3A_471 = arith.constant 200 : i32
          %add3A_472 = arith.addi %add3A_471, %scan3A_464 : i32
          %get3A_473 = arith.index_cast %add3A_472 : i32 to index
          %get3A_474 = arith.constant 16 : index
          %get3A_475 = tpu.vector_load %arg12[%get3A_473, %get3A_474] {strides = array<i32>} : memref<400x64xf32, #tpu.memory_space<vmem>>, vector<16xf32>,
          %add3A_476 = arith.addf %add3A_450, %get3A_475 : vector<16xf32>
          %add3A_477 = arith.constant 200 : i32
          %add3A_478 = arith.addi %add3A_477, %scan3A_464 : i32
          %get3A_479 = arith.index_cast %add3A_478 : i32 to index
          %get3A_480 = arith.constant 32 : index
          %get3A_481 = tpu.vector_load %arg12[%get3A_479, %get3A_480] {strides = array<i32>} : memref<400x64xf32, #tpu.memory_space<vmem>>, vector<16xf32>,
          %add3A_482 = arith.addf %add3A_456, %get3A_481 : vector<16xf32>
          %add3A_483 = arith.constant 200 : i32
          %add3A_484 = arith.addi %add3A_483, %scan3A_464 : i32
          %get3A_485 = arith.index_cast %add3A_484 : i32 to index
          %get3A_486 = arith.constant 48 : index
          %get3A_487 = tpu.vector_load %arg12[%get3A_485, %get3A_486] {strides = array<i32>} : memref<400x64xf32, #tpu.memory_space<vmem>>, vector<16xf32>,
          %add3A_488 = arith.addf %add3A_462, %get3A_487 : vector<16xf32>
          %scan3A_489 = arith.constant 7 : i32
          %scan3A_490 = arith.addi %scan3A_305, %scan3A_489 : i32
          %add3A_491 = arith.constant 200 : i32
          %add3A_492 = arith.addi %add3A_491, %scan3A_490 : i32
          %get3A_493 = arith.index_cast %add3A_492 : i32 to index
          %get3A_494 = arith.constant 0 : index
          %get3A_495 = tpu.vector_load %arg12[%get3A_493, %get3A_494] {strides = array<i32>} : memref<400x64xf32, #tpu.memory_space<vmem>>, vector<16xf32>,
          %add3A_496 = arith.addf %add3A_470, %get3A_495 : vector<16xf32>
          %add3A_497 = arith.constant 200 : i32
          %add3A_498 = arith.addi %add3A_497, %scan3A_490 : i32
          %get3A_499 = arith.index_cast %add3A_498 : i32 to index
          %get3A_500 = arith.constant 16 : index
          %get3A_501 = tpu.vector_load %arg12[%get3A_499, %get3A_500] {strides = array<i32>} : memref<400x64xf32, #tpu.memory_space<vmem>>, vector<16xf32>,
          %add3A_502 = arith.addf %add3A_476, %get3A_501 : vector<16xf32>
          %add3A_503 = arith.constant 200 : i32
          %add3A_504 = arith.addi %add3A_503, %scan3A_490 : i32
          %get3A_505 = arith.index_cast %add3A_504 : i32 to index
          %get3A_506 = arith.constant 32 : index
          %get3A_507 = tpu.vector_load %arg12[%get3A_505, %get3A_506] {strides = array<i32>} : memref<400x64xf32, #tpu.memory_space<vmem>>, vector<16xf32>,
          %add3A_508 = arith.addf %add3A_482, %get3A_507 : vector<16xf32>
          %add3A_509 = arith.constant 200 : i32
          %add3A_510 = arith.addi %add3A_509, %scan3A_490 : i32
          %get3A_511 = arith.index_cast %add3A_510 : i32 to index
          %get3A_512 = arith.constant 48 : index
          %get3A_513 = tpu.vector_load %arg12[%get3A_511, %get3A_512] {strides = array<i32>} : memref<400x64xf32, #tpu.memory_space<vmem>>, vector<16xf32>,
          %add3A_514 = arith.addf %add3A_488, %get3A_513 : vector<16xf32>
          scf.yield %add3A_496, %add3A_502, %add3A_508, %add3A_514 : vector<16xf32>, vector<16xf32>, vector<16xf32>, vector<16xf32>
        }
        %scan3A_276 = arith.constant 200 : i32
        %mul3A_277 = arith.constant 2 : i32
        %mul3A_278 = arith.muli %mul3A_277, %add3A_209 : i32
        %add3A_279 = arith.constant 1 : i32
        %add3A_280 = arith.addi %mul3A_278, %add3A_279 : i32
        %swap3A_281 = arith.index_cast %add3A_280 : i32 to index
        %swap3A_282 = arith.constant 0 : index
        %swap3A_283 = tpu.vector_load %arg14[%swap3A_281, %swap3A_282] {strides = array<i32>} : memref<128x64xf32, #tpu.memory_space<vmem>>, vector<16xf32>,
        tpu.vector_store %arg14[%swap3A_281, %swap3A_282], %scan3A_275#0 {strides = array<i32>} : memref<128x64xf32, #tpu.memory_space<vmem>>, vector<16xf32>,
        %mul3A_284 = arith.constant 2 : i32
        %mul3A_285 = arith.muli %mul3A_284, %add3A_209 : i32
        %add3A_286 = arith.constant 1 : i32
        %add3A_287 = arith.addi %mul3A_285, %add3A_286 : i32
        %swap3A_288 = arith.index_cast %add3A_287 : i32 to index
        %swap3A_289 = arith.constant 16 : index
        %swap3A_290 = tpu.vector_load %arg14[%swap3A_288, %swap3A_289] {strides = array<i32>} : memref<128x64xf32, #tpu.memory_space<vmem>>, vector<16xf32>,
        tpu.vector_store %arg14[%swap3A_288, %swap3A_289], %scan3A_275#1 {strides = array<i32>} : memref<128x64xf32, #tpu.memory_space<vmem>>, vector<16xf32>,
        %mul3A_291 = arith.constant 2 : i32
        %mul3A_292 = arith.muli %mul3A_291, %add3A_209 : i32
        %add3A_293 = arith.constant 1 : i32
        %add3A_294 = arith.addi %mul3A_292, %add3A_293 : i32
        %swap3A_295 = arith.index_cast %add3A_294 : i32 to index
        %swap3A_296 = arith.constant 32 : index
        %swap3A_297 = tpu.vector_load %arg14[%swap3A_295, %swap3A_296] {strides = array<i32>} : memref<128x64xf32, #tpu.memory_space<vmem>>, vector<16xf32>,
        tpu.vector_store %arg14[%swap3A_295, %swap3A_296], %scan3A_275#2 {strides = array<i32>} : memref<128x64xf32, #tpu.memory_space<vmem>>, vector<16xf32>,
        %mul3A_298 = arith.constant 2 : i32
        %mul3A_299 = arith.muli %mul3A_298, %add3A_209 : i32
        %add3A_300 = arith.constant 1 : i32
        %add3A_301 = arith.addi %mul3A_299, %add3A_300 : i32
        %swap3A_302 = arith.index_cast %add3A_301 : i32 to index
        %swap3A_303 = arith.constant 48 : index
        %swap3A_304 = tpu.vector_load %arg14[%swap3A_302, %swap3A_303] {strides = array<i32>} : memref<128x64xf32, #tpu.memory_space<vmem>>, vector<16xf32>,
        tpu.vector_store %arg14[%swap3A_302, %swap3A_303], %scan3A_275#3 {strides = array<i32>} : memref<128x64xf32, #tpu.memory_space<vmem>>, vector<16xf32>,
      }
      %scan3A_89 = arith.constant 32 : i32
      %mul3A_90 = arith.constant 128 : i32
      %mul3A_91 = arith.muli %add3A_72, %mul3A_90 : i32
      %add3A_92 = arith.addi %mul3A_2, %mul3A_91 : i32
      %dma_start3A_93 = arith.constant 0 : i32
      %dma_start3A_94 = tpu.memref_slice %arg6[%add3A_92, %dma_start3A_93] : memref<16384x64xf32, #tpu.memory_space<hbm>> -> memref<128x64xf32, #tpu.memory_space<hbm>>
      %dma_start3A_95 = arith.constant 0 : i32
      %dma_start3A_96 = tpu.memref_slice %arg6[%add3A_92, %dma_start3A_95] : memref<16384x64xf32, #tpu.memory_space<hbm>> -> memref<128x64xf32, #tpu.memory_space<hbm>>
      tpu.enqueue_dma source(%arg14 : memref<128x64xf32, #tpu.memory_space<vmem>>) target(%dma_start3A_96 : memref<128x64xf32, #tpu.memory_space<hbm>>) target_semaphore(%arg22 : memref<!tpu.dma_semaphore, #tpu.memory_space<semaphore_mem>>)
      %dma_wait3A_97 = arith.constant 0 : i32
      %dma_wait3A_98 = arith.constant 0 : i32
      %dma_wait3A_99 = tpu.memref_slice %arg5[%dma_wait3A_97, %dma_wait3A_98] : memref<1000x64xf32, #tpu.memory_space<hbm>> -> memref<128x64xf32, #tpu.memory_space<hbm>>
      %dma_wait3A_100 = arith.constant 0 : i32
      %dma_wait3A_101 = arith.constant 0 : i32
      %dma_wait3A_102 = tpu.memref_slice %arg5[%dma_wait3A_100, %dma_wait3A_101] : memref<1000x64xf32, #tpu.memory_space<hbm>> -> memref<128x64xf32, #tpu.memory_space<hbm>>
      tpu.wait_dma2 semaphore(%arg18 : memref<!tpu.dma_semaphore, #tpu.memory_space<semaphore_mem>>) src(%dma_wait3A_102 : memref<128x64xf32, #tpu.memory_space<hbm>>) dst(%arg15 : memref<128x64xf32, #tpu.memory_space<vmem>>)
      "tpu.region"() ({
        %run_scoped3A = tpu.sem_alloc : memref<!tpu.dma_semaphore, #tpu.memory_space<semaphore_mem>>
        %dma_start3A_110 = arith.constant 0 : i32
        %dma_start3A_111 = tpu.memref_slice %arg7[%add3A_75, %dma_start3A_110] : memref<16384x64xf32, #tpu.memory_space<hbm>> -> memref<128x64xf32, #tpu.memory_space<hbm>>
        %dma_start3A_112 = arith.constant 0 : i32
        %dma_start3A_113 = tpu.memref_slice %arg7[%add3A_75, %dma_start3A_112] : memref<16384x64xf32, #tpu.memory_space<hbm>> -> memref<128x64xf32, #tpu.memory_space<hbm>>
        tpu.enqueue_dma source(%arg15 : memref<128x64xf32, #tpu.memory_space<vmem>>) target(%dma_start3A_113 : memref<128x64xf32, #tpu.memory_space<hbm>>) target_semaphore(%run_scoped3A : memref<!tpu.dma_semaphore, #tpu.memory_space<semaphore_mem>>)
        %dma_wait3A_114 = arith.constant 0 : i32
        %dma_wait3A_115 = tpu.memref_slice %arg7[%add3A_75, %dma_wait3A_114] : memref<16384x64xf32, #tpu.memory_space<hbm>> -> memref<128x64xf32, #tpu.memory_space<hbm>>
        %dma_wait3A_116 = arith.constant 0 : i32
        %dma_wait3A_117 = tpu.memref_slice %arg7[%add3A_75, %dma_wait3A_116] : memref<16384x64xf32, #tpu.memory_space<hbm>> -> memref<128x64xf32, #tpu.memory_space<hbm>>
        tpu.wait_dma2 semaphore(%run_scoped3A : memref<!tpu.dma_semaphore, #tpu.memory_space<semaphore_mem>>) src(%arg15 : memref<128x64xf32, #tpu.memory_space<vmem>>) dst(%dma_wait3A_117 : memref<128x64xf32, #tpu.memory_space<hbm>>)
        tpu.yield
      }) : () -> ()
      %add3A_103 = arith.constant 2 : i32
      %add3A_104 = arith.addi %add3A_72, %add3A_103 : i32
      %lt3A_105 = arith.constant 4 : i32
      %lt3A_106 = arith.cmpi slt, %add3A_104, %lt3A_105 : i32
      %convert_element_type3A_107 = arith.extui %lt3A_106 : i1 to i32
      %cond3A_108 = arith.constant 0 : i32
      %cond3A_109 = arith.cmpi ne, %convert_element_type3A_107, %cond3A_108 : i32
      scf.if %cond3A_109 {
        %add3A_110 = arith.constant 2 : i32
        %add3A_111 = arith.addi %add3A_72, %add3A_110 : i32
        %mul3A_112 = arith.constant 128 : i32
        %mul3A_113 = arith.muli %add3A_111, %mul3A_112 : i32
        %add3A_114 = arith.addi %mul3A_2, %mul3A_113 : i32
        %mul3A_115 = arith.constant 200 : i32
        %mul3A_116 = arith.muli %add3A_114, %mul3A_115 : i32
        %dma_start3A_117 = tpu.memref_slice %arg2[%mul3A_116] : memref<3276800xi32, #tpu.memory_space<hbm>> -> memref<25600xi32, #tpu.memory_space<hbm>>
        %dma_start3A_118 = tpu.memref_slice %arg2[%mul3A_116] : memref<3276800xi32, #tpu.memory_space<hbm>> -> memref<25600xi32, #tpu.memory_space<hbm>>
        tpu.enqueue_dma source(%dma_start3A_118 : memref<25600xi32, #tpu.memory_space<hbm>>) target(%arg9 : memref<25600xi32, #tpu.memory_space<vmem>>) target_semaphore(%arg20 : memref<!tpu.dma_semaphore, #tpu.memory_space<semaphore_mem>>)
      } else {
      }
    }
    %scan3A_19 = arith.constant 2 : i32
    %dma_wait3A = arith.constant 0 : i32
    %dma_wait3A_20 = arith.constant 0 : i32
    %dma_wait3A_21 = tpu.memref_slice %arg6[%dma_wait3A, %dma_wait3A_20] : memref<16384x64xf32, #tpu.memory_space<hbm>> -> memref<128x64xf32, #tpu.memory_space<hbm>>
    %dma_wait3A_22 = arith.constant 0 : i32
    %dma_wait3A_23 = arith.constant 0 : i32
    %dma_wait3A_24 = tpu.memref_slice %arg6[%dma_wait3A_22, %dma_wait3A_23] : memref<16384x64xf32, #tpu.memory_space<hbm>> -> memref<128x64xf32, #tpu.memory_space<hbm>>
    tpu.wait_dma2 semaphore(%arg21 : memref<!tpu.dma_semaphore, #tpu.memory_space<semaphore_mem>>) src(%arg13 : memref<128x64xf32, #tpu.memory_space<vmem>>) dst(%dma_wait3A_24 : memref<128x64xf32, #tpu.memory_space<hbm>>)
    %dma_wait3A_25 = arith.constant 0 : i32
    %dma_wait3A_26 = arith.constant 0 : i32
    %dma_wait3A_27 = tpu.memref_slice %arg6[%dma_wait3A_25, %dma_wait3A_26] : memref<16384x64xf32, #tpu.memory_space<hbm>> -> memref<128x64xf32, #tpu.memory_space<hbm>>
    %dma_wait3A_28 = arith.constant 0 : i32
    %dma_wait3A_29 = arith.constant 0 : i32
    %dma_wait3A_30 = tpu.memref_slice %arg6[%dma_wait3A_28, %dma_wait3A_29] : memref<16384x64xf32, #tpu.memory_space<hbm>> -> memref<128x64xf32, #tpu.memory_space<hbm>>
    tpu.wait_dma2 semaphore(%arg22 : memref<!tpu.dma_semaphore, #tpu.memory_space<semaphore_mem>>) src(%arg14 : memref<128x64xf32, #tpu.memory_space<vmem>>) dst(%dma_wait3A_30 : memref<128x64xf32, #tpu.memory_space<hbm>>)
    return
  }
}

</mosaic_0001>

<sc_bundles>
// kernel: kernel.3.cloned.1.call-start
scs
__scs_entry_jumppad:
0x0: {  	(pc) =	sbr.rel $0x88, $3  }
0x1: {  	(tag) =	ssettag $0x0;
	lr =	simm.s32 $0x1  }
0x2: {  	[smem:$0x3F9D] =	sst lr;
	_ =	strace $0xD0000000  }
0x3: {  	_ = 	snop  }
0x4: {  	_ = 	snop  }
0x5: {  	_ = 	snop  }
0x6: {  	_ = 	snop  }
0x7: {  	_ = 	snop  }
__scs_overlays_trampoline_lowered:
0x8: {  	[smem:$0x3FAC] =	sst s0  }
0x9: {  	[smem:$0x3FAD] =	sst s1  }
0xa: {  	[smem:$0x3FAE] =	sst s2  }
0xb: {  	[smem:$0x3FAF] =	sst s3  }
0xc: {  	[smem:$0x3FB0] =	sst s4  }
0xd: {  	[smem:$0x3FB1] =	sst s5  }
0xe: {  	[smem:$0x3FB2] =	sst s6  }
0xf: {  	[smem:$0x3FB3] =	sst s7  }
0x10: {  	[smem:$0x3FB4] =	sst s8  }
0x11: {  	[smem:$0x3FB5] =	sst s9;
	s0 =	simm.s32 @!p0 $0x0  }
0x12: {  	s1 =	sld [smem:$0x3F9B];
	s0 =	simm.s32 @p0 $0x1  }
0x13: {  	[smem:$0x3FB6] =	sst s0;
	s0 =	simm.s32 @!p1 $0x0  }
0x14: {  	s2 =	sld [smem:$0x3F9A];
	s0 =	simm.s32 @p1 $0x1  }
0x15: {  	[smem:$0x3FB7] =	sst s0;
	s0 =	simm.s32 @!p2 $0x0  }
0x16: {  	s3 =	sld [smem:$0x3FDB];
	s0 =	simm.s32 @p2 $0x1  }
0x17: {  	s4 =	simm.s32 $0x1BF5;
	[smem:$0x3FB9] =	sst s0  }
0x18: {  	s0 =	sld [smem:$0x3F9C];
	_ =	swait.ge [sflag:s4], $0x0  }
0x19: {  	s7 =	sld [smem:$0x3F9D]  }
0x1a: {  	s8 =	sadd.s32 $0xFFFFE003, lr  }
0x1b: {  	s9 =	sadd.s32 $0xFFFFFEF7, lr;
	s5 =	simm.s32 $0xFFFFFFFF;
	p2 =	slt.u32 s8, $0xFFFFF086  }
0x1c: {  	p1 =	slt.u32 s9, $0xF7A;
	s5 =	simm.s32 @!p2 $0x0  }
0x1d: {  	s5 =	simm.s32 @p1 $0x1;
	p0 =	seq.s32 s7, s2  }
0x1e: {  	s7 =	smul.u32 @!p0 $0xF7A, s2;
	p2 =	seq.s32 @!p0 s5, $0x0  }
0x1f: {  	s9 =	smul.u32 $0xF7A, s1;
	s8 =	simm.s32 @!p0 $0x1BF5;
	p2 =	por !p2, p0  }
0x20: {  	[sflag:s8] =	ssyncset.s32 @!p0 $0xFFFFF086;
	s6 =	sadd.s32 @!p0 s3, s7;
	s7 =	simm.s32 @!p0 $0x108  }
0x21: {  	s3 =	sadd.s32 s3, s9;
	s6 =	sadd.s32 @!p0 $0x88, s6;
	s7 =	simm.s32 @p2 $0x1082  }
0x22: {  	[simem:s7], [sflag:s8] =	dma.local @!p0 [hbm:s6], $0xF7A  }
0x23: {  	s9 =	sor.u32 $0xD0000000, s2;
	s6 =	simm.s32 $0x108;
	_ =	swait.ge @!p0 [sflag:s8], $0x0  }
0x24: {  	s3 =	sadd.s32 $0x88, s3;
	s6 =	simm.s32 @!p1 $0x1082;
	[sflag:s4] =	ssyncset.s32 $0xFFFFF086  }
0x25: {  	[simem:s6], [sflag:s4] =	dma.local [hbm:s3], $0xF7A  }
0x26: {  	[smem:$0x3F9D] =	sst s1;
	(tag) =	ssettag s2;
	_ =	strace s9  }
0x27: {  	s1 =	sld [smem:$0x3FAD]  }
0x28: {  	s2 =	sld [smem:$0x3FAE]  }
0x29: {  	s4 =	sld [smem:$0x3FB0]  }
0x2a: {  	p0 =	seq.s32 s5, $0x0;
	s5 =	sld [smem:$0x3FB1]  }
0x2b: {  	s6 =	sld [smem:$0x3FB2]  }
0x2c: {  	s7 =	sld [smem:$0x3FB3]  }
0x2d: {  	s3 =	simm.s32 $0x108;
	s8 =	sld [smem:$0x3FB4]  }
0x2e: {  	s3 =	simm.s32 @!p0 $0x1082;
	s9 =	sld [smem:$0x3FB5]  }
0x2f: {  	lr =	sadd.s32 s0, s3;
	s0 =	sld [smem:$0x3FAC]  }
0x30: {  	s3 =	sld [smem:$0x3FAF]  }
0x31: {  	[smem:$0x3FB8] =	sst s10  }
0x32: {  	s10 =	sld [smem:$0x3FB6];
	_ =	sdelay $0x3  }
0x33: {  	p0 =	seq.s32 s10, $0x1;
	s10 =	sld [smem:$0x3FB8];
	_ =	sdelay $0x3  }
0x34: {  	[smem:$0x3FB8] =	sst s10  }
0x35: {  	s10 =	sld [smem:$0x3FB7];
	_ =	sdelay $0x3  }
0x36: {  	p1 =	seq.s32 s10, $0x1;
	s10 =	sld [smem:$0x3FB8];
	_ =	sdelay $0x3  }
0x37: {  	[smem:$0x3FB8] =	sst s10  }
0x38: {  	s10 =	sld [smem:$0x3FB9]  }
0x39: {  	_ = 	snop;
	(pc) =	sbr.ind lr, $3  }
0x3a: {  	_ = 	snop  }
0x3b: {  	_ = 	snop  }
0x3c: {  	p2 =	seq.s32 s10, $0x1;
	s10 =	sld [smem:$0x3FB8]  }
0x3d: {  	_ =	shalt  }
0x3e: {  	_ =	shalt  }
0x3f: {  	_ =	shalt  }
0x40: {  	_ =	shalt  }
0x41: {  	_ =	shalt  }
0x42: {  	_ =	shalt  }
0x43: {  	_ =	shalt  }
0x44: {  	_ =	shalt  }
0x45: {  	_ =	shalt  }
0x46: {  	_ =	shalt  }
0x47: {  	_ =	shalt  }
0x48: {  	_ =	shalt  }
0x49: {  	_ =	shalt  }
0x4a: {  	_ =	shalt  }
0x4b: {  	_ =	shalt  }
0x4c: {  	_ =	shalt  }
0x4d: {  	_ =	shalt  }
0x4e: {  	_ =	shalt  }
0x4f: {  	_ =	shalt  }
0x50: {  	_ =	shalt  }
0x51: {  	_ =	shalt  }
0x52: {  	_ =	shalt  }
0x53: {  	_ =	shalt  }
0x54: {  	_ =	shalt  }
0x55: {  	_ =	shalt  }
0x56: {  	_ =	shalt  }
0x57: {  	_ =	shalt  }
0x58: {  	_ =	shalt  }
0x59: {  	_ =	shalt  }
0x5a: {  	_ =	shalt  }
0x5b: {  	_ =	shalt  }
0x5c: {  	_ =	shalt  }
0x5d: {  	_ =	shalt  }
0x5e: {  	_ =	shalt  }
0x5f: {  	_ =	shalt  }
0x60: {  	_ =	shalt  }
0x61: {  	_ =	shalt  }
0x62: {  	_ =	shalt  }
0x63: {  	_ =	shalt  }
0x64: {  	_ =	shalt  }
0x65: {  	_ =	shalt  }
0x66: {  	_ =	shalt  }
0x67: {  	_ =	shalt  }
0x68: {  	_ =	shalt  }
0x69: {  	_ =	shalt  }
0x6a: {  	_ =	shalt  }
0x6b: {  	_ =	shalt  }
0x6c: {  	_ =	shalt  }
0x6d: {  	_ =	shalt  }
0x6e: {  	_ =	shalt  }
0x6f: {  	_ =	shalt  }
0x70: {  	_ =	shalt  }
0x71: {  	_ =	shalt  }
0x72: {  	_ =	shalt  }
0x73: {  	_ =	shalt  }
0x74: {  	_ =	shalt  }
0x75: {  	_ =	shalt  }
0x76: {  	_ =	shalt  }
0x77: {  	_ =	shalt  }
0x78: {  	_ =	shalt  }
0x79: {  	_ =	shalt  }
0x7a: {  	_ =	shalt  }
0x7b: {  	_ =	shalt  }
0x7c: {  	_ =	shalt  }
0x7d: {  	_ =	shalt  }
0x7e: {  	_ =	shalt  }
0x7f: {  	_ =	shalt  }
0x80: {  	_ =	shalt  }
0x81: {  	_ =	shalt  }
0x82: {  	_ =	shalt  }
0x83: {  	_ =	shalt  }
0x84: {  	_ =	shalt  }
0x85: {  	_ =	shalt  }
0x86: {  	_ =	shalt  }
0x87: {  	_ =	shalt  }
.Lfunc_end0:
.L_simem_size_0:
called_computation_lowered:
.L_overlay_start_0:
0x88: {  	s2 =	sld [smem:$0x3FD9]  }
0x89: {  	s3 =	sld [smem:$0x3FFE];
	_ =	sdelay $0x1  }
0x8a: {  	s1 =	srdreg.scid  }
0x8b: {  	s0 =	sand.u32 $0x1, s1  }
0x8c: {  	s14 =	sshll.u32 s0, $0xA;
	s2 =	sadd.s32 s3, s2  }
0x8d: {  	s2 =	sadd.s32 s2, s14  }
0x8e: {  	[smem:$0x3FC4] =	sst s2  }
0x8f: {  	_ = 	snop  }
0x90: {  	s2 =	sld [smem:$0x3FD0];
	_ =	sdelay $0x2  }
0x91: {  	s4 =	simm.s32 $0xA;
	s5 =	simm.s32 $0x10;
	s15 =	sld [smem:$0x3FC8]  }
0x92: {  	[smem:s5], [sflag:s4] =	dma.local [hbm:s2], $0x1  }
0x93: {  	_ =	swait.eq [sflag:s4], $0x1  }
0x94: {  	[sflag:s4] =	ssyncset.done $0x0  }
0x95: {  	s16 =	sld [smem:$0x10];
	[sflag:s4] =	ssyncadd.s32 $0xFFFFFFFF  }
0x96: {  	s17 =	sld [smem:$0x11];
	(tm) =	ssettm $0x1  }
0x97: {  	s18 =	sld [smem:$0x3FFB];
	_ =	sdelay $0x3  }
0x98: {  	_ =	strace s18  }
0x99: {  	s5 =	sld [smem:$0x3FFC];
	_ =	sdelay $0x3  }
0x9a: {  	_ =	strace s5  }
0x9b: {  	s5 =	sld [smem:$0x3FFD];
	_ =	sdelay $0x3  }
0x9c: {  	_ =	strace s5  }
0x9d: {  	_ =	strace $0x8FFFFFFF  }
0x9e: {  	s19 =	sld [smem:$0x3FDB];
	_ =	sdelay $0x1  }
0x9f: {  	s6 =	simm.s32 $_scs_section_size  }
0xa0: {  	s7 =	simm.s32 $_size__tile_overlayer_lowered;
	s8 =	simm.s32 $_tile_overlayer_lowered  }
0xa1: {  	s22 =	simm.s32 $0x1BFF;
	s21 =	sshll.u32 s8, $0x1;
	s5 =	sadd.s32 s6, s19  }
0xa2: {  	s9 =	simm.s32 $0x0;
	s20 =	sshll.u32 s7, $0x1;
	s7 =	sadd.s32 s21, s5  }
0xa3: {  	[timem:s9], [sflag:s22] =	dma.local [hbm:s7], s20  }
0xa4: {  	_ =	swait.ge [sflag:s22], s20  }
0xa5: {  	s6 =	ssub.s32 $0x0, s20;
	[sflag:s22] =	ssyncset.done $0x0  }
0xa6: {  	[sflag:s22] =	ssyncadd.s32 s6;
	_ =	sdelay $0x1  }
0xa7: {  	s23 =	simm.s32 $0x1B8B  }
0xa8: {  	_ =	swait.ge [sflag:s23], $0x1  }
0xa9: {  	[sflag:s23] =	ssyncset.done $0x0  }
0xaa: {  	s25 =	simm.s32 $0x1B8E;
	s24 =	sld [smem:$0x3FFE];
	[sflag:s23] =	ssyncadd.s32 $0xFFFFFFFF  }
0xab: {  	s26 =	simm.s32 $execute0_lowered;
	[smem:$0x3FD2] =	sst s25  }
0xac: {  	s7 =	sshll.u32 s26, $0x1;
	_ =	strace $0x80000046;
	[dreg:$0x1] =	wrdreg $0xFFFFFFFF  }
0xad: {  	s28 =	simm.s32 $_size_execute0_lowered;
	s5 =	sadd.s32 s5, s7;
	[dreg:$0x0] =	wrdreg $0x0  }
0xae: {  	s7 =	sshll.u32 s28, $0x1;
	[dreg:$0x2] =	wrdreg s5  }
0xaf: {  	[dreg:$0x3] =	wrdreg s7  }
0xb0: {  	[dreg:$0x4] =	wrdreg $0xC0  }
0xb1: {  	_ =	task [dreg:s9], $0x5FFFF  }
0xb2: {  	[dreg:$0x1] =	wrdreg $0xFFFFFFFF  }
0xb3: {  	[dreg:$0x0] =	wrdreg $0x60  }
0xb4: {  	[dreg:$0x2] =	wrdreg s24  }
0xb5: {  	[dreg:$0x3] =	wrdreg s15  }
0xb6: {  	[dreg:$0x4] =	wrdreg s16  }
0xb7: {  	[dreg:$0x5] =	wrdreg s17  }
0xb8: {  	[dreg:$0x6] =	wrdreg $0x9  }
0xb9: {  	_ =	task.clear_ibuf [dreg:s9], $0x7FFFF;
	_ =	strace $0x90000046  }
0xba: {  	s29 =	simm.s32 $0x9;
	_ =	strace $0x80000048  }
0xbb: {  	_ =	swait.ge [sflag:s29], $0x1  }
0xbc: {  	[sflag:s29] =	ssyncadd.s32 $0xFFFFFFFF  }
0xbd: {  	_ =	strace $0x90000048  }
0xbe: {  	_ =	sfence  }
0xbf: {  	s30 =	sld [smem:$0x0];
	_ =	sdelay $0x2  }
0xc0: {  	s31 =	sshll.u32 s1, $0xD;
	s1 =	sshrl.u32 s1, $0x2  }
0xc1: {  	s3 =	sand.u32 $0x4000, s31;
	s1 =	sadd.s32 s1, s30  }
0xc2: {  	s0 =	sor.u32 s3, s0;
	s1 =	sshll.u32 s1, $0x11  }
0xc3: {  	s0 =	sor.u32 s1, s0  }
0xc4: {  	s0 =	sadd.s32 $0x8F2B, s0  }
0xc5: {  	[sflag:s0] =	ssyncadd.remote.s32 $0x1  }
0xc6: {  	_ =	sfence.sel $0xFFFF  }
0xc7: {  	[dreg:$0x0] =	wrdreg $0xFFFFFFFF;
	(pc) =	sbr.abs _section_cstart, $3  }
0xc8: {  	[dreg:$0x1] =	wrdreg $0xFFFFFFFF  }
0xc9: {  	_ =	task.clear_ibuf [dreg:s9], $0x2FFFF;
	_ =	strace $0x9FFFFFFF  }
0xca: {  	(tm) =	ssettm $0x7FFFFFFF  }
0xcb: {  	_ =	shalt  }
tec
execute0_lowered:
.L_overlay_start_1:
0x0: {  	(tag) =	ssettag $0x1  }
0x1: {  	s0 =	rddreg [dreg:$0x0]  }
0x2: {  	s1 =	rddreg [dreg:$0x1]  }
0x3: {  	s3 =	rddreg [dreg:$0x2]  }
0x4: {  	s4 =	rddreg [dreg:$0x3];
	s2 =	srdreg.scid  }
0x5: {  	s6 =	stileid.u32;
	s5 =	simm.s32 $0x0;
	s14 =	simm.s32 $0x8  }
0x6: {  	s15 =	simm.s32 $0x6400;
	s16 =	simm.s32 $0x190;
	s18 =	simm.s32 $0xC800  }
0x7: {  	s19 =	simm.s32 $0x80;
	s20 =	simm.s32 $0x1D080;
	s21 =	simm.s32 $0x12C80  }
0x8: {  	s22 =	simm.s32 $0x1;
	s23 =	simm.s32 $0x2;
	s24 =	simm.s32 $0x19080  }
0x9: {  	s28 =	simm.s32 $0x6;
	s29 =	simm.s32 $0x7;
	s30 =	simm.s32 $0x0  }
0xa: {  	s2 =	sand.u32 $0x1, s2;
	s6 =	sshll.u32 s6, $0x1;
	[smem:$0x7FF] =	sst s5  }
0xb: {  	s9 =	sadd.s32 $0x1C00, s0;
	s7 =	sadd.s32 $0x65C00, s0;
	s8 =	sor.u32 s2, s6  }
0xc: {  	_ =	strace $0x80000047;
	s25 =	ssub.s32 $0x2, s2;
	s10 =	smul.u32 $0x19000, s8  }
0xd: {  	s6 =	sadd.s32 $0x188600, s0;
	s2 =	sshrl.u32 s25, $0x1;
	s11 =	smul.u32 $0x3200, s8  }
.Ltmp0:
0xe: {  	s8 =	sshll.u32 s8, $0x9;
	s0 =	ssub.s32 s25, s2;
	(pc) =	sbr.rel .LBB2_1-.Ltmp0, $4  }
0xf: {  	s25 =	simm.s32 $0x3;
	s10 =	sshrl.u32 s10, $0x3;
	s0 =	smax.u32 s0, $0x1  }
0x10: {  	s26 =	sadd.s32 s9, s10;
	s9 =	sadd.s32 s9, s11;
	[dreg:$0x7] =	wrdreg s0  }
0x11: {  	[dreg:$0x5] =	wrdreg s9;
	s31 =	sadd.s32 $0xC80, s26;
	s11 =	sadd.s32 $0x1900, s26  }
0x12: {  	s12 =	sadd.s32 $0x2580, s26;
	s26 =	simm.s32 $0x1B080;
	[dreg:$0x6] =	wrdreg s31  }
.LBB2_24:
0x13: {  	_ =	swait.ge [sflag:s28], $0x2000  }
0x14: {  	[sflag:s28] =	ssyncset.done $0x0  }
0x15: {  	[sflag:s28] =	ssyncadd.s32 $0xFFFFE000  }
0x16: {  	_ =	swait.ge [sflag:s29], $0x2000  }
0x17: {  	s30 =	sadd.s32 $0x1, s30;
	s0 =	rddreg [dreg:$0x7]  }
0x18: {  	p0 =	sne.s32 s30, s0  }
.Ltmp1:
0x19: {  	_ = 	snop;
	(pc) =	sbr.rel @!p0 .LBB2_25-.Ltmp1, $3  }
0x1a: {  	_ =	sdelay $0x1  }
0x1b: {  	[sflag:s29] =	ssyncset.done $0x0  }
0x1c: {  	[sflag:s29] =	ssyncadd.s32 $0xFFFFE000  }
.LBB2_1:
0x1d: {  	s0 =	rddreg [dreg:$0x5]  }
0x1e: {  	[tilespmem:s5], [sflag:$0x8] =	stream.linear.gather [hbm4b:s0+s5], $0x6400, $0x38;
	[tilespmem:$0x1F080] =	vst v63  }
0x1f: {  	_ =	swait.ge [sflag:s14], $0x6400  }
0x20: {  	[sflag:s14] =	ssyncset.done $0x0  }
0x21: {  	s17 =	rddreg [dreg:$0x6];
	[sflag:s14] =	ssyncadd.s32 $0xFFFF9C00  }
0x22: {  	[tilespmem:s15], [sflag:$0x5] =	stream.linear.gather [hbm4b:s17+s5], $0x6400, $0x38;
	[tilespmem:$0x1F080] =	vst v63  }
0x23: {  	s31 =	simm.s32 $0xC880;
	p0 =	por $0x1, $0x1;
	s0 =	simm.s32 $0x0  }
0x24: {  	[tilespmem:s31], [sflag:$0x1] =	stream.indirect.gather [hbm4b:s6+s16], $0x40, s5, s16, $0xb8;
	[tilespmem:$0x1F080] =	vst v63  }
.LBB2_2:
0x25: {  	s2 =	simm.s32 @!p0 $0x6  }
0x26: {  	s31 =	sor.u32 s8, s0;
	_ =	swait.ge @!p0 [sflag:s2], $0x2000  }
0x27: {  	s0 =	sshrl.u32 s31, $0x3;
	[sflag:s2] =	ssyncset.done @!p0 $0x0  }
0x28: {  	s17 =	sadd.s32 s1, s0;
	s0 =	simm.s32 $0x0;
	[sflag:s2] =	ssyncadd.s32 @!p0 $0xFFFFE000  }
0x29: {  	[tilespmem:s18], [sflag:$0x8] =	stream.linear.gather [hbm4b:s17+s0], $0x80, $0x38;
	[tilespmem:$0x1F080] =	vst v63  }
0x2a: {  	_ =	swait.ge [sflag:s14], $0x80  }
0x2b: {  	[sflag:s14] =	ssyncset.done $0x0  }
0x2c: {  	[sflag:s14] =	ssyncadd.s32 $0xFFFFFF80  }
0x2d: {  	[tilespmem:s20], [sflag:$0x3] =	stream.indirect.gather [hbm4b:s3+s19], $0x40, s18, s19, $0xb8;
	[tilespmem:$0x1F080] =	vst v63  }
.LBB2_3:
0x2e: {  	s2 =	sshllo.u32 s0, $0x1  }
0x2f: {  	s9 =	smul.u32 $0x640, s2;
	_ =	sdelay $0x1  }
0x30: {  	s9 =	sshra.s32 s9, $0x2  }
0x31: {  	[tilespmem:s21], [sflag:$0x2] =	stream.indirect.gather [hbm4b:s6+s16], $0x40, s9, s16, $0xb8;
	[tilespmem:$0x1F080] =	vst v63  }
0x32: {  	_ =	swait.ge [sflag:s22], $0x6400  }
0x33: {  	[sflag:s22] =	ssyncset.done $0x0  }
0x34: {  	s10 =	simm.s32 $0xC980;
	[sflag:s22] =	ssyncadd.s32 $0xFFFF9C00  }
0x35: {  	v0 =	vld [tilespmem:s10+$0xC0]  }
0x36: {  	v1 =	vld [tilespmem:s10+$0xD0]  }
0x37: {  	v2 =	vld [tilespmem:s10+$0x80]  }
0x38: {  	v3 =	vld [tilespmem:s10+$0x90]  }
0x39: {  	v9 =	vld [tilespmem:s10+$0x40]  }
0x3a: {  	v12 =	vld [tilespmem:s10+$0x50]  }
0x3b: {  	v6 =	vld [tilespmem:s10+$0x0]  }
0x3c: {  	v8 =	vld [tilespmem:s10+$0x10]  }
0x3d: {  	v5 =	vld [tilespmem:s10+$0xFFFFFFC0]  }
0x3e: {  	v7 =	vld [tilespmem:s10+$0xFFFFFFD0]  }
0x3f: {  	v4 =	vld [tilespmem:s10+$0xFFFFFF80]  }
0x40: {  	v10 =	vld [tilespmem:s10+$0xFFFFFF90]  }
0x41: {  	v11 =	vld [tilespmem:s10+$0xFFFFFF40]  }
0x42: {  	v13 =	vld [tilespmem:s10+$0xFFFFFF50]  }
0x43: {  	v14 =	vld [tilespmem:s10+$0xFFFFFF00]  }
0x44: {  	v15 =	vld [tilespmem:s10+$0xFFFFFF10]  }
0x45: {  	v16 =	vld [tilespmem:s10+$0xFFFFFF20]  }
0x46: {  	v17 =	vld [tilespmem:s10+$0xFFFFFF30]  }
0x47: {  	v18 =	vld [tilespmem:s10+$0xFFFFFF60]  }
0x48: {  	v19 =	vld [tilespmem:s10+$0xFFFFFF70]  }
0x49: {  	v20 =	vimm.f32 $0.0e+00;
	v21 =	vld [tilespmem:s10+$0xFFFFFFA0]  }
0x4a: {  	v22 =	vld [tilespmem:s10+$0xFFFFFFB0];
	v14 =	vadd.f32 v14, v20;
	v15 =	vadd.f32 v15, v20  }
0x4b: {  	v59 =	vld [tilespmem:s10+$0xFFFFFFE0];
	v16 =	vadd.f32 v16, v20;
	v17 =	vadd.f32 v17, v20  }
0x4c: {  	v11 =	vadd.f32 v11, v14;
	v13 =	vadd.f32 v13, v15;
	v14 =	vld [tilespmem:s10+$0xFFFFFFF0]  }
0x4d: {  	v61 =	vld [tilespmem:s10+$0x20];
	v15 =	vadd.f32 v18, v16;
	v60 =	vadd.f32 v19, v17  }
0x4e: {  	v11 =	vadd.f32 v4, v11;
	v10 =	vadd.f32 v10, v13;
	v13 =	vld [tilespmem:s10+$0x30]  }
0x4f: {  	v15 =	vadd.f32 v21, v15;
	v16 =	vadd.f32 v22, v60;
	v4 =	vld [tilespmem:s10+$0x60]  }
0x50: {  	v11 =	vadd.f32 v5, v11;
	v10 =	vadd.f32 v7, v10;
	v7 =	vld [tilespmem:s10+$0x70]  }
0x51: {  	v15 =	vadd.f32 v59, v15;
	v5 =	vld [tilespmem:s10+$0xA0];
	v14 =	vadd.f32 v14, v16  }
0x52: {  	v62 =	vadd.f32 v6, v11;
	v63 =	vadd.f32 v8, v10;
	v8 =	vld [tilespmem:s10+$0xB0]  }
0x53: {  	v11 =	vadd.f32 v61, v15;
	v6 =	vld [tilespmem:s10+$0xE0];
	v10 =	vadd.f32 v13, v14  }
0x54: {  	s17 =	sshll.u32 s0, $0x1;
	s9 =	simm.s32 $0x0;
	v13 =	vadd.f32 v9, v62;
	v12 =	vadd.f32 v12, v63;
	v9 =	vld [tilespmem:s10+$0xF0];
	s10 =	simm.s32 $0xCB80  }
.LBB2_4:
0x55: {  	v14 =	vld [tilespmem:s10+$0xC0];
	v4 =	vadd.f32 v4, v11;
	v7 =	vadd.f32 v7, v10  }
0x56: {  	v10 =	vld [tilespmem:s10+$0xD0];
	v11 =	vadd.f32 v2, v13;
	v12 =	vadd.f32 v3, v12  }
0x57: {  	v2 =	vld [tilespmem:s10+$0x80];
	v4 =	vadd.f32 v5, v4;
	v5 =	vadd.f32 v8, v7  }
0x58: {  	v3 =	vld [tilespmem:s10+$0x90];
	v7 =	vadd.f32 v0, v11;
	v8 =	vadd.f32 v1, v12  }
0x59: {  	v12 =	vld [tilespmem:s10+$0x40];
	v4 =	vadd.f32 v6, v4;
	v5 =	vadd.f32 v9, v5  }
0x5a: {  	v9 =	vld [tilespmem:s10+$0x50];
	v0 =	vmov v14  }
0x5b: {  	v6 =	vld [tilespmem:s10+$0x0];
	v1 =	vmov v10  }
0x5c: {  	v10 =	vld [tilespmem:s10+$0x10]  }
0x5d: {  	v11 =	vld [tilespmem:s10+$0xFFFFFFC0]  }
0x5e: {  	v13 =	vld [tilespmem:s10+$0xFFFFFFD0]  }
0x5f: {  	v14 =	vld [tilespmem:s10+$0xFFFFFF80]  }
0x60: {  	v15 =	vld [tilespmem:s10+$0xFFFFFF90]  }
0x61: {  	v16 =	vld [tilespmem:s10+$0xFFFFFF40]  }
0x62: {  	v17 =	vld [tilespmem:s10+$0xFFFFFF50]  }
0x63: {  	v18 =	vld [tilespmem:s10+$0xFFFFFF00]  }
0x64: {  	v19 =	vld [tilespmem:s10+$0xFFFFFF10]  }
0x65: {  	v20 =	vld [tilespmem:s10+$0xFFFFFF20]  }
0x66: {  	s9 =	sadd.s32 $0x8, s9;
	v21 =	vld [tilespmem:s10+$0xFFFFFF30]  }
0x67: {  	p1 =	slt.u32 s9, $0xC0;
	v22 =	vld [tilespmem:s10+$0xFFFFFF60]  }
0x68: {  	v23 =	vld [tilespmem:s10+$0xFFFFFF70]  }
0x69: {  	v24 =	vld [tilespmem:s10+$0xFFFFFFA0]  }
0x6a: {  	v7 =	vadd.f32 v18, v7;
	v8 =	vadd.f32 v19, v8;
	v18 =	vld [tilespmem:s10+$0xFFFFFFB0]  }
0x6b: {  	v4 =	vadd.f32 v20, v4;
	v5 =	vadd.f32 v21, v5;
	v19 =	vld [tilespmem:s10+$0xFFFFFFE0]  }
0x6c: {  	v7 =	vadd.f32 v16, v7;
	v8 =	vadd.f32 v17, v8;
	v16 =	vld [tilespmem:s10+$0xFFFFFFF0]  }
0x6d: {  	v4 =	vadd.f32 v22, v4;
	v5 =	vadd.f32 v23, v5;
	v17 =	vld [tilespmem:s10+$0x20]  }
0x6e: {  	v7 =	vadd.f32 v14, v7;
	v8 =	vadd.f32 v15, v8;
	v14 =	vld [tilespmem:s10+$0x30]  }
0x6f: {  	v15 =	vadd.f32 v24, v4;
	v5 =	vadd.f32 v18, v5;
	v4 =	vld [tilespmem:s10+$0x60]  }
.Ltmp2:
0x70: {  	v11 =	vadd.f32 v11, v7;
	v8 =	vadd.f32 v13, v8;
	v7 =	vld [tilespmem:s10+$0x70];
	(pc) =	sbr.rel @p1 .LBB2_4-.Ltmp2, $4  }
0x71: {  	v13 =	vadd.f32 v19, v15;
	v15 =	vadd.f32 v16, v5;
	v5 =	vld [tilespmem:s10+$0xA0]  }
0x72: {  	v16 =	vadd.f32 v6, v11;
	v18 =	vadd.f32 v10, v8;
	v8 =	vld [tilespmem:s10+$0xB0]  }
0x73: {  	v11 =	vadd.f32 v17, v13;
	v10 =	vadd.f32 v14, v15;
	v6 =	vld [tilespmem:s10+$0xE0]  }
0x74: {  	v13 =	vadd.f32 v12, v16;
	v12 =	vadd.f32 v9, v18;
	v9 =	vld [tilespmem:s10+$0xF0];
	s10 =	sadd.s32 $0x200, s10  }
0x75: {  	_ = 	snop  }
0x76: {  	v4 =	vadd.f32 v4, v11;
	v2 =	vadd.f32 v2, v13  }
0x77: {  	v7 =	vadd.f32 v7, v10;
	v3 =	vadd.f32 v3, v12  }
0x78: {  	s9 =	sshll.u32 s0, $0x8;
	v4 =	vadd.f32 v5, v4;
	v0 =	vadd.f32 v0, v2  }
0x79: {  	s9 =	sand.u32 $0x3FFFFF00, s9;
	v2 =	vadd.f32 v8, v7;
	v1 =	vadd.f32 v1, v3  }
0x7a: {  	v3 =	vadd.f32 v6, v4;
	[tilespmem:s9+$0x19080] =	vst v0  }
0x7b: {  	v0 =	vadd.f32 v9, v2;
	[tilespmem:s9+$0x19090] =	vst v1  }
0x7c: {  	[tilespmem:s9+$0x190A0] =	vst v3  }
0x7d: {  	s13 =	simm.s32 $0xFC70;
	[tilespmem:s9+$0x190B0] =	vst v0  }
0x7e: {  	v0 =	vld [tilespmem:s13+$0xFFFFFFD0]  }
0x7f: {  	v1 =	vld [tilespmem:s13+$0xFFFFFFE0]  }
0x80: {  	v2 =	vld [tilespmem:s13+$0xFFFFFF90]  }
0x81: {  	v3 =	vld [tilespmem:s13+$0xFFFFFFA0]  }
0x82: {  	v9 =	vld [tilespmem:s13+$0xFFFFFF50]  }
0x83: {  	v12 =	vld [tilespmem:s13+$0xFFFFFF60]  }
0x84: {  	v7 =	vld [tilespmem:s13+$0xFFFFFF10]  }
0x85: {  	v8 =	vld [tilespmem:s13+$0xFFFFFF20]  }
0x86: {  	v5 =	vld [tilespmem:s13+$0xFFFFFED0]  }
0x87: {  	v6 =	vld [tilespmem:s13+$0xFFFFFEE0]  }
0x88: {  	v4 =	vld [tilespmem:s13+$0xFFFFFE90]  }
0x89: {  	v10 =	vld [tilespmem:s13+$0xFFFFFEA0]  }
0x8a: {  	v11 =	vld [tilespmem:s13+$0xFFFFFE50]  }
0x8b: {  	v13 =	vld [tilespmem:s13+$0xFFFFFE60]  }
0x8c: {  	v14 =	vld [tilespmem:s13+$0xFFFFFE10]  }
0x8d: {  	v15 =	vld [tilespmem:s13+$0xFFFFFE20]  }
0x8e: {  	v16 =	vld [tilespmem:s13+$0xFFFFFE30]  }
0x8f: {  	v17 =	vld [tilespmem:s13+$0xFFFFFE40]  }
0x90: {  	v18 =	vld [tilespmem:s13+$0xFFFFFE70]  }
0x91: {  	v19 =	vld [tilespmem:s13+$0xFFFFFE80]  }
0x92: {  	v20 =	vimm.f32 $0.0e+00;
	v21 =	vld [tilespmem:s13+$0xFFFFFEB0]  }
0x93: {  	v22 =	vld [tilespmem:s13+$0xFFFFFEC0];
	v14 =	vadd.f32 v14, v20;
	v15 =	vadd.f32 v15, v20  }
0x94: {  	v59 =	vld [tilespmem:s13+$0xFFFFFEF0];
	v16 =	vadd.f32 v16, v20;
	v17 =	vadd.f32 v17, v20  }
0x95: {  	v11 =	vadd.f32 v11, v14;
	v13 =	vadd.f32 v13, v15;
	v14 =	vld [tilespmem:s13+$0xFFFFFF00]  }
0x96: {  	v61 =	vld [tilespmem:s13+$0xFFFFFF30];
	v15 =	vadd.f32 v18, v16;
	v60 =	vadd.f32 v19, v17  }
0x97: {  	v11 =	vadd.f32 v4, v11;
	v10 =	vadd.f32 v10, v13;
	v13 =	vld [tilespmem:s13+$0xFFFFFF40]  }
0x98: {  	v15 =	vadd.f32 v21, v15;
	v16 =	vadd.f32 v22, v60;
	v4 =	vld [tilespmem:s13+$0xFFFFFF70]  }
0x99: {  	v11 =	vadd.f32 v5, v11;
	v10 =	vadd.f32 v6, v10;
	v6 =	vld [tilespmem:s13+$0xFFFFFF80]  }
0x9a: {  	v15 =	vadd.f32 v59, v15;
	v5 =	vld [tilespmem:s13+$0xFFFFFFB0];
	v14 =	vadd.f32 v14, v16  }
0x9b: {  	v62 =	vadd.f32 v7, v11;
	v63 =	vadd.f32 v8, v10;
	v8 =	vld [tilespmem:s13+$0xFFFFFFC0]  }
0x9c: {  	v11 =	vadd.f32 v61, v15;
	v7 =	vld [tilespmem:s13+$0xFFFFFFF0];
	v10 =	vadd.f32 v13, v14  }
0x9d: {  	s10 =	simm.s32 $0x0;
	v13 =	vadd.f32 v9, v62;
	v12 =	vadd.f32 v12, v63;
	v9 =	vld [tilespmem:s13+$0x0];
	s13 =	simm.s32 $0xFE70  }
.LBB2_6:
0x9e: {  	v14 =	vld [tilespmem:s13+$0xFFFFFFD0];
	v4 =	vadd.f32 v4, v11;
	v6 =	vadd.f32 v6, v10  }
0x9f: {  	v10 =	vld [tilespmem:s13+$0xFFFFFFE0];
	v11 =	vadd.f32 v2, v13;
	v12 =	vadd.f32 v3, v12  }
0xa0: {  	v2 =	vld [tilespmem:s13+$0xFFFFFF90];
	v4 =	vadd.f32 v5, v4;
	v5 =	vadd.f32 v8, v6  }
0xa1: {  	v3 =	vld [tilespmem:s13+$0xFFFFFFA0];
	v6 =	vadd.f32 v0, v11;
	v8 =	vadd.f32 v1, v12  }
0xa2: {  	v12 =	vld [tilespmem:s13+$0xFFFFFF50];
	v4 =	vadd.f32 v7, v4;
	v5 =	vadd.f32 v9, v5  }
0xa3: {  	v9 =	vld [tilespmem:s13+$0xFFFFFF60];
	v0 =	vmov v14  }
0xa4: {  	v7 =	vld [tilespmem:s13+$0xFFFFFF10];
	v1 =	vmov v10  }
0xa5: {  	v10 =	vld [tilespmem:s13+$0xFFFFFF20]  }
0xa6: {  	v11 =	vld [tilespmem:s13+$0xFFFFFED0]  }
0xa7: {  	v13 =	vld [tilespmem:s13+$0xFFFFFEE0]  }
0xa8: {  	v14 =	vld [tilespmem:s13+$0xFFFFFE90]  }
0xa9: {  	v15 =	vld [tilespmem:s13+$0xFFFFFEA0]  }
0xaa: {  	v16 =	vld [tilespmem:s13+$0xFFFFFE50]  }
0xab: {  	v17 =	vld [tilespmem:s13+$0xFFFFFE60]  }
0xac: {  	v18 =	vld [tilespmem:s13+$0xFFFFFE10]  }
0xad: {  	v19 =	vld [tilespmem:s13+$0xFFFFFE20]  }
0xae: {  	v20 =	vld [tilespmem:s13+$0xFFFFFE30]  }
0xaf: {  	s10 =	sadd.s32 $0x8, s10;
	v21 =	vld [tilespmem:s13+$0xFFFFFE40]  }
0xb0: {  	p1 =	slt.u32 s10, $0xC0;
	v22 =	vld [tilespmem:s13+$0xFFFFFE70]  }
0xb1: {  	v23 =	vld [tilespmem:s13+$0xFFFFFE80]  }
0xb2: {  	v24 =	vld [tilespmem:s13+$0xFFFFFEB0]  }
0xb3: {  	v6 =	vadd.f32 v18, v6;
	v8 =	vadd.f32 v19, v8;
	v18 =	vld [tilespmem:s13+$0xFFFFFEC0]  }
0xb4: {  	v4 =	vadd.f32 v20, v4;
	v5 =	vadd.f32 v21, v5;
	v19 =	vld [tilespmem:s13+$0xFFFFFEF0]  }
0xb5: {  	v6 =	vadd.f32 v16, v6;
	v8 =	vadd.f32 v17, v8;
	v16 =	vld [tilespmem:s13+$0xFFFFFF00]  }
0xb6: {  	v4 =	vadd.f32 v22, v4;
	v5 =	vadd.f32 v23, v5;
	v17 =	vld [tilespmem:s13+$0xFFFFFF30]  }
0xb7: {  	v6 =	vadd.f32 v14, v6;
	v8 =	vadd.f32 v15, v8;
	v14 =	vld [tilespmem:s13+$0xFFFFFF40]  }
0xb8: {  	v15 =	vadd.f32 v24, v4;
	v5 =	vadd.f32 v18, v5;
	v4 =	vld [tilespmem:s13+$0xFFFFFF70]  }
.Ltmp3:
0xb9: {  	v11 =	vadd.f32 v11, v6;
	v8 =	vadd.f32 v13, v8;
	v6 =	vld [tilespmem:s13+$0xFFFFFF80];
	(pc) =	sbr.rel @p1 .LBB2_6-.Ltmp3, $4  }
0xba: {  	v13 =	vadd.f32 v19, v15;
	v15 =	vadd.f32 v16, v5;
	v5 =	vld [tilespmem:s13+$0xFFFFFFB0]  }
0xbb: {  	v16 =	vadd.f32 v7, v11;
	v18 =	vadd.f32 v10, v8;
	v8 =	vld [tilespmem:s13+$0xFFFFFFC0]  }
0xbc: {  	v11 =	vadd.f32 v17, v13;
	v10 =	vadd.f32 v14, v15;
	v7 =	vld [tilespmem:s13+$0xFFFFFFF0]  }
0xbd: {  	v13 =	vadd.f32 v12, v16;
	v12 =	vadd.f32 v9, v18;
	v9 =	vld [tilespmem:s13+$0x0];
	s13 =	sadd.s32 $0x200, s13  }
0xbe: {  	_ = 	snop  }
0xbf: {  	v4 =	vadd.f32 v4, v11;
	v2 =	vadd.f32 v2, v13  }
0xc0: {  	v6 =	vadd.f32 v6, v10;
	v3 =	vadd.f32 v3, v12  }
0xc1: {  	v4 =	vadd.f32 v5, v4;
	v0 =	vadd.f32 v0, v2  }
0xc2: {  	v2 =	vadd.f32 v8, v6;
	v1 =	vadd.f32 v1, v3  }
0xc3: {  	s10 =	sadd.s32 $0x2, s17;
	p1 =	seq.s32 s0, $0x1F;
	v3 =	vadd.f32 v7, v4;
	[tilespmem:s9+$0x190C0] =	vst v0  }
0xc4: {  	s13 =	smul.u32 @!p1 $0x640, s10;
	v0 =	vadd.f32 v9, v2;
	[tilespmem:s9+$0x190D0] =	vst v1  }
0xc5: {  	[tilespmem:s9+$0x190E0] =	vst v3  }
0xc6: {  	s17 =	simm.s32 @!p1 $0xC880;
	[tilespmem:s9+$0x190F0] =	vst v0;
	s9 =	sshra.s32 @!p1 s13, $0x2;
	s13 =	simm.s32 @!p1 $0x190  }
0xc7: {  	[tilespmem:s17], [sflag:$0x1] =	stream.indirect.gather @!p1 [hbm4b:s6+s13], $0x40, s9, s13, $0xb8;
	[tilespmem:$0x1F080] =	vst v63  }
0xc8: {  	p1 =	sne.s32 s10, $0x40  }
0xc9: {  	s9 =	simm.s32 @!p1 $0x5  }
0xca: {  	_ =	swait.ge @!p1 [sflag:s9], $0x6400  }
0xcb: {  	s10 =	simm.s32 @!p1 $0x6400;
	[sflag:s9] =	ssyncset.done @!p1 $0x0  }
0xcc: {  	s13 =	simm.s32 @!p1 $0xC880;
	[sflag:s9] =	ssyncadd.s32 @!p1 $0xFFFF9C00;
	s9 =	simm.s32 @!p1 $0x190  }
0xcd: {  	[tilespmem:s13], [sflag:$0x1] =	stream.indirect.gather @!p1 [hbm4b:s6+s9], $0x40, s10, s9, $0xb8;
	[tilespmem:$0x1F080] =	vst v63  }
0xce: {  	_ =	swait.ge [sflag:s23], $0x6400  }
0xcf: {  	[sflag:s23] =	ssyncset.done $0x0  }
0xd0: {  	s17 =	simm.s32 $0x12D80;
	[sflag:s23] =	ssyncadd.s32 $0xFFFF9C00  }
0xd1: {  	v0 =	vld [tilespmem:s17+$0xC0]  }
0xd2: {  	v1 =	vld [tilespmem:s17+$0xD0]  }
0xd3: {  	v2 =	vld [tilespmem:s17+$0x80]  }
0xd4: {  	v3 =	vld [tilespmem:s17+$0x90]  }
0xd5: {  	v9 =	vld [tilespmem:s17+$0x40]  }
0xd6: {  	v12 =	vld [tilespmem:s17+$0x50]  }
0xd7: {  	v6 =	vld [tilespmem:s17+$0x0]  }
0xd8: {  	v8 =	vld [tilespmem:s17+$0x10]  }
0xd9: {  	v5 =	vld [tilespmem:s17+$0xFFFFFFC0]  }
0xda: {  	v7 =	vld [tilespmem:s17+$0xFFFFFFD0]  }
0xdb: {  	v4 =	vld [tilespmem:s17+$0xFFFFFF80]  }
0xdc: {  	v10 =	vld [tilespmem:s17+$0xFFFFFF90]  }
0xdd: {  	v11 =	vld [tilespmem:s17+$0xFFFFFF40]  }
0xde: {  	v13 =	vld [tilespmem:s17+$0xFFFFFF50]  }
0xdf: {  	v14 =	vld [tilespmem:s17+$0xFFFFFF00]  }
0xe0: {  	v15 =	vld [tilespmem:s17+$0xFFFFFF10]  }
0xe1: {  	v16 =	vld [tilespmem:s17+$0xFFFFFF20]  }
0xe2: {  	v17 =	vld [tilespmem:s17+$0xFFFFFF30]  }
0xe3: {  	v18 =	vld [tilespmem:s17+$0xFFFFFF60]  }
0xe4: {  	v19 =	vld [tilespmem:s17+$0xFFFFFF70]  }
0xe5: {  	v20 =	vimm.f32 $0.0e+00;
	v21 =	vld [tilespmem:s17+$0xFFFFFFA0]  }
0xe6: {  	v22 =	vld [tilespmem:s17+$0xFFFFFFB0];
	v14 =	vadd.f32 v14, v20;
	v15 =	vadd.f32 v15, v20  }
0xe7: {  	v59 =	vld [tilespmem:s17+$0xFFFFFFE0];
	v16 =	vadd.f32 v16, v20;
	v17 =	vadd.f32 v17, v20  }
0xe8: {  	v11 =	vadd.f32 v11, v14;
	v13 =	vadd.f32 v13, v15;
	v14 =	vld [tilespmem:s17+$0xFFFFFFF0]  }
0xe9: {  	v61 =	vld [tilespmem:s17+$0x20];
	v15 =	vadd.f32 v18, v16;
	v60 =	vadd.f32 v19, v17  }
0xea: {  	v11 =	vadd.f32 v4, v11;
	v10 =	vadd.f32 v10, v13;
	v13 =	vld [tilespmem:s17+$0x30]  }
0xeb: {  	v15 =	vadd.f32 v21, v15;
	v16 =	vadd.f32 v22, v60;
	v4 =	vld [tilespmem:s17+$0x60]  }
0xec: {  	v11 =	vadd.f32 v5, v11;
	v10 =	vadd.f32 v7, v10;
	v7 =	vld [tilespmem:s17+$0x70]  }
0xed: {  	v15 =	vadd.f32 v59, v15;
	v5 =	vld [tilespmem:s17+$0xA0];
	v14 =	vadd.f32 v14, v16  }
0xee: {  	v62 =	vadd.f32 v6, v11;
	v63 =	vadd.f32 v8, v10;
	v8 =	vld [tilespmem:s17+$0xB0]  }
0xef: {  	v11 =	vadd.f32 v61, v15;
	v6 =	vld [tilespmem:s17+$0xE0];
	v10 =	vadd.f32 v13, v14  }
0xf0: {  	s9 =	simm.s32 $0x0;
	s10 =	simm.s32 $0x12F80;
	v13 =	vadd.f32 v9, v62;
	v12 =	vadd.f32 v12, v63;
	v9 =	vld [tilespmem:s17+$0xF0]  }
.LBB2_8:
0xf1: {  	v14 =	vld [tilespmem:s10+$0xC0];
	v4 =	vadd.f32 v4, v11;
	v7 =	vadd.f32 v7, v10  }
0xf2: {  	v10 =	vld [tilespmem:s10+$0xD0];
	v11 =	vadd.f32 v2, v13;
	v12 =	vadd.f32 v3, v12  }
0xf3: {  	v2 =	vld [tilespmem:s10+$0x80];
	v4 =	vadd.f32 v5, v4;
	v5 =	vadd.f32 v8, v7  }
0xf4: {  	v3 =	vld [tilespmem:s10+$0x90];
	v7 =	vadd.f32 v0, v11;
	v8 =	vadd.f32 v1, v12  }
0xf5: {  	v12 =	vld [tilespmem:s10+$0x40];
	v4 =	vadd.f32 v6, v4;
	v5 =	vadd.f32 v9, v5  }
0xf6: {  	v9 =	vld [tilespmem:s10+$0x50];
	v0 =	vmov v14  }
0xf7: {  	v6 =	vld [tilespmem:s10+$0x0];
	v1 =	vmov v10  }
0xf8: {  	v10 =	vld [tilespmem:s10+$0x10]  }
0xf9: {  	v11 =	vld [tilespmem:s10+$0xFFFFFFC0]  }
0xfa: {  	v13 =	vld [tilespmem:s10+$0xFFFFFFD0]  }
0xfb: {  	v14 =	vld [tilespmem:s10+$0xFFFFFF80]  }
0xfc: {  	v15 =	vld [tilespmem:s10+$0xFFFFFF90]  }
0xfd: {  	v16 =	vld [tilespmem:s10+$0xFFFFFF40]  }
0xfe: {  	v17 =	vld [tilespmem:s10+$0xFFFFFF50]  }
0xff: {  	v18 =	vld [tilespmem:s10+$0xFFFFFF00]  }
0x100: {  	v19 =	vld [tilespmem:s10+$0xFFFFFF10]  }
0x101: {  	v20 =	vld [tilespmem:s10+$0xFFFFFF20]  }
0x102: {  	s9 =	sadd.s32 $0x8, s9;
	v21 =	vld [tilespmem:s10+$0xFFFFFF30]  }
0x103: {  	p1 =	slt.u32 s9, $0xC0;
	v22 =	vld [tilespmem:s10+$0xFFFFFF60]  }
0x104: {  	v23 =	vld [tilespmem:s10+$0xFFFFFF70]  }
0x105: {  	v24 =	vld [tilespmem:s10+$0xFFFFFFA0]  }
0x106: {  	v7 =	vadd.f32 v18, v7;
	v8 =	vadd.f32 v19, v8;
	v18 =	vld [tilespmem:s10+$0xFFFFFFB0]  }
0x107: {  	v4 =	vadd.f32 v20, v4;
	v5 =	vadd.f32 v21, v5;
	v19 =	vld [tilespmem:s10+$0xFFFFFFE0]  }
0x108: {  	v7 =	vadd.f32 v16, v7;
	v8 =	vadd.f32 v17, v8;
	v16 =	vld [tilespmem:s10+$0xFFFFFFF0]  }
0x109: {  	v4 =	vadd.f32 v22, v4;
	v5 =	vadd.f32 v23, v5;
	v17 =	vld [tilespmem:s10+$0x20]  }
0x10a: {  	v7 =	vadd.f32 v14, v7;
	v8 =	vadd.f32 v15, v8;
	v14 =	vld [tilespmem:s10+$0x30]  }
0x10b: {  	v15 =	vadd.f32 v24, v4;
	v5 =	vadd.f32 v18, v5;
	v4 =	vld [tilespmem:s10+$0x60]  }
.Ltmp4:
0x10c: {  	v11 =	vadd.f32 v11, v7;
	v8 =	vadd.f32 v13, v8;
	v7 =	vld [tilespmem:s10+$0x70];
	(pc) =	sbr.rel @p1 .LBB2_8-.Ltmp4, $4  }
0x10d: {  	v13 =	vadd.f32 v19, v15;
	v15 =	vadd.f32 v16, v5;
	v5 =	vld [tilespmem:s10+$0xA0]  }
0x10e: {  	v16 =	vadd.f32 v6, v11;
	v18 =	vadd.f32 v10, v8;
	v8 =	vld [tilespmem:s10+$0xB0]  }
0x10f: {  	v11 =	vadd.f32 v17, v13;
	v10 =	vadd.f32 v14, v15;
	v6 =	vld [tilespmem:s10+$0xE0]  }
0x110: {  	v13 =	vadd.f32 v12, v16;
	v12 =	vadd.f32 v9, v18;
	v9 =	vld [tilespmem:s10+$0xF0];
	s10 =	sadd.s32 $0x200, s10  }
0x111: {  	_ = 	snop  }
0x112: {  	v4 =	vadd.f32 v4, v11;
	v2 =	vadd.f32 v2, v13  }
0x113: {  	v7 =	vadd.f32 v7, v10;
	v3 =	vadd.f32 v3, v12  }
0x114: {  	s2 =	sshll.u32 s2, $0x7;
	v4 =	vadd.f32 v5, v4;
	v0 =	vadd.f32 v0, v2  }
0x115: {  	s2 =	sand.u32 $0x3FFFFF80, s2;
	v2 =	vadd.f32 v8, v7;
	v1 =	vadd.f32 v1, v3  }
0x116: {  	v3 =	vadd.f32 v6, v4;
	[tilespmem:s2+$0x19080] =	vst v0  }
0x117: {  	v0 =	vadd.f32 v9, v2;
	[tilespmem:s2+$0x19090] =	vst v1  }
0x118: {  	[tilespmem:s2+$0x190A0] =	vst v3  }
0x119: {  	s10 =	simm.s32 $0x16070;
	[tilespmem:s2+$0x190B0] =	vst v0  }
0x11a: {  	v0 =	vld [tilespmem:s10+$0xFFFFFFD0]  }
0x11b: {  	v1 =	vld [tilespmem:s10+$0xFFFFFFE0]  }
0x11c: {  	v2 =	vld [tilespmem:s10+$0xFFFFFF90]  }
0x11d: {  	v3 =	vld [tilespmem:s10+$0xFFFFFFA0]  }
0x11e: {  	v9 =	vld [tilespmem:s10+$0xFFFFFF50]  }
0x11f: {  	v12 =	vld [tilespmem:s10+$0xFFFFFF60]  }
0x120: {  	v7 =	vld [tilespmem:s10+$0xFFFFFF10]  }
0x121: {  	v8 =	vld [tilespmem:s10+$0xFFFFFF20]  }
0x122: {  	v5 =	vld [tilespmem:s10+$0xFFFFFED0]  }
0x123: {  	v6 =	vld [tilespmem:s10+$0xFFFFFEE0]  }
0x124: {  	v4 =	vld [tilespmem:s10+$0xFFFFFE90]  }
0x125: {  	v10 =	vld [tilespmem:s10+$0xFFFFFEA0]  }
0x126: {  	v11 =	vld [tilespmem:s10+$0xFFFFFE50]  }
0x127: {  	v13 =	vld [tilespmem:s10+$0xFFFFFE60]  }
0x128: {  	v14 =	vld [tilespmem:s10+$0xFFFFFE10]  }
0x129: {  	v15 =	vld [tilespmem:s10+$0xFFFFFE20]  }
0x12a: {  	v16 =	vld [tilespmem:s10+$0xFFFFFE30]  }
0x12b: {  	v17 =	vld [tilespmem:s10+$0xFFFFFE40]  }
0x12c: {  	v18 =	vld [tilespmem:s10+$0xFFFFFE70]  }
0x12d: {  	v19 =	vld [tilespmem:s10+$0xFFFFFE80]  }
0x12e: {  	v20 =	vimm.f32 $0.0e+00;
	v21 =	vld [tilespmem:s10+$0xFFFFFEB0]  }
0x12f: {  	v22 =	vld [tilespmem:s10+$0xFFFFFEC0];
	v14 =	vadd.f32 v14, v20;
	v15 =	vadd.f32 v15, v20  }
0x130: {  	v59 =	vld [tilespmem:s10+$0xFFFFFEF0];
	v16 =	vadd.f32 v16, v20;
	v17 =	vadd.f32 v17, v20  }
0x131: {  	v11 =	vadd.f32 v11, v14;
	v13 =	vadd.f32 v13, v15;
	v14 =	vld [tilespmem:s10+$0xFFFFFF00]  }
0x132: {  	v61 =	vld [tilespmem:s10+$0xFFFFFF30];
	v15 =	vadd.f32 v18, v16;
	v60 =	vadd.f32 v19, v17  }
0x133: {  	v11 =	vadd.f32 v4, v11;
	v10 =	vadd.f32 v10, v13;
	v13 =	vld [tilespmem:s10+$0xFFFFFF40]  }
0x134: {  	v15 =	vadd.f32 v21, v15;
	v16 =	vadd.f32 v22, v60;
	v4 =	vld [tilespmem:s10+$0xFFFFFF70]  }
0x135: {  	v11 =	vadd.f32 v5, v11;
	v10 =	vadd.f32 v6, v10;
	v6 =	vld [tilespmem:s10+$0xFFFFFF80]  }
0x136: {  	v15 =	vadd.f32 v59, v15;
	v5 =	vld [tilespmem:s10+$0xFFFFFFB0];
	v14 =	vadd.f32 v14, v16  }
0x137: {  	v62 =	vadd.f32 v7, v11;
	v63 =	vadd.f32 v8, v10;
	v8 =	vld [tilespmem:s10+$0xFFFFFFC0]  }
0x138: {  	v11 =	vadd.f32 v61, v15;
	v7 =	vld [tilespmem:s10+$0xFFFFFFF0];
	v10 =	vadd.f32 v13, v14  }
0x139: {  	s9 =	simm.s32 $0x0;
	v13 =	vadd.f32 v9, v62;
	v12 =	vadd.f32 v12, v63;
	v9 =	vld [tilespmem:s10+$0x0];
	s10 =	simm.s32 $0x16270  }
.LBB2_10:
0x13a: {  	v14 =	vld [tilespmem:s10+$0xFFFFFFD0];
	v4 =	vadd.f32 v4, v11;
	v6 =	vadd.f32 v6, v10  }
0x13b: {  	v10 =	vld [tilespmem:s10+$0xFFFFFFE0];
	v11 =	vadd.f32 v2, v13;
	v12 =	vadd.f32 v3, v12  }
0x13c: {  	v2 =	vld [tilespmem:s10+$0xFFFFFF90];
	v4 =	vadd.f32 v5, v4;
	v5 =	vadd.f32 v8, v6  }
0x13d: {  	v3 =	vld [tilespmem:s10+$0xFFFFFFA0];
	v6 =	vadd.f32 v0, v11;
	v8 =	vadd.f32 v1, v12  }
0x13e: {  	v12 =	vld [tilespmem:s10+$0xFFFFFF50];
	v4 =	vadd.f32 v7, v4;
	v5 =	vadd.f32 v9, v5  }
0x13f: {  	v9 =	vld [tilespmem:s10+$0xFFFFFF60];
	v0 =	vmov v14  }
0x140: {  	v7 =	vld [tilespmem:s10+$0xFFFFFF10];
	v1 =	vmov v10  }
0x141: {  	v10 =	vld [tilespmem:s10+$0xFFFFFF20]  }
0x142: {  	v11 =	vld [tilespmem:s10+$0xFFFFFED0]  }
0x143: {  	v13 =	vld [tilespmem:s10+$0xFFFFFEE0]  }
0x144: {  	v14 =	vld [tilespmem:s10+$0xFFFFFE90]  }
0x145: {  	v15 =	vld [tilespmem:s10+$0xFFFFFEA0]  }
0x146: {  	v16 =	vld [tilespmem:s10+$0xFFFFFE50]  }
0x147: {  	v17 =	vld [tilespmem:s10+$0xFFFFFE60]  }
0x148: {  	v18 =	vld [tilespmem:s10+$0xFFFFFE10]  }
0x149: {  	v19 =	vld [tilespmem:s10+$0xFFFFFE20]  }
0x14a: {  	v20 =	vld [tilespmem:s10+$0xFFFFFE30]  }
0x14b: {  	s9 =	sadd.s32 $0x8, s9;
	v21 =	vld [tilespmem:s10+$0xFFFFFE40]  }
0x14c: {  	p1 =	slt.u32 s9, $0xC0;
	v22 =	vld [tilespmem:s10+$0xFFFFFE70]  }
0x14d: {  	v23 =	vld [tilespmem:s10+$0xFFFFFE80]  }
0x14e: {  	v24 =	vld [tilespmem:s10+$0xFFFFFEB0]  }
0x14f: {  	v6 =	vadd.f32 v18, v6;
	v8 =	vadd.f32 v19, v8;
	v18 =	vld [tilespmem:s10+$0xFFFFFEC0]  }
0x150: {  	v4 =	vadd.f32 v20, v4;
	v5 =	vadd.f32 v21, v5;
	v19 =	vld [tilespmem:s10+$0xFFFFFEF0]  }
0x151: {  	v6 =	vadd.f32 v16, v6;
	v8 =	vadd.f32 v17, v8;
	v16 =	vld [tilespmem:s10+$0xFFFFFF00]  }
0x152: {  	v4 =	vadd.f32 v22, v4;
	v5 =	vadd.f32 v23, v5;
	v17 =	vld [tilespmem:s10+$0xFFFFFF30]  }
0x153: {  	v6 =	vadd.f32 v14, v6;
	v8 =	vadd.f32 v15, v8;
	v14 =	vld [tilespmem:s10+$0xFFFFFF40]  }
0x154: {  	v15 =	vadd.f32 v24, v4;
	v5 =	vadd.f32 v18, v5;
	v4 =	vld [tilespmem:s10+$0xFFFFFF70]  }
.Ltmp5:
0x155: {  	v11 =	vadd.f32 v11, v6;
	v8 =	vadd.f32 v13, v8;
	v6 =	vld [tilespmem:s10+$0xFFFFFF80];
	(pc) =	sbr.rel @p1 .LBB2_10-.Ltmp5, $4  }
0x156: {  	v13 =	vadd.f32 v19, v15;
	v15 =	vadd.f32 v16, v5;
	v5 =	vld [tilespmem:s10+$0xFFFFFFB0]  }
0x157: {  	v16 =	vadd.f32 v7, v11;
	v18 =	vadd.f32 v10, v8;
	v8 =	vld [tilespmem:s10+$0xFFFFFFC0]  }
0x158: {  	v11 =	vadd.f32 v17, v13;
	v10 =	vadd.f32 v14, v15;
	v7 =	vld [tilespmem:s10+$0xFFFFFFF0]  }
0x159: {  	v13 =	vadd.f32 v12, v16;
	v12 =	vadd.f32 v9, v18;
	v9 =	vld [tilespmem:s10+$0x0];
	s10 =	sadd.s32 $0x200, s10  }
0x15a: {  	_ = 	snop  }
0x15b: {  	v4 =	vadd.f32 v4, v11;
	v2 =	vadd.f32 v2, v13  }
0x15c: {  	v6 =	vadd.f32 v6, v10;
	s0 =	sadd.s32 $0x1, s0;
	v3 =	vadd.f32 v3, v12  }
0x15d: {  	p1 =	sne.s32 s0, $0x20;
	v4 =	vadd.f32 v5, v4;
	v0 =	vadd.f32 v0, v2  }
.Ltmp6:
0x15e: {  	v61 =	vadd.f32 v8, v6;
	v1 =	vadd.f32 v1, v3;
	(pc) =	sbr.rel @p1 .LBB2_3-.Ltmp6, $4  }
0x15f: {  	v62 =	vadd.f32 v7, v4;
	[tilespmem:s2+$0x190C0] =	vst v0  }
0x160: {  	v63 =	vadd.f32 v9, v61;
	[tilespmem:s2+$0x190D0] =	vst v1  }
0x161: {  	[tilespmem:s2+$0x190E0] =	vst v62  }
0x162: {  	[tilespmem:s2+$0x190F0] =	vst v63  }
0x163: {  	s0 =	sshll.u32 s31, $0x3  }
0x164: {  	s2 =	sadd.s32 s4, s0  }
0x165: {  	[hbm4b:s2+s5] =	stream.linear.scatter [tilespmem:s24], [sflag:$0x6], $0x2000, $0x38;
	[tilespmem:$0x1F080] =	vst v63  }
0x166: {  	_ =	swait.ge [sflag:s25], $0x2000  }
0x167: {  	[sflag:s25] =	ssyncset.done $0x0  }
0x168: {  	s0 =	sadd.s32 s7, s0;
	[sflag:s25] =	ssyncadd.s32 $0xFFFFE000  }
0x169: {  	[hbm4b:s0+s5] =	stream.linear.scatter [tilespmem:s20], [sflag:$0x8], $0x2000, $0x38;
	[tilespmem:$0x1F080] =	vst v63  }
0x16a: {  	_ =	swait.ge [sflag:s14], $0x2000  }
0x16b: {  	[sflag:s14] =	ssyncset.done $0x0  }
0x16c: {  	s0 =	simm.s32 @!p0 $0x7;
	[sflag:s14] =	ssyncadd.s32 $0xFFFFE000  }
0x16d: {  	s31 =	smov.u32 @p0 s8;
	_ =	swait.ge @!p0 [sflag:s0], $0x2000  }
0x16e: {  	s31 =	sor.u32 $0x80, s31;
	[sflag:s0] =	ssyncset.done @!p0 $0x0  }
0x16f: {  	s13 =	sshrl.u32 s31, $0x3;
	[sflag:s0] =	ssyncadd.s32 @!p0 $0xFFFFE000;
	s0 =	simm.s32 @p0 $0x0  }
0x170: {  	[tilespmem:s0], [sflag:$0x4] =	stream.linear.gather @p0 [hbm4b:s11+s0], $0x6400, $0x38;
	[tilespmem:$0x1F080] =	vst v63  }
0x171: {  	s17 =	sadd.s32 s1, s13;
	s0 =	simm.s32 $0x0  }
0x172: {  	[tilespmem:s18], [sflag:$0x8] =	stream.linear.gather [hbm4b:s17+s0], $0x80, $0x38;
	[tilespmem:$0x1F080] =	vst v63  }
0x173: {  	_ =	swait.ge [sflag:s14], $0x80  }
0x174: {  	[sflag:s14] =	ssyncset.done $0x0  }
0x175: {  	p1 =	por !p0, !p0;
	[sflag:s14] =	ssyncadd.s32 $0xFFFFFF80  }
0x176: {  	[tilespmem:s20], [sflag:$0x3] =	stream.indirect.gather [hbm4b:s3+s19], $0x40, s18, s19, $0xb8;
	[tilespmem:$0x1F080] =	vst v63  }
.LBB2_13:
0x177: {  	s2 =	sshllo.u32 s0, $0x1  }
0x178: {  	s9 =	smul.u32 $0x640, s2;
	_ =	sdelay $0x1  }
0x179: {  	s9 =	sshra.s32 s9, $0x2  }
0x17a: {  	s9 =	sadd.s32 $0x6400, s9  }
0x17b: {  	[tilespmem:s21], [sflag:$0x2] =	stream.indirect.gather [hbm4b:s6+s16], $0x40, s9, s16, $0xb8;
	[tilespmem:$0x1F080] =	vst v63  }
0x17c: {  	_ =	swait.ge [sflag:s22], $0x6400  }
0x17d: {  	[sflag:s22] =	ssyncset.done $0x0  }
0x17e: {  	s10 =	simm.s32 $0xC980;
	[sflag:s22] =	ssyncadd.s32 $0xFFFF9C00  }
0x17f: {  	v0 =	vld [tilespmem:s10+$0xC0]  }
0x180: {  	v1 =	vld [tilespmem:s10+$0xD0]  }
0x181: {  	v2 =	vld [tilespmem:s10+$0x80]  }
0x182: {  	v3 =	vld [tilespmem:s10+$0x90]  }
0x183: {  	v9 =	vld [tilespmem:s10+$0x40]  }
0x184: {  	v12 =	vld [tilespmem:s10+$0x50]  }
0x185: {  	v6 =	vld [tilespmem:s10+$0x0]  }
0x186: {  	v8 =	vld [tilespmem:s10+$0x10]  }
0x187: {  	v5 =	vld [tilespmem:s10+$0xFFFFFFC0]  }
0x188: {  	v7 =	vld [tilespmem:s10+$0xFFFFFFD0]  }
0x189: {  	v4 =	vld [tilespmem:s10+$0xFFFFFF80]  }
0x18a: {  	v10 =	vld [tilespmem:s10+$0xFFFFFF90]  }
0x18b: {  	v11 =	vld [tilespmem:s10+$0xFFFFFF40]  }
0x18c: {  	v13 =	vld [tilespmem:s10+$0xFFFFFF50]  }
0x18d: {  	v14 =	vld [tilespmem:s10+$0xFFFFFF00]  }
0x18e: {  	v15 =	vld [tilespmem:s10+$0xFFFFFF10]  }
0x18f: {  	v16 =	vld [tilespmem:s10+$0xFFFFFF20]  }
0x190: {  	v17 =	vld [tilespmem:s10+$0xFFFFFF30]  }
0x191: {  	v18 =	vld [tilespmem:s10+$0xFFFFFF60]  }
0x192: {  	v19 =	vld [tilespmem:s10+$0xFFFFFF70]  }
0x193: {  	v20 =	vimm.f32 $0.0e+00;
	v21 =	vld [tilespmem:s10+$0xFFFFFFA0]  }
0x194: {  	v22 =	vld [tilespmem:s10+$0xFFFFFFB0];
	v14 =	vadd.f32 v14, v20;
	v15 =	vadd.f32 v15, v20  }
0x195: {  	v59 =	vld [tilespmem:s10+$0xFFFFFFE0];
	v16 =	vadd.f32 v16, v20;
	v17 =	vadd.f32 v17, v20  }
0x196: {  	v11 =	vadd.f32 v11, v14;
	v13 =	vadd.f32 v13, v15;
	v14 =	vld [tilespmem:s10+$0xFFFFFFF0]  }
0x197: {  	v61 =	vld [tilespmem:s10+$0x20];
	v15 =	vadd.f32 v18, v16;
	v60 =	vadd.f32 v19, v17  }
0x198: {  	v11 =	vadd.f32 v4, v11;
	v10 =	vadd.f32 v10, v13;
	v13 =	vld [tilespmem:s10+$0x30]  }
0x199: {  	v15 =	vadd.f32 v21, v15;
	v16 =	vadd.f32 v22, v60;
	v4 =	vld [tilespmem:s10+$0x60]  }
0x19a: {  	v11 =	vadd.f32 v5, v11;
	v10 =	vadd.f32 v7, v10;
	v7 =	vld [tilespmem:s10+$0x70]  }
0x19b: {  	v15 =	vadd.f32 v59, v15;
	v5 =	vld [tilespmem:s10+$0xA0];
	v14 =	vadd.f32 v14, v16  }
0x19c: {  	v62 =	vadd.f32 v6, v11;
	v63 =	vadd.f32 v8, v10;
	v8 =	vld [tilespmem:s10+$0xB0]  }
0x19d: {  	v11 =	vadd.f32 v61, v15;
	v6 =	vld [tilespmem:s10+$0xE0];
	v10 =	vadd.f32 v13, v14  }
0x19e: {  	s17 =	sshll.u32 s0, $0x1;
	s9 =	simm.s32 $0x0;
	v13 =	vadd.f32 v9, v62;
	v12 =	vadd.f32 v12, v63;
	v9 =	vld [tilespmem:s10+$0xF0];
	s10 =	simm.s32 $0xCB80  }
.LBB2_14:
0x19f: {  	v14 =	vld [tilespmem:s10+$0xC0];
	v4 =	vadd.f32 v4, v11;
	v7 =	vadd.f32 v7, v10  }
0x1a0: {  	v10 =	vld [tilespmem:s10+$0xD0];
	v11 =	vadd.f32 v2, v13;
	v12 =	vadd.f32 v3, v12  }
0x1a1: {  	v2 =	vld [tilespmem:s10+$0x80];
	v4 =	vadd.f32 v5, v4;
	v5 =	vadd.f32 v8, v7  }
0x1a2: {  	v3 =	vld [tilespmem:s10+$0x90];
	v7 =	vadd.f32 v0, v11;
	v8 =	vadd.f32 v1, v12  }
0x1a3: {  	v12 =	vld [tilespmem:s10+$0x40];
	v4 =	vadd.f32 v6, v4;
	v5 =	vadd.f32 v9, v5  }
0x1a4: {  	v9 =	vld [tilespmem:s10+$0x50];
	v0 =	vmov v14  }
0x1a5: {  	v6 =	vld [tilespmem:s10+$0x0];
	v1 =	vmov v10  }
0x1a6: {  	v10 =	vld [tilespmem:s10+$0x10]  }
0x1a7: {  	v11 =	vld [tilespmem:s10+$0xFFFFFFC0]  }
0x1a8: {  	v13 =	vld [tilespmem:s10+$0xFFFFFFD0]  }
0x1a9: {  	v14 =	vld [tilespmem:s10+$0xFFFFFF80]  }
0x1aa: {  	v15 =	vld [tilespmem:s10+$0xFFFFFF90]  }
0x1ab: {  	v16 =	vld [tilespmem:s10+$0xFFFFFF40]  }
0x1ac: {  	v17 =	vld [tilespmem:s10+$0xFFFFFF50]  }
0x1ad: {  	v18 =	vld [tilespmem:s10+$0xFFFFFF00]  }
0x1ae: {  	v19 =	vld [tilespmem:s10+$0xFFFFFF10]  }
0x1af: {  	v20 =	vld [tilespmem:s10+$0xFFFFFF20]  }
0x1b0: {  	s9 =	sadd.s32 $0x8, s9;
	v21 =	vld [tilespmem:s10+$0xFFFFFF30]  }
0x1b1: {  	p2 =	slt.u32 s9, $0xC0;
	v22 =	vld [tilespmem:s10+$0xFFFFFF60]  }
0x1b2: {  	v23 =	vld [tilespmem:s10+$0xFFFFFF70]  }
0x1b3: {  	v24 =	vld [tilespmem:s10+$0xFFFFFFA0]  }
0x1b4: {  	v7 =	vadd.f32 v18, v7;
	v8 =	vadd.f32 v19, v8;
	v18 =	vld [tilespmem:s10+$0xFFFFFFB0]  }
0x1b5: {  	v4 =	vadd.f32 v20, v4;
	v5 =	vadd.f32 v21, v5;
	v19 =	vld [tilespmem:s10+$0xFFFFFFE0]  }
0x1b6: {  	v7 =	vadd.f32 v16, v7;
	v8 =	vadd.f32 v17, v8;
	v16 =	vld [tilespmem:s10+$0xFFFFFFF0]  }
0x1b7: {  	v4 =	vadd.f32 v22, v4;
	v5 =	vadd.f32 v23, v5;
	v17 =	vld [tilespmem:s10+$0x20]  }
0x1b8: {  	v7 =	vadd.f32 v14, v7;
	v8 =	vadd.f32 v15, v8;
	v14 =	vld [tilespmem:s10+$0x30]  }
0x1b9: {  	v15 =	vadd.f32 v24, v4;
	v5 =	vadd.f32 v18, v5;
	v4 =	vld [tilespmem:s10+$0x60]  }
.Ltmp7:
0x1ba: {  	v11 =	vadd.f32 v11, v7;
	v8 =	vadd.f32 v13, v8;
	v7 =	vld [tilespmem:s10+$0x70];
	(pc) =	sbr.rel @p2 .LBB2_14-.Ltmp7, $4  }
0x1bb: {  	v13 =	vadd.f32 v19, v15;
	v15 =	vadd.f32 v16, v5;
	v5 =	vld [tilespmem:s10+$0xA0]  }
0x1bc: {  	v16 =	vadd.f32 v6, v11;
	v18 =	vadd.f32 v10, v8;
	v8 =	vld [tilespmem:s10+$0xB0]  }
0x1bd: {  	v11 =	vadd.f32 v17, v13;
	v10 =	vadd.f32 v14, v15;
	v6 =	vld [tilespmem:s10+$0xE0]  }
0x1be: {  	v13 =	vadd.f32 v12, v16;
	v12 =	vadd.f32 v9, v18;
	v9 =	vld [tilespmem:s10+$0xF0];
	s10 =	sadd.s32 $0x200, s10  }
0x1bf: {  	_ = 	snop  }
0x1c0: {  	v4 =	vadd.f32 v4, v11;
	v2 =	vadd.f32 v2, v13  }
0x1c1: {  	v7 =	vadd.f32 v7, v10;
	v3 =	vadd.f32 v3, v12  }
0x1c2: {  	s9 =	sshll.u32 s0, $0x8;
	v4 =	vadd.f32 v5, v4;
	v0 =	vadd.f32 v0, v2  }
0x1c3: {  	s9 =	sand.u32 $0x3FFFFF00, s9;
	v2 =	vadd.f32 v8, v7;
	v1 =	vadd.f32 v1, v3  }
0x1c4: {  	v3 =	vadd.f32 v6, v4;
	[tilespmem:s9+$0x1B080] =	vst v0  }
0x1c5: {  	v0 =	vadd.f32 v9, v2;
	[tilespmem:s9+$0x1B090] =	vst v1  }
0x1c6: {  	[tilespmem:s9+$0x1B0A0] =	vst v3  }
0x1c7: {  	s13 =	simm.s32 $0xFC70;
	[tilespmem:s9+$0x1B0B0] =	vst v0  }
0x1c8: {  	v0 =	vld [tilespmem:s13+$0xFFFFFFD0]  }
0x1c9: {  	v1 =	vld [tilespmem:s13+$0xFFFFFFE0]  }
0x1ca: {  	v2 =	vld [tilespmem:s13+$0xFFFFFF90]  }
0x1cb: {  	v3 =	vld [tilespmem:s13+$0xFFFFFFA0]  }
0x1cc: {  	v9 =	vld [tilespmem:s13+$0xFFFFFF50]  }
0x1cd: {  	v12 =	vld [tilespmem:s13+$0xFFFFFF60]  }
0x1ce: {  	v6 =	vld [tilespmem:s13+$0xFFFFFF10]  }
0x1cf: {  	v8 =	vld [tilespmem:s13+$0xFFFFFF20]  }
0x1d0: {  	v5 =	vld [tilespmem:s13+$0xFFFFFED0]  }
0x1d1: {  	v7 =	vld [tilespmem:s13+$0xFFFFFEE0]  }
0x1d2: {  	v4 =	vld [tilespmem:s13+$0xFFFFFE90]  }
0x1d3: {  	v10 =	vld [tilespmem:s13+$0xFFFFFEA0]  }
0x1d4: {  	v11 =	vld [tilespmem:s13+$0xFFFFFE50]  }
0x1d5: {  	v13 =	vld [tilespmem:s13+$0xFFFFFE60]  }
0x1d6: {  	v14 =	vld [tilespmem:s13+$0xFFFFFE10]  }
0x1d7: {  	v15 =	vld [tilespmem:s13+$0xFFFFFE20]  }
0x1d8: {  	v16 =	vld [tilespmem:s13+$0xFFFFFE30]  }
0x1d9: {  	v17 =	vld [tilespmem:s13+$0xFFFFFE40]  }
0x1da: {  	v18 =	vld [tilespmem:s13+$0xFFFFFE70]  }
0x1db: {  	v19 =	vld [tilespmem:s13+$0xFFFFFE80]  }
0x1dc: {  	v20 =	vimm.f32 $0.0e+00;
	v21 =	vld [tilespmem:s13+$0xFFFFFEB0]  }
0x1dd: {  	v22 =	vld [tilespmem:s13+$0xFFFFFEC0];
	v14 =	vadd.f32 v14, v20;
	v15 =	vadd.f32 v15, v20  }
0x1de: {  	v59 =	vld [tilespmem:s13+$0xFFFFFEF0];
	v16 =	vadd.f32 v16, v20;
	v17 =	vadd.f32 v17, v20  }
0x1df: {  	v11 =	vadd.f32 v11, v14;
	v13 =	vadd.f32 v13, v15;
	v14 =	vld [tilespmem:s13+$0xFFFFFF00]  }
0x1e0: {  	v61 =	vld [tilespmem:s13+$0xFFFFFF30];
	v15 =	vadd.f32 v18, v16;
	v60 =	vadd.f32 v19, v17  }
0x1e1: {  	v11 =	vadd.f32 v4, v11;
	v10 =	vadd.f32 v10, v13;
	v13 =	vld [tilespmem:s13+$0xFFFFFF40]  }
0x1e2: {  	v15 =	vadd.f32 v21, v15;
	v16 =	vadd.f32 v22, v60;
	v4 =	vld [tilespmem:s13+$0xFFFFFF70]  }
0x1e3: {  	v11 =	vadd.f32 v5, v11;
	v10 =	vadd.f32 v7, v10;
	v7 =	vld [tilespmem:s13+$0xFFFFFF80]  }
0x1e4: {  	v15 =	vadd.f32 v59, v15;
	v5 =	vld [tilespmem:s13+$0xFFFFFFB0];
	v14 =	vadd.f32 v14, v16  }
0x1e5: {  	v62 =	vadd.f32 v6, v11;
	v63 =	vadd.f32 v8, v10;
	v8 =	vld [tilespmem:s13+$0xFFFFFFC0]  }
0x1e6: {  	v11 =	vadd.f32 v61, v15;
	v6 =	vld [tilespmem:s13+$0xFFFFFFF0];
	v10 =	vadd.f32 v13, v14  }
0x1e7: {  	s10 =	simm.s32 $0x0;
	v13 =	vadd.f32 v9, v62;
	v12 =	vadd.f32 v12, v63;
	v9 =	vld [tilespmem:s13+$0x0];
	s13 =	simm.s32 $0xFE70  }
.LBB2_16:
0x1e8: {  	v14 =	vld [tilespmem:s13+$0xFFFFFFD0];
	v4 =	vadd.f32 v4, v11;
	v7 =	vadd.f32 v7, v10  }
0x1e9: {  	v10 =	vld [tilespmem:s13+$0xFFFFFFE0];
	v11 =	vadd.f32 v2, v13;
	v12 =	vadd.f32 v3, v12  }
0x1ea: {  	v2 =	vld [tilespmem:s13+$0xFFFFFF90];
	v4 =	vadd.f32 v5, v4;
	v5 =	vadd.f32 v8, v7  }
0x1eb: {  	v3 =	vld [tilespmem:s13+$0xFFFFFFA0];
	v7 =	vadd.f32 v0, v11;
	v8 =	vadd.f32 v1, v12  }
0x1ec: {  	v12 =	vld [tilespmem:s13+$0xFFFFFF50];
	v4 =	vadd.f32 v6, v4;
	v5 =	vadd.f32 v9, v5  }
0x1ed: {  	v9 =	vld [tilespmem:s13+$0xFFFFFF60];
	v0 =	vmov v14  }
0x1ee: {  	v6 =	vld [tilespmem:s13+$0xFFFFFF10];
	v1 =	vmov v10  }
0x1ef: {  	v10 =	vld [tilespmem:s13+$0xFFFFFF20]  }
0x1f0: {  	v11 =	vld [tilespmem:s13+$0xFFFFFED0]  }
0x1f1: {  	v13 =	vld [tilespmem:s13+$0xFFFFFEE0]  }
0x1f2: {  	v14 =	vld [tilespmem:s13+$0xFFFFFE90]  }
0x1f3: {  	v15 =	vld [tilespmem:s13+$0xFFFFFEA0]  }
0x1f4: {  	v16 =	vld [tilespmem:s13+$0xFFFFFE50]  }
0x1f5: {  	v17 =	vld [tilespmem:s13+$0xFFFFFE60]  }
0x1f6: {  	v18 =	vld [tilespmem:s13+$0xFFFFFE10]  }
0x1f7: {  	v19 =	vld [tilespmem:s13+$0xFFFFFE20]  }
0x1f8: {  	v20 =	vld [tilespmem:s13+$0xFFFFFE30]  }
0x1f9: {  	s10 =	sadd.s32 $0x8, s10;
	v21 =	vld [tilespmem:s13+$0xFFFFFE40]  }
0x1fa: {  	p2 =	slt.u32 s10, $0xC0;
	v22 =	vld [tilespmem:s13+$0xFFFFFE70]  }
0x1fb: {  	v23 =	vld [tilespmem:s13+$0xFFFFFE80]  }
0x1fc: {  	v24 =	vld [tilespmem:s13+$0xFFFFFEB0]  }
0x1fd: {  	v7 =	vadd.f32 v18, v7;
	v8 =	vadd.f32 v19, v8;
	v18 =	vld [tilespmem:s13+$0xFFFFFEC0]  }
0x1fe: {  	v4 =	vadd.f32 v20, v4;
	v5 =	vadd.f32 v21, v5;
	v19 =	vld [tilespmem:s13+$0xFFFFFEF0]  }
0x1ff: {  	v7 =	vadd.f32 v16, v7;
	v8 =	vadd.f32 v17, v8;
	v16 =	vld [tilespmem:s13+$0xFFFFFF00]  }
0x200: {  	v4 =	vadd.f32 v22, v4;
	v5 =	vadd.f32 v23, v5;
	v17 =	vld [tilespmem:s13+$0xFFFFFF30]  }
0x201: {  	v7 =	vadd.f32 v14, v7;
	v8 =	vadd.f32 v15, v8;
	v14 =	vld [tilespmem:s13+$0xFFFFFF40]  }
0x202: {  	v15 =	vadd.f32 v24, v4;
	v5 =	vadd.f32 v18, v5;
	v4 =	vld [tilespmem:s13+$0xFFFFFF70]  }
.Ltmp8:
0x203: {  	v11 =	vadd.f32 v11, v7;
	v8 =	vadd.f32 v13, v8;
	v7 =	vld [tilespmem:s13+$0xFFFFFF80];
	(pc) =	sbr.rel @p2 .LBB2_16-.Ltmp8, $4  }
0x204: {  	v13 =	vadd.f32 v19, v15;
	v15 =	vadd.f32 v16, v5;
	v5 =	vld [tilespmem:s13+$0xFFFFFFB0]  }
0x205: {  	v16 =	vadd.f32 v6, v11;
	v18 =	vadd.f32 v10, v8;
	v8 =	vld [tilespmem:s13+$0xFFFFFFC0]  }
0x206: {  	v11 =	vadd.f32 v17, v13;
	v10 =	vadd.f32 v14, v15;
	v6 =	vld [tilespmem:s13+$0xFFFFFFF0]  }
0x207: {  	v13 =	vadd.f32 v12, v16;
	v12 =	vadd.f32 v9, v18;
	v9 =	vld [tilespmem:s13+$0x0];
	s13 =	sadd.s32 $0x200, s13  }
0x208: {  	_ = 	snop  }
0x209: {  	v4 =	vadd.f32 v4, v11;
	v2 =	vadd.f32 v2, v13  }
0x20a: {  	v7 =	vadd.f32 v7, v10;
	v3 =	vadd.f32 v3, v12  }
0x20b: {  	v4 =	vadd.f32 v5, v4;
	v0 =	vadd.f32 v0, v2  }
0x20c: {  	s10 =	sadd.s32 $0x2, s17;
	p2 =	seq.s32 s0, $0x1F;
	v2 =	vadd.f32 v8, v7;
	v1 =	vadd.f32 v1, v3  }
0x20d: {  	s13 =	smul.u32 @!p2 $0x640, s10;
	v3 =	vadd.f32 v6, v4;
	[tilespmem:s9+$0x1B0C0] =	vst v0  }
0x20e: {  	v0 =	vadd.f32 v9, v2;
	[tilespmem:s9+$0x1B0D0] =	vst v1  }
0x20f: {  	s17 =	simm.s32 @!p2 $0xC880;
	s13 =	sshra.s32 @!p2 s13, $0x2;
	[tilespmem:s9+$0x1B0E0] =	vst v3  }
0x210: {  	p6 =	sne.s32 s10, $0x40;
	[tilespmem:s9+$0x1B0F0] =	vst v0;
	s9 =	sadd.s32 @!p2 $0x6400, s13;
	s13 =	simm.s32 @!p2 $0x190  }
0x211: {  	[tilespmem:s17], [sflag:$0x1] =	stream.indirect.gather @!p2 [hbm4b:s6+s13], $0x40, s9, s13, $0xb8;
	[tilespmem:$0x1F080] =	vst v63  }
0x212: {  	p2 =	por p1, p6  }
0x213: {  	s9 =	simm.s32 @!p2 $0x4  }
0x214: {  	_ =	swait.ge @!p2 [sflag:s9], $0x6400  }
0x215: {  	s10 =	simm.s32 @!p2 $0x0;
	[sflag:s9] =	ssyncset.done @!p2 $0x0  }
0x216: {  	s13 =	simm.s32 @!p2 $0xC880;
	[sflag:s9] =	ssyncadd.s32 @!p2 $0xFFFF9C00;
	s9 =	simm.s32 @!p2 $0x190  }
0x217: {  	[tilespmem:s13], [sflag:$0x1] =	stream.indirect.gather @!p2 [hbm4b:s6+s9], $0x40, s10, s9, $0xb8;
	[tilespmem:$0x1F080] =	vst v63  }
0x218: {  	_ =	swait.ge [sflag:s23], $0x6400  }
0x219: {  	[sflag:s23] =	ssyncset.done $0x0  }
0x21a: {  	s17 =	simm.s32 $0x12D80;
	[sflag:s23] =	ssyncadd.s32 $0xFFFF9C00  }
0x21b: {  	v0 =	vld [tilespmem:s17+$0xC0]  }
0x21c: {  	v1 =	vld [tilespmem:s17+$0xD0]  }
0x21d: {  	v2 =	vld [tilespmem:s17+$0x80]  }
0x21e: {  	v3 =	vld [tilespmem:s17+$0x90]  }
0x21f: {  	v9 =	vld [tilespmem:s17+$0x40]  }
0x220: {  	v12 =	vld [tilespmem:s17+$0x50]  }
0x221: {  	v6 =	vld [tilespmem:s17+$0x0]  }
0x222: {  	v8 =	vld [tilespmem:s17+$0x10]  }
0x223: {  	v5 =	vld [tilespmem:s17+$0xFFFFFFC0]  }
0x224: {  	v7 =	vld [tilespmem:s17+$0xFFFFFFD0]  }
0x225: {  	v4 =	vld [tilespmem:s17+$0xFFFFFF80]  }
0x226: {  	v10 =	vld [tilespmem:s17+$0xFFFFFF90]  }
0x227: {  	v11 =	vld [tilespmem:s17+$0xFFFFFF40]  }
0x228: {  	v13 =	vld [tilespmem:s17+$0xFFFFFF50]  }
0x229: {  	v14 =	vld [tilespmem:s17+$0xFFFFFF00]  }
0x22a: {  	v15 =	vld [tilespmem:s17+$0xFFFFFF10]  }
0x22b: {  	v16 =	vld [tilespmem:s17+$0xFFFFFF20]  }
0x22c: {  	v17 =	vld [tilespmem:s17+$0xFFFFFF30]  }
0x22d: {  	v18 =	vld [tilespmem:s17+$0xFFFFFF60]  }
0x22e: {  	v19 =	vld [tilespmem:s17+$0xFFFFFF70]  }
0x22f: {  	v20 =	vimm.f32 $0.0e+00;
	v21 =	vld [tilespmem:s17+$0xFFFFFFA0]  }
0x230: {  	v22 =	vld [tilespmem:s17+$0xFFFFFFB0];
	v14 =	vadd.f32 v14, v20;
	v15 =	vadd.f32 v15, v20  }
0x231: {  	v59 =	vld [tilespmem:s17+$0xFFFFFFE0];
	v16 =	vadd.f32 v16, v20;
	v17 =	vadd.f32 v17, v20  }
0x232: {  	v11 =	vadd.f32 v11, v14;
	v13 =	vadd.f32 v13, v15;
	v14 =	vld [tilespmem:s17+$0xFFFFFFF0]  }
0x233: {  	v61 =	vld [tilespmem:s17+$0x20];
	v15 =	vadd.f32 v18, v16;
	v60 =	vadd.f32 v19, v17  }
0x234: {  	v11 =	vadd.f32 v4, v11;
	v10 =	vadd.f32 v10, v13;
	v13 =	vld [tilespmem:s17+$0x30]  }
0x235: {  	v15 =	vadd.f32 v21, v15;
	v16 =	vadd.f32 v22, v60;
	v4 =	vld [tilespmem:s17+$0x60]  }
0x236: {  	v11 =	vadd.f32 v5, v11;
	v10 =	vadd.f32 v7, v10;
	v7 =	vld [tilespmem:s17+$0x70]  }
0x237: {  	v15 =	vadd.f32 v59, v15;
	v5 =	vld [tilespmem:s17+$0xA0];
	v14 =	vadd.f32 v14, v16  }
0x238: {  	v62 =	vadd.f32 v6, v11;
	v63 =	vadd.f32 v8, v10;
	v8 =	vld [tilespmem:s17+$0xB0]  }
0x239: {  	v11 =	vadd.f32 v61, v15;
	v6 =	vld [tilespmem:s17+$0xE0];
	v10 =	vadd.f32 v13, v14  }
0x23a: {  	s9 =	simm.s32 $0x0;
	s10 =	simm.s32 $0x12F80;
	v13 =	vadd.f32 v9, v62;
	v12 =	vadd.f32 v12, v63;
	v9 =	vld [tilespmem:s17+$0xF0]  }
.LBB2_18:
0x23b: {  	v14 =	vld [tilespmem:s10+$0xC0];
	v4 =	vadd.f32 v4, v11;
	v7 =	vadd.f32 v7, v10  }
0x23c: {  	v10 =	vld [tilespmem:s10+$0xD0];
	v11 =	vadd.f32 v2, v13;
	v12 =	vadd.f32 v3, v12  }
0x23d: {  	v2 =	vld [tilespmem:s10+$0x80];
	v4 =	vadd.f32 v5, v4;
	v5 =	vadd.f32 v8, v7  }
0x23e: {  	v3 =	vld [tilespmem:s10+$0x90];
	v7 =	vadd.f32 v0, v11;
	v8 =	vadd.f32 v1, v12  }
0x23f: {  	v12 =	vld [tilespmem:s10+$0x40];
	v4 =	vadd.f32 v6, v4;
	v5 =	vadd.f32 v9, v5  }
0x240: {  	v9 =	vld [tilespmem:s10+$0x50];
	v0 =	vmov v14  }
0x241: {  	v6 =	vld [tilespmem:s10+$0x0];
	v1 =	vmov v10  }
0x242: {  	v10 =	vld [tilespmem:s10+$0x10]  }
0x243: {  	v11 =	vld [tilespmem:s10+$0xFFFFFFC0]  }
0x244: {  	v13 =	vld [tilespmem:s10+$0xFFFFFFD0]  }
0x245: {  	v14 =	vld [tilespmem:s10+$0xFFFFFF80]  }
0x246: {  	v15 =	vld [tilespmem:s10+$0xFFFFFF90]  }
0x247: {  	v16 =	vld [tilespmem:s10+$0xFFFFFF40]  }
0x248: {  	v17 =	vld [tilespmem:s10+$0xFFFFFF50]  }
0x249: {  	v18 =	vld [tilespmem:s10+$0xFFFFFF00]  }
0x24a: {  	v19 =	vld [tilespmem:s10+$0xFFFFFF10]  }
0x24b: {  	v20 =	vld [tilespmem:s10+$0xFFFFFF20]  }
0x24c: {  	s9 =	sadd.s32 $0x8, s9;
	v21 =	vld [tilespmem:s10+$0xFFFFFF30]  }
0x24d: {  	p2 =	slt.u32 s9, $0xC0;
	v22 =	vld [tilespmem:s10+$0xFFFFFF60]  }
0x24e: {  	v23 =	vld [tilespmem:s10+$0xFFFFFF70]  }
0x24f: {  	v24 =	vld [tilespmem:s10+$0xFFFFFFA0]  }
0x250: {  	v7 =	vadd.f32 v18, v7;
	v8 =	vadd.f32 v19, v8;
	v18 =	vld [tilespmem:s10+$0xFFFFFFB0]  }
0x251: {  	v4 =	vadd.f32 v20, v4;
	v5 =	vadd.f32 v21, v5;
	v19 =	vld [tilespmem:s10+$0xFFFFFFE0]  }
0x252: {  	v7 =	vadd.f32 v16, v7;
	v8 =	vadd.f32 v17, v8;
	v16 =	vld [tilespmem:s10+$0xFFFFFFF0]  }
0x253: {  	v4 =	vadd.f32 v22, v4;
	v5 =	vadd.f32 v23, v5;
	v17 =	vld [tilespmem:s10+$0x20]  }
0x254: {  	v7 =	vadd.f32 v14, v7;
	v8 =	vadd.f32 v15, v8;
	v14 =	vld [tilespmem:s10+$0x30]  }
0x255: {  	v15 =	vadd.f32 v24, v4;
	v5 =	vadd.f32 v18, v5;
	v4 =	vld [tilespmem:s10+$0x60]  }
.Ltmp9:
0x256: {  	v11 =	vadd.f32 v11, v7;
	v8 =	vadd.f32 v13, v8;
	v7 =	vld [tilespmem:s10+$0x70];
	(pc) =	sbr.rel @p2 .LBB2_18-.Ltmp9, $4  }
0x257: {  	v13 =	vadd.f32 v19, v15;
	v15 =	vadd.f32 v16, v5;
	v5 =	vld [tilespmem:s10+$0xA0]  }
0x258: {  	v16 =	vadd.f32 v6, v11;
	v18 =	vadd.f32 v10, v8;
	v8 =	vld [tilespmem:s10+$0xB0]  }
0x259: {  	v11 =	vadd.f32 v17, v13;
	v10 =	vadd.f32 v14, v15;
	v6 =	vld [tilespmem:s10+$0xE0]  }
0x25a: {  	v13 =	vadd.f32 v12, v16;
	v12 =	vadd.f32 v9, v18;
	v9 =	vld [tilespmem:s10+$0xF0];
	s10 =	sadd.s32 $0x200, s10  }
0x25b: {  	_ = 	snop  }
0x25c: {  	v4 =	vadd.f32 v4, v11;
	v2 =	vadd.f32 v2, v13  }
0x25d: {  	v7 =	vadd.f32 v7, v10;
	v3 =	vadd.f32 v3, v12  }
0x25e: {  	s2 =	sshll.u32 s2, $0x7;
	v4 =	vadd.f32 v5, v4;
	v0 =	vadd.f32 v0, v2  }
0x25f: {  	s2 =	sand.u32 $0x3FFFFF80, s2;
	v2 =	vadd.f32 v8, v7;
	v1 =	vadd.f32 v1, v3  }
0x260: {  	v3 =	vadd.f32 v6, v4;
	[tilespmem:s2+$0x1B080] =	vst v0  }
0x261: {  	v0 =	vadd.f32 v9, v2;
	[tilespmem:s2+$0x1B090] =	vst v1  }
0x262: {  	[tilespmem:s2+$0x1B0A0] =	vst v3  }
0x263: {  	s10 =	simm.s32 $0x16070;
	[tilespmem:s2+$0x1B0B0] =	vst v0  }
0x264: {  	v0 =	vld [tilespmem:s10+$0xFFFFFFD0]  }
0x265: {  	v1 =	vld [tilespmem:s10+$0xFFFFFFE0]  }
0x266: {  	v2 =	vld [tilespmem:s10+$0xFFFFFF90]  }
0x267: {  	v3 =	vld [tilespmem:s10+$0xFFFFFFA0]  }
0x268: {  	v9 =	vld [tilespmem:s10+$0xFFFFFF50]  }
0x269: {  	v12 =	vld [tilespmem:s10+$0xFFFFFF60]  }
0x26a: {  	v7 =	vld [tilespmem:s10+$0xFFFFFF10]  }
0x26b: {  	v8 =	vld [tilespmem:s10+$0xFFFFFF20]  }
0x26c: {  	v5 =	vld [tilespmem:s10+$0xFFFFFED0]  }
0x26d: {  	v6 =	vld [tilespmem:s10+$0xFFFFFEE0]  }
0x26e: {  	v4 =	vld [tilespmem:s10+$0xFFFFFE90]  }
0x26f: {  	v10 =	vld [tilespmem:s10+$0xFFFFFEA0]  }
0x270: {  	v11 =	vld [tilespmem:s10+$0xFFFFFE50]  }
0x271: {  	v13 =	vld [tilespmem:s10+$0xFFFFFE60]  }
0x272: {  	v14 =	vld [tilespmem:s10+$0xFFFFFE10]  }
0x273: {  	v15 =	vld [tilespmem:s10+$0xFFFFFE20]  }
0x274: {  	v16 =	vld [tilespmem:s10+$0xFFFFFE30]  }
0x275: {  	v17 =	vld [tilespmem:s10+$0xFFFFFE40]  }
0x276: {  	v18 =	vld [tilespmem:s10+$0xFFFFFE70]  }
0x277: {  	v19 =	vld [tilespmem:s10+$0xFFFFFE80]  }
0x278: {  	v20 =	vimm.f32 $0.0e+00;
	v21 =	vld [tilespmem:s10+$0xFFFFFEB0]  }
0x279: {  	v22 =	vld [tilespmem:s10+$0xFFFFFEC0];
	v14 =	vadd.f32 v14, v20;
	v15 =	vadd.f32 v15, v20  }
0x27a: {  	v59 =	vld [tilespmem:s10+$0xFFFFFEF0];
	v16 =	vadd.f32 v16, v20;
	v17 =	vadd.f32 v17, v20  }
0x27b: {  	v11 =	vadd.f32 v11, v14;
	v13 =	vadd.f32 v13, v15;
	v14 =	vld [tilespmem:s10+$0xFFFFFF00]  }
0x27c: {  	v61 =	vld [tilespmem:s10+$0xFFFFFF30];
	v15 =	vadd.f32 v18, v16;
	v60 =	vadd.f32 v19, v17  }
0x27d: {  	v11 =	vadd.f32 v4, v11;
	v10 =	vadd.f32 v10, v13;
	v13 =	vld [tilespmem:s10+$0xFFFFFF40]  }
0x27e: {  	v15 =	vadd.f32 v21, v15;
	v16 =	vadd.f32 v22, v60;
	v4 =	vld [tilespmem:s10+$0xFFFFFF70]  }
0x27f: {  	v11 =	vadd.f32 v5, v11;
	v10 =	vadd.f32 v6, v10;
	v6 =	vld [tilespmem:s10+$0xFFFFFF80]  }
0x280: {  	v15 =	vadd.f32 v59, v15;
	v5 =	vld [tilespmem:s10+$0xFFFFFFB0];
	v14 =	vadd.f32 v14, v16  }
0x281: {  	v62 =	vadd.f32 v7, v11;
	v63 =	vadd.f32 v8, v10;
	v8 =	vld [tilespmem:s10+$0xFFFFFFC0]  }
0x282: {  	v11 =	vadd.f32 v61, v15;
	v7 =	vld [tilespmem:s10+$0xFFFFFFF0];
	v10 =	vadd.f32 v13, v14  }
0x283: {  	s9 =	simm.s32 $0x0;
	v13 =	vadd.f32 v9, v62;
	v12 =	vadd.f32 v12, v63;
	v9 =	vld [tilespmem:s10+$0x0];
	s10 =	simm.s32 $0x16270  }
.LBB2_20:
0x284: {  	v14 =	vld [tilespmem:s10+$0xFFFFFFD0];
	v4 =	vadd.f32 v4, v11;
	v6 =	vadd.f32 v6, v10  }
0x285: {  	v10 =	vld [tilespmem:s10+$0xFFFFFFE0];
	v11 =	vadd.f32 v2, v13;
	v12 =	vadd.f32 v3, v12  }
0x286: {  	v2 =	vld [tilespmem:s10+$0xFFFFFF90];
	v4 =	vadd.f32 v5, v4;
	v5 =	vadd.f32 v8, v6  }
0x287: {  	v3 =	vld [tilespmem:s10+$0xFFFFFFA0];
	v6 =	vadd.f32 v0, v11;
	v8 =	vadd.f32 v1, v12  }
0x288: {  	v12 =	vld [tilespmem:s10+$0xFFFFFF50];
	v4 =	vadd.f32 v7, v4;
	v5 =	vadd.f32 v9, v5  }
0x289: {  	v9 =	vld [tilespmem:s10+$0xFFFFFF60];
	v0 =	vmov v14  }
0x28a: {  	v7 =	vld [tilespmem:s10+$0xFFFFFF10];
	v1 =	vmov v10  }
0x28b: {  	v10 =	vld [tilespmem:s10+$0xFFFFFF20]  }
0x28c: {  	v11 =	vld [tilespmem:s10+$0xFFFFFED0]  }
0x28d: {  	v13 =	vld [tilespmem:s10+$0xFFFFFEE0]  }
0x28e: {  	v14 =	vld [tilespmem:s10+$0xFFFFFE90]  }
0x28f: {  	v15 =	vld [tilespmem:s10+$0xFFFFFEA0]  }
0x290: {  	v16 =	vld [tilespmem:s10+$0xFFFFFE50]  }
0x291: {  	v17 =	vld [tilespmem:s10+$0xFFFFFE60]  }
0x292: {  	v18 =	vld [tilespmem:s10+$0xFFFFFE10]  }
0x293: {  	v19 =	vld [tilespmem:s10+$0xFFFFFE20]  }
0x294: {  	v20 =	vld [tilespmem:s10+$0xFFFFFE30]  }
0x295: {  	s9 =	sadd.s32 $0x8, s9;
	v21 =	vld [tilespmem:s10+$0xFFFFFE40]  }
0x296: {  	p2 =	slt.u32 s9, $0xC0;
	v22 =	vld [tilespmem:s10+$0xFFFFFE70]  }
0x297: {  	v23 =	vld [tilespmem:s10+$0xFFFFFE80]  }
0x298: {  	v24 =	vld [tilespmem:s10+$0xFFFFFEB0]  }
0x299: {  	v6 =	vadd.f32 v18, v6;
	v8 =	vadd.f32 v19, v8;
	v18 =	vld [tilespmem:s10+$0xFFFFFEC0]  }
0x29a: {  	v4 =	vadd.f32 v20, v4;
	v5 =	vadd.f32 v21, v5;
	v19 =	vld [tilespmem:s10+$0xFFFFFEF0]  }
0x29b: {  	v6 =	vadd.f32 v16, v6;
	v8 =	vadd.f32 v17, v8;
	v16 =	vld [tilespmem:s10+$0xFFFFFF00]  }
0x29c: {  	v4 =	vadd.f32 v22, v4;
	v5 =	vadd.f32 v23, v5;
	v17 =	vld [tilespmem:s10+$0xFFFFFF30]  }
0x29d: {  	v6 =	vadd.f32 v14, v6;
	v8 =	vadd.f32 v15, v8;
	v14 =	vld [tilespmem:s10+$0xFFFFFF40]  }
0x29e: {  	v15 =	vadd.f32 v24, v4;
	v5 =	vadd.f32 v18, v5;
	v4 =	vld [tilespmem:s10+$0xFFFFFF70]  }
.Ltmp10:
0x29f: {  	v11 =	vadd.f32 v11, v6;
	v8 =	vadd.f32 v13, v8;
	v6 =	vld [tilespmem:s10+$0xFFFFFF80];
	(pc) =	sbr.rel @p2 .LBB2_20-.Ltmp10, $4  }
0x2a0: {  	v13 =	vadd.f32 v19, v15;
	v15 =	vadd.f32 v16, v5;
	v5 =	vld [tilespmem:s10+$0xFFFFFFB0]  }
0x2a1: {  	v16 =	vadd.f32 v7, v11;
	v18 =	vadd.f32 v10, v8;
	v8 =	vld [tilespmem:s10+$0xFFFFFFC0]  }
0x2a2: {  	v11 =	vadd.f32 v17, v13;
	v10 =	vadd.f32 v14, v15;
	v7 =	vld [tilespmem:s10+$0xFFFFFFF0]  }
0x2a3: {  	v13 =	vadd.f32 v12, v16;
	v12 =	vadd.f32 v9, v18;
	v9 =	vld [tilespmem:s10+$0x0];
	s10 =	sadd.s32 $0x200, s10  }
0x2a4: {  	_ = 	snop  }
0x2a5: {  	v4 =	vadd.f32 v4, v11;
	v2 =	vadd.f32 v2, v13  }
0x2a6: {  	v6 =	vadd.f32 v6, v10;
	s0 =	sadd.s32 $0x1, s0;
	v3 =	vadd.f32 v3, v12  }
0x2a7: {  	p2 =	sne.s32 s0, $0x20;
	v4 =	vadd.f32 v5, v4;
	v0 =	vadd.f32 v0, v2  }
.Ltmp11:
0x2a8: {  	v61 =	vadd.f32 v8, v6;
	v1 =	vadd.f32 v1, v3;
	(pc) =	sbr.rel @p2 .LBB2_13-.Ltmp11, $4  }
0x2a9: {  	v62 =	vadd.f32 v7, v4;
	[tilespmem:s2+$0x1B0C0] =	vst v0  }
0x2aa: {  	v63 =	vadd.f32 v9, v61;
	[tilespmem:s2+$0x1B0D0] =	vst v1  }
0x2ab: {  	[tilespmem:s2+$0x1B0E0] =	vst v62  }
0x2ac: {  	[tilespmem:s2+$0x1B0F0] =	vst v63  }
0x2ad: {  	s0 =	sshll.u32 s31, $0x3  }
0x2ae: {  	s0 =	sand.u32 $0x1FFFFC00, s0  }
0x2af: {  	s2 =	sadd.s32 s4, s0  }
0x2b0: {  	[hbm4b:s2+s5] =	stream.linear.scatter [tilespmem:s26], [sflag:$0x7], $0x2000, $0x38;
	[tilespmem:$0x1F080] =	vst v63  }
0x2b1: {  	_ =	swait.ge [sflag:s25], $0x2000  }
0x2b2: {  	[sflag:s25] =	ssyncset.done $0x0  }
.Ltmp12:
0x2b3: {  	s0 =	sadd.s32 s7, s0;
	[sflag:s25] =	ssyncadd.s32 $0xFFFFE000;
	(pc) =	sbr.rel @!p0 .LBB2_24-.Ltmp12, $4  }
0x2b4: {  	[hbm4b:s0+s5] =	stream.linear.scatter [tilespmem:s20], [sflag:$0x8], $0x2000, $0x38;
	[tilespmem:$0x1F080] =	vst v63  }
0x2b5: {  	_ =	swait.ge [sflag:s14], $0x2000  }
0x2b6: {  	[sflag:s14] =	ssyncset.done $0x0  }
0x2b7: {  	[sflag:s14] =	ssyncadd.s32 $0xFFFFE000  }
.Ltmp13:
0x2b8: {  	(pc) =	sbr.rel .LBB2_2-.Ltmp13, $3  }
0x2b9: {  	_ =	sdelay $0x1  }
0x2ba: {  	[tilespmem:s15], [sflag:$0x5] =	stream.linear.gather [hbm4b:s12+s5], $0x6400, $0x38;
	[tilespmem:$0x1F080] =	vst v63  }
0x2bb: {  	s0 =	simm.s32 $0x100;
	p0 =	por $0x0, $0x0  }
.LBB2_25:
0x2bc: {  	_ =	sfence.sel $0x180000  }
0x2bd: {  	[bflag:$0x0] =	sbarrier.arrive $0xFFFF  }
0x2be: {  	_ =	strace $0x90000047  }
0x2bf: {  	s0 =	stileid.u32;
	[bflag:$0x2] =	sbarrier.arrive $0xFFFF  }
0x2c0: {  	p0 =	sne.s32 s0, $0x0;
	s0 =	rddreg [dreg:$0x4]  }
0x2c1: {  	s0 =	sadd.s32 @!p0 $0x100000, s0  }
0x2c2: {  	[sflag:s0] =	ssyncadd.tile.s32 @!p0 $0x1;
	_ =	shalt  }
.Lfunc_end2:
_tile_overlayer_lowered:
.L_overlay_start_2:
0x2c3: {  	(tag) =	ssettag $0x2  }
0x2c4: {  	s0 =	rddreg [dreg:$0x0];
	s2 =	stileid.u32  }
0x2c5: {  	s1 =	rddreg [dreg:$0x1];
	p0 =	sne.s32 s2, $0x0  }
0x2c6: {  	s3 =	rddreg [dreg:$0x2];
	[bflag:$0x3] =	sbarrier.arrive $0xFFFF;
	s2 =	simm.s32 @!p0 $0x1C08  }
0x2c7: {  	[timem:s3], [sflag:s2] =	dma.local @!p0 [hbm:s0], s1  }
0x2c8: {  	s0 =	simm.s32 @!p0 $0x8  }
0x2c9: {  	_ =	swait.ge @!p0 [sflag:s0], s1  }
0x2ca: {  	s1 =	ssub.s32 @!p0 $0x0, s1;
	[sflag:s0] =	ssyncset.done @!p0 $0x0  }
0x2cb: {  	[sflag:s0] =	ssyncadd.s32 @!p0 s1  }
0x2cc: {  	[bflag:$0x3] =	sbarrier.arrive $0xFFFF  }
0x2cd: {  	_ =	shalt  }

</sc_bundles>
